<compile_context>
chip_gen: v7x
topology: tpu7x:2x2x1
jax: 0.10.2.dev20260603
libtpu: 0.0.44.dev20260713+nightly
codegen_flags: <defaults>
</compile_context>

<pallas_src>
import jax
import jax.numpy as jnp
from jax import lax
from jax.experimental import pallas as pl
from jax.experimental.pallas import tpu as pltpu
from jax.experimental.pallas import tpu_sc as plsc

N = 10000
E = 320000
D = 128
G = 64
OUT = 62

NC = 2
NS = 16
NW = NC * NS

N_PAD = 10240
E_PAD = 327680
CH = 128
NCHUNK0 = 152
NCHUNK1 = 8
EW0 = NCHUNK0 * CH
EW1 = NCHUNK1 * CH
E0 = NS * EW0
assert NS * (EW0 + EW1) == E_PAD
ROWS_PER_TILE = N_PAD // NS

BLK = 512
NBLK = N_PAD // BLK


def _sc_segsum_body(feat, src, dst, out, acc, zbuf,
                    s0, s1, d0, d1, r0, r1, sem0, sem1):
  c = lax.axis_index("c")
  s = lax.axis_index("s")
  base = jnp.where(c == 0, s * EW0, E0 + s * EW1)
  nch = jnp.where(c == 0, NCHUNK0, NCHUNK1)

  @pl.loop(0, 64)
  def _zr(i):
    @pl.loop(0, 8)
    def _zc(j):
      zbuf[i, pl.ds(j * 16, 16)] = jnp.zeros((16,), jnp.float32)

  @pl.loop(0, ROWS_PER_TILE // 64)
  def _za(k):
    pltpu.sync_copy(zbuf, acc.at[pl.ds(s * ROWS_PER_TILE + k * 64, 64)])

  plsc.subcore_barrier()

  pltpu.sync_copy(src.at[pl.ds(base, CH)], s0)
  pltpu.async_copy(feat.at[s0], r0, sem0)

  @pl.loop(0, nch, step=2)
  def _edges(j):
    pltpu.sync_copy(src.at[pl.ds(base + (j + 1) * CH, CH)], s1)
    pltpu.async_copy(feat.at[s1], r1, sem1)
    pltpu.make_async_copy(feat.at[s0], r0, sem0).wait()
    pltpu.sync_copy(dst.at[pl.ds(base + j * CH, CH)], d0)
    pltpu.sync_copy(r0, acc.at[d0], add=True)

    @pl.when(j + 2 < nch)
    def _pf():
      pltpu.sync_copy(src.at[pl.ds(base + (j + 2) * CH, CH)], s0)
      pltpu.async_copy(feat.at[s0], r0, sem0)

    pltpu.make_async_copy(feat.at[s1], r1, sem1).wait()
    pltpu.sync_copy(dst.at[pl.ds(base + (j + 1) * CH, CH)], d1)
    pltpu.sync_copy(r1, acc.at[d1], add=True)

  plsc.subcore_barrier()

  pltpu.sync_copy(acc.at[pl.ds(s * ROWS_PER_TILE, ROWS_PER_TILE)],
                  out.at[c, pl.ds(s * ROWS_PER_TILE, ROWS_PER_TILE)])


_sc_segsum = pl.kernel(
    _sc_segsum_body,
    out_type=jax.ShapeDtypeStruct((NC, N_PAD, D), jnp.float32),
    mesh=plsc.VectorSubcoreMesh(core_axis_name="c", subcore_axis_name="s",
                                num_cores=NC, num_subcores=NS),
    scratch_types=[
        pltpu.VMEM_SHARED((N_PAD, D), jnp.float32),
        pltpu.VMEM((64, D), jnp.float32),
        pltpu.VMEM((CH,), jnp.int32),
        pltpu.VMEM((CH,), jnp.int32),
        pltpu.VMEM((CH,), jnp.int32),
        pltpu.VMEM((CH,), jnp.int32),
        pltpu.VMEM((CH, D), jnp.float32),
        pltpu.VMEM((CH, D), jnp.float32),
        pltpu.SemaphoreType.DMA,
        pltpu.SemaphoreType.DMA,
    ],
)


def _l1_body(aggp, x, w1r, w1s, b1, o):
  agg = aggp[0] + aggp[1]
  h = (jnp.dot(agg, w1r[...], preferred_element_type=jnp.float32)
       + jnp.dot(x[...], w1s[...], preferred_element_type=jnp.float32)
       + b1[...])
  o[...] = jnp.maximum(h, 0.0)


def _l2_body(aggp, h1, w2r, w2s, b2, w3r, h2_o, m3_o):
  agg = aggp[0] + aggp[1]
  h2 = (jnp.dot(agg, w2r[...], preferred_element_type=jnp.float32)
        + jnp.dot(h1[...], w2s[...], preferred_element_type=jnp.float32)
        + b2[...])
  h2 = jnp.maximum(h2, 0.0)
  h2_o[...] = h2
  m3_o[...] = jnp.dot(h2, w3r[...], preferred_element_type=jnp.float32)


def _l3_body(aggp, h2, w3s, b3, batch, wfc, bfc, o, sum_scr, cnt_scr):
  i = pl.program_id(0)
  h3 = (aggp[0] + aggp[1]
        + jnp.dot(h2[...], w3s[...], preferred_element_type=jnp.float32)
        + b3[...])
  h3 = jnp.maximum(h3, 0.0)
  b = batch[...].reshape(1, BLK)
  onehot = (lax.broadcasted_iota(jnp.int32, (G, BLK), 0) == b
            ).astype(jnp.float32)
  contrib = jnp.dot(onehot, h3, preferred_element_type=jnp.float32)
  cnt = jnp.sum(onehot, axis=1, keepdims=True)

  @pl.when(i == 0)
  def _init():
    sum_scr[...] = contrib
    cnt_scr[...] = cnt

  @pl.when(i > 0)
  def _accum():
    sum_scr[...] += contrib
    cnt_scr[...] += cnt

  @pl.when(i == NBLK - 1)
  def _fin():
    pooled = sum_scr[...] / jnp.maximum(cnt_scr[...], 1.0)
    out = (jnp.dot(pooled, wfc[...], preferred_element_type=jnp.float32)
           + bfc[...])
    o[...] = jnp.maximum(out, 0.0)


def _full_spec(shape):
  return pl.BlockSpec(shape, lambda i: tuple(0 for _ in shape))


def kernel(x, edge_index, batch, W1r, b1, W1s, W2r, b2, W2s, W3r, b3, W3s,
           Wfc, bfc):
  f32 = jnp.float32
  src = edge_index[0]
  dst = edge_index[1]

  x_pad = jnp.zeros((N_PAD, D), f32).at[:N].set(x)
  src_pad = jnp.zeros((E_PAD,), jnp.int32).at[:E].set(src)
  dst_pad = jnp.full((E_PAD,), N_PAD - 1, jnp.int32).at[:E].set(dst)
  batch_pad = jnp.full((N_PAD,), G, jnp.int32).at[:N].set(batch)
  batch3 = batch_pad.reshape(NBLK, 1, BLK)

  b1r = b1.reshape(1, D)
  b2r = b2.reshape(1, 256)
  b3r = b3.reshape(1, D)
  bfcr = bfc.reshape(1, OUT)

  agg1 = _sc_segsum(x_pad, src_pad, dst_pad)
  h1 = pl.pallas_call(
      _l1_body,
      grid=(NBLK,),
      in_specs=[
          pl.BlockSpec((NC, BLK, D), lambda i: (0, i, 0)),
          pl.BlockSpec((BLK, D), lambda i: (i, 0)),
          _full_spec((D, D)),
          _full_spec((D, D)),
          _full_spec((1, D)),
      ],
      out_specs=pl.BlockSpec((BLK, D), lambda i: (i, 0)),
      out_shape=jax.ShapeDtypeStruct((N_PAD, D), f32),
  )(agg1, x_pad, W1r, W1s, b1r)

  agg2 = _sc_segsum(h1, src_pad, dst_pad)
  h2, m3 = pl.pallas_call(
      _l2_body,
      grid=(NBLK,),
      in_specs=[
          pl.BlockSpec((NC, BLK, D), lambda i: (0, i, 0)),
          pl.BlockSpec((BLK, D), lambda i: (i, 0)),
          _full_spec((D, 256)),
          _full_spec((D, 256)),
          _full_spec((1, 256)),
          _full_spec((256, D)),
      ],
      out_specs=[
          pl.BlockSpec((BLK, 256), lambda i: (i, 0)),
          pl.BlockSpec((BLK, D), lambda i: (i, 0)),
      ],
      out_shape=[
          jax.ShapeDtypeStruct((N_PAD, 256), f32),
          jax.ShapeDtypeStruct((N_PAD, D), f32),
      ],
  )(agg2, h1, W2r, W2s, b2r, W3r)

  agg3 = _sc_segsum(m3, src_pad, dst_pad)
  out = pl.pallas_call(
      _l3_body,
      grid=(NBLK,),
      in_specs=[
          pl.BlockSpec((NC, BLK, D), lambda i: (0, i, 0)),
          pl.BlockSpec((BLK, 256), lambda i: (i, 0)),
          _full_spec((256, D)),
          _full_spec((1, D)),
          pl.BlockSpec((1, 1, BLK), lambda i: (i, 0, 0)),
          _full_spec((D, OUT)),
          _full_spec((1, OUT)),
      ],
      out_specs=pl.BlockSpec((G, OUT), lambda i: (0, 0)),
      out_shape=jax.ShapeDtypeStruct((G, OUT), f32),
      scratch_shapes=[
          pltpu.VMEM((G, D), f32),
          pltpu.VMEM((G, 1), f32),
      ],
  )(agg3, h2, W3s, b3r, batch3, Wfc, bfcr)

  return out

# --- scband reference (transcript-rebuilt; emitter-appended) ---
"""Pipeline reference for scband-gnnmodel-7352984011118 (READ-ONLY COPY).

The authoritative reference and input builder live on the scoring server;
editing this copy changes nothing except your own understanding.
"""

import jax, jax.numpy as jnp
import numpy as np

N = 10000   # nodes
E = 320000  # edges
D = 128     # input feature dim
G = 64      # graphs in batch
OUT = 62    # output_dim = 31*2


def setup_inputs(seed: int = 0) -> dict:
    key = jax.random.key(seed)
    ks = jax.random.split(key, 16)
    x = jax.random.normal(ks[0], (N, D), dtype=jnp.float32)
    edge_index = jax.random.randint(ks[1], (2, E), 0, N, dtype=jnp.int32)
    batch = jnp.sort(jax.random.randint(ks[2], (N,), 0, G, dtype=jnp.int32))
    s = 0.05
    # GraphConv params: lin_rel (W + bias) applied to aggregated neighbors, lin_root (W, no bias) applied to self
    W1r = jax.random.normal(ks[3], (128, 128), dtype=jnp.float32) * s
    b1  = jnp.zeros((128,), dtype=jnp.float32)
    W1s = jax.random.normal(ks[4], (128, 128), dtype=jnp.float32) * s
    W2r = jax.random.normal(ks[5], (128, 256), dtype=jnp.float32) * s
    b2  = jnp.zeros((256,), dtype=jnp.float32)
    W2s = jax.random.normal(ks[6], (128, 256), dtype=jnp.float32) * s
    W3r = jax.random.normal(ks[7], (256, 128), dtype=jnp.float32) * s
    b3  = jnp.zeros((128,), dtype=jnp.float32)
    W3s = jax.random.normal(ks[8], (256, 128), dtype=jnp.float32) * s
    Wfc = jax.random.normal(ks[9], (128, OUT), dtype=jnp.float32) * s
    bfc = jnp.zeros((OUT,), dtype=jnp.float32)
    return {"x": x, "edge_index": edge_index, "batch": batch,
            "W1r": W1r, "b1": b1, "W1s": W1s,
            "W2r": W2r, "b2": b2, "W2s": W2s,
            "W3r": W3r, "b3": b3, "W3s": W3s,
            "Wfc": Wfc, "bfc": bfc}


def _graph_conv(h, src, dst, Wr, br, Ws):
    # PyG GraphConv with aggr='add': out_i = W_rel @ sum_{j->i} h_j + b + W_root @ h_i
    msgs = h[src]
    agg = jax.ops.segment_sum(msgs, dst, num_segments=N)
    return agg @ Wr + br + h @ Ws


def reference(x, edge_index, batch, W1r, b1, W1s, W2r, b2, W2s, W3r, b3, W3s, Wfc, bfc):
    src = edge_index[0]
    dst = edge_index[1]
    h = jax.nn.relu(_graph_conv(x, src, dst, W1r, b1, W1s))
    h = jax.nn.relu(_graph_conv(h, src, dst, W2r, b2, W2s))
    h = jax.nn.relu(_graph_conv(h, src, dst, W3r, b3, W3s))
    # global_mean_pool over batch ids
    sums = jax.ops.segment_sum(h, batch, num_segments=G)
    cnts = jax.ops.segment_sum(jnp.ones((h.shape[0], 1), dtype=jnp.float32), batch, num_segments=G)
    pooled = sums / jnp.clip(cnts, 1.0, None)
    out = jax.nn.relu(pooled @ Wfc + bfc)
    return out.reshape(-1, OUT)

if __name__ == "__main__":
    import jax
    _d = setup_inputs()
    print(jax.jit(kernel)(*tuple(_d.values())))

</pallas_src>

<mosaic_0001>
#map = affine_map<(d0, d1) -> (0, 0)>
#map1 = affine_map<(d0, d1) -> (0)>
#map2 = affine_map<(d0, d1) -> (0, 0, 0)>
module attributes {stable_mosaic.version = 14 : i64} {
  func.func @_sc_segsum_body(%arg0: i32, %arg1: i32, %arg2: memref<10240x128xf32, #tpu.memory_space<hbm>>, %arg3: memref<327680xi32, #tpu.memory_space<hbm>>, %arg4: memref<327680xi32, #tpu.memory_space<hbm>>, %arg5: memref<2x10240x128xf32, #tpu.memory_space<hbm>>, %arg6: memref<10240x128xf32, #tpu.memory_space<vmem_shared>>, %arg7: memref<64x128xf32, #tpu.memory_space<vmem>>, %arg8: memref<128xi32, #tpu.memory_space<vmem>>, %arg9: memref<128xi32, #tpu.memory_space<vmem>>, %arg10: memref<128xi32, #tpu.memory_space<vmem>>, %arg11: memref<128xi32, #tpu.memory_space<vmem>>, %arg12: memref<128x128xf32, #tpu.memory_space<vmem>>, %arg13: memref<128x128xf32, #tpu.memory_space<vmem>>, %arg14: memref<!tpu.dma_semaphore, #tpu.memory_space<semaphore_mem>>, %arg15: memref<!tpu.dma_semaphore, #tpu.memory_space<semaphore_mem>>) attributes {dimension_semantics = [#tpu.dimension_semantics<core_parallel>, #tpu.dimension_semantics<subcore_parallel>], iteration_bounds = array<i64: 2, 16>, scalar_prefetch = 0 : i64, scratch_operands = 10 : i64, tpu.core_type = #tpu.core_type<sc_vector_subcore>, window_params = [{transform_indices = #map}, {transform_indices = #map1}, {transform_indices = #map1}, {transform_indices = #map2}]} {
    %eq3A = arith.constant 0 : i32
    %eq3A_0 = arith.cmpi eq, %arg0, %eq3A : i32
    %mul3A = arith.constant 19456 : i32
    %mul3A_1 = arith.muli %arg1, %mul3A : i32
    %mul3A_2 = arith.constant 1024 : i32
    %mul3A_3 = arith.muli %arg1, %mul3A_2 : i32
    %add3A = arith.constant 311296 : i32
    %add3A_4 = arith.addi %add3A, %mul3A_3 : i32
    %select_n3A = arith.select %eq3A_0, %mul3A_1, %add3A_4 : i32
    %eq3A_5 = arith.constant 0 : i32
    %eq3A_6 = arith.cmpi eq, %arg0, %eq3A_5 : i32
    %jit3A = arith.constant 152 : i32
    %jit3A_7 = arith.constant 8 : i32
    %select_n3A_8 = arith.select %eq3A_6, %jit3A, %jit3A_7 : i32
    %scan3A = arith.constant 0 : i32
    %scan3A_9 = arith.constant 64 : i32
    %scan3A_10 = arith.addi %scan3A, %scan3A_9 : i32
    %scan3A_11 = arith.constant 1 : i32
    scf.for %scan3A_41 = %scan3A to %scan3A_10 step %scan3A_11  : i32 {
      %mul3A_42 = arith.constant 1 : i32
      %mul3A_43 = arith.muli %scan3A_41, %mul3A_42 : i32
      %add3A_44 = arith.constant 0 : i32
      %add3A_45 = arith.addi %add3A_44, %mul3A_43 : i32
      %scan3A_46 = arith.constant 0 : i32
      %scan3A_47 = arith.constant 8 : i32
      %scan3A_48 = arith.addi %scan3A_46, %scan3A_47 : i32
      %scan3A_49 = arith.constant 1 : i32
      scf.for %scan3A_51 = %scan3A_46 to %scan3A_48 step %scan3A_49  : i32 {
        %mul3A_52 = arith.constant 1 : i32
        %mul3A_53 = arith.muli %scan3A_51, %mul3A_52 : i32
        %add3A_54 = arith.constant 0 : i32
        %add3A_55 = arith.addi %add3A_54, %mul3A_53 : i32
        %broadcast_in_dim3A = arith.constant 0.000000e+00 : f32
        %broadcast_in_dim3A_56 = vector.broadcast %broadcast_in_dim3A : f32 to vector<16xf32>
        %mul3A_57 = arith.constant 16 : i32
        %mul3A_58 = arith.muli %add3A_55, %mul3A_57 : i32
        %swap3A = arith.index_cast %add3A_45 : i32 to index
        %swap3A_59 = arith.index_cast %mul3A_58 : i32 to index
        %swap3A_60 = tpu.vector_load %arg7[%swap3A, %swap3A_59] {strides = array<i32>} : memref<64x128xf32, #tpu.memory_space<vmem>>, vector<1x16xf32>,
        %swap3A_61 = vector.shape_cast %swap3A_60 : vector<1x16xf32> to vector<16xf32>
        %swap3A_62 = vector.shape_cast %broadcast_in_dim3A_56 : vector<16xf32> to vector<1x16xf32>
        tpu.vector_store %arg7[%swap3A, %swap3A_59], %swap3A_62 {strides = array<i32>} : memref<64x128xf32, #tpu.memory_space<vmem>>, vector<1x16xf32>,
      }
      %scan3A_50 = arith.constant 8 : i32
    }
    %scan3A_12 = arith.constant 64 : i32
    %scan3A_13 = arith.constant 0 : i32
    %scan3A_14 = arith.constant 10 : i32
    %scan3A_15 = arith.addi %scan3A_13, %scan3A_14 : i32
    %scan3A_16 = arith.constant 1 : i32
    scf.for %scan3A_41 = %scan3A_13 to %scan3A_15 step %scan3A_16  : i32 {
      %mul3A_42 = arith.constant 1 : i32
      %mul3A_43 = arith.muli %scan3A_41, %mul3A_42 : i32
      %add3A_44 = arith.constant 0 : i32
      %add3A_45 = arith.addi %add3A_44, %mul3A_43 : i32
      %mul3A_46 = arith.constant 640 : i32
      %mul3A_47 = arith.muli %arg1, %mul3A_46 : i32
      %mul3A_48 = arith.constant 64 : i32
      %mul3A_49 = arith.muli %add3A_45, %mul3A_48 : i32
      %add3A_50 = arith.addi %mul3A_47, %mul3A_49 : i32
      "tpu.region"() ({
        %run_scoped3A = tpu.sem_alloc : memref<!tpu.dma_semaphore, #tpu.memory_space<semaphore_mem>>
        %dma_start3A_51 = arith.constant 0 : i32
        %dma_start3A_52 = tpu.memref_slice %arg6[%add3A_50, %dma_start3A_51] : memref<10240x128xf32, #tpu.memory_space<vmem_shared>> -> memref<64x128xf32, #tpu.memory_space<vmem_shared>>
        %dma_start3A_53 = arith.constant 0 : i32
        %dma_start3A_54 = tpu.memref_slice %arg6[%add3A_50, %dma_start3A_53] : memref<10240x128xf32, #tpu.memory_space<vmem_shared>> -> memref<64x128xf32, #tpu.memory_space<vmem_shared>>
        tpu.enqueue_dma source(%arg7 : memref<64x128xf32, #tpu.memory_space<vmem>>) target(%dma_start3A_54 : memref<64x128xf32, #tpu.memory_space<vmem_shared>>) target_semaphore(%run_scoped3A : memref<!tpu.dma_semaphore, #tpu.memory_space<semaphore_mem>>)
        %dma_wait3A = arith.constant 0 : i32
        %dma_wait3A_55 = tpu.memref_slice %arg6[%add3A_50, %dma_wait3A] : memref<10240x128xf32, #tpu.memory_space<vmem_shared>> -> memref<64x128xf32, #tpu.memory_space<vmem_shared>>
        %dma_wait3A_56 = arith.constant 0 : i32
        %dma_wait3A_57 = tpu.memref_slice %arg6[%add3A_50, %dma_wait3A_56] : memref<10240x128xf32, #tpu.memory_space<vmem_shared>> -> memref<64x128xf32, #tpu.memory_space<vmem_shared>>
        tpu.wait_dma2 semaphore(%run_scoped3A : memref<!tpu.dma_semaphore, #tpu.memory_space<semaphore_mem>>) src(%arg7 : memref<64x128xf32, #tpu.memory_space<vmem>>) dst(%dma_wait3A_57 : memref<64x128xf32, #tpu.memory_space<vmem_shared>>)
        tpu.yield
      }) : () -> ()
    }
    %scan3A_17 = arith.constant 10 : i32
    %barrier3A = arith.constant 0 : index
    tpu.barrier barrier_id(%barrier3A)
    "tpu.region"() ({
      %run_scoped3A = tpu.sem_alloc : memref<!tpu.dma_semaphore, #tpu.memory_space<semaphore_mem>>
      %dma_start3A_41 = tpu.memref_slice %arg3[%select_n3A] : memref<327680xi32, #tpu.memory_space<hbm>> -> memref<128xi32, #tpu.memory_space<hbm>>
      %dma_start3A_42 = tpu.memref_slice %arg3[%select_n3A] : memref<327680xi32, #tpu.memory_space<hbm>> -> memref<128xi32, #tpu.memory_space<hbm>>
      tpu.enqueue_dma source(%dma_start3A_42 : memref<128xi32, #tpu.memory_space<hbm>>) target(%arg8 : memref<128xi32, #tpu.memory_space<vmem>>) target_semaphore(%run_scoped3A : memref<!tpu.dma_semaphore, #tpu.memory_space<semaphore_mem>>)
      %dma_wait3A = tpu.memref_slice %arg3[%select_n3A] : memref<327680xi32, #tpu.memory_space<hbm>> -> memref<128xi32, #tpu.memory_space<hbm>>
      %dma_wait3A_43 = tpu.memref_slice %arg3[%select_n3A] : memref<327680xi32, #tpu.memory_space<hbm>> -> memref<128xi32, #tpu.memory_space<hbm>>
      tpu.wait_dma2 semaphore(%run_scoped3A : memref<!tpu.dma_semaphore, #tpu.memory_space<semaphore_mem>>) src(%dma_wait3A_43 : memref<128xi32, #tpu.memory_space<hbm>>) dst(%arg8 : memref<128xi32, #tpu.memory_space<vmem>>)
      tpu.yield
    }) : () -> ()
    %dma_start3A = arith.constant 0 : i32
    %dma_start3A_18 = arith.constant 0 : i32
    %dma_start3A_19 = tpu.memref_slice %arg2[%dma_start3A, %dma_start3A_18] : memref<10240x128xf32, #tpu.memory_space<hbm>> -> memref<10240x128xf32, #tpu.memory_space<hbm>>
    tpu.enqueue_indirect_dma source(%dma_start3A_19 : memref<10240x128xf32, #tpu.memory_space<hbm>>) target(%arg12 : memref<128x128xf32, #tpu.memory_space<vmem>>) offsets(%arg8 : memref<128xi32, #tpu.memory_space<vmem>>) semaphore(%arg14 : memref<!tpu.dma_semaphore, #tpu.memory_space<semaphore_mem>>)
    %sub3A = arith.constant 0 : i32
    %sub3A_20 = arith.subi %select_n3A_8, %sub3A : i32
    %sub3A_21 = arith.constant 2 : i32
    %sub3A_22 = arith.constant 1 : i32
    %sub3A_23 = arith.subi %sub3A_21, %sub3A_22 : i32
    %add3A_24 = arith.addi %sub3A_20, %sub3A_23 : i32
    %div3A = arith.constant 2 : i32
    %div3A_25 = arith.divsi %add3A_24, %div3A : i32
    %while3A = arith.constant 2 : i32
    %while3A_26 = arith.constant 0 : i32
    %while3A_27 = arith.constant 0 : i32
    %while3A_28 = arith.subi %div3A_25, %while3A_27 : i32
    %while3A_29 = arith.addi %while3A_27, %while3A_28 : i32
    %while3A_30 = arith.constant 1 : i32
    %while3A_31 = arith.divsi %while3A_28, %while3A_30 : i32
    %while3A_32 = arith.muli %while3A_31, %while3A_30 : i32
    %while3A_33 = arith.addi %while3A_27, %while3A_32 : i32
    %while3A_34 = arith.constant 1 : i32
    scf.for %while3A_41 = %while3A_27 to %while3A_33 step %while3A_34  : i32 {
      %mul3A_42 = arith.muli %while3A_41, %while3A : i32
      %add3A_43 = arith.addi %while3A_26, %mul3A_42 : i32
      %add3A_44 = arith.constant 1 : i32
      %add3A_45 = arith.addi %add3A_43, %add3A_44 : i32
      %mul3A_46 = arith.constant 128 : i32
      %mul3A_47 = arith.muli %add3A_45, %mul3A_46 : i32
      %add3A_48 = arith.addi %select_n3A, %mul3A_47 : i32
      "tpu.region"() ({
        %run_scoped3A = tpu.sem_alloc : memref<!tpu.dma_semaphore, #tpu.memory_space<semaphore_mem>>
        %dma_start3A_68 = tpu.memref_slice %arg3[%add3A_48] : memref<327680xi32, #tpu.memory_space<hbm>> -> memref<128xi32, #tpu.memory_space<hbm>>
        %dma_start3A_69 = tpu.memref_slice %arg3[%add3A_48] : memref<327680xi32, #tpu.memory_space<hbm>> -> memref<128xi32, #tpu.memory_space<hbm>>
        tpu.enqueue_dma source(%dma_start3A_69 : memref<128xi32, #tpu.memory_space<hbm>>) target(%arg9 : memref<128xi32, #tpu.memory_space<vmem>>) target_semaphore(%run_scoped3A : memref<!tpu.dma_semaphore, #tpu.memory_space<semaphore_mem>>)
        %dma_wait3A_70 = tpu.memref_slice %arg3[%add3A_48] : memref<327680xi32, #tpu.memory_space<hbm>> -> memref<128xi32, #tpu.memory_space<hbm>>
        %dma_wait3A_71 = tpu.memref_slice %arg3[%add3A_48] : memref<327680xi32, #tpu.memory_space<hbm>> -> memref<128xi32, #tpu.memory_space<hbm>>
        tpu.wait_dma2 semaphore(%run_scoped3A : memref<!tpu.dma_semaphore, #tpu.memory_space<semaphore_mem>>) src(%dma_wait3A_71 : memref<128xi32, #tpu.memory_space<hbm>>) dst(%arg9 : memref<128xi32, #tpu.memory_space<vmem>>)
        tpu.yield
      }) : () -> ()
      %dma_start3A_49 = arith.constant 0 : i32
      %dma_start3A_50 = arith.constant 0 : i32
      %dma_start3A_51 = tpu.memref_slice %arg2[%dma_start3A_49, %dma_start3A_50] : memref<10240x128xf32, #tpu.memory_space<hbm>> -> memref<10240x128xf32, #tpu.memory_space<hbm>>
      tpu.enqueue_indirect_dma source(%dma_start3A_51 : memref<10240x128xf32, #tpu.memory_space<hbm>>) target(%arg13 : memref<128x128xf32, #tpu.memory_space<vmem>>) offsets(%arg9 : memref<128xi32, #tpu.memory_space<vmem>>) semaphore(%arg15 : memref<!tpu.dma_semaphore, #tpu.memory_space<semaphore_mem>>)
      %dma_wait3A = arith.constant 0 : i32
      %dma_wait3A_52 = arith.constant 0 : i32
      %dma_wait3A_53 = tpu.memref_slice %arg2[%dma_wait3A, %dma_wait3A_52] : memref<10240x128xf32, #tpu.memory_space<hbm>> -> memref<10240x128xf32, #tpu.memory_space<hbm>>
      tpu.wait_indirect_dma semaphore(%arg14 : memref<!tpu.dma_semaphore, #tpu.memory_space<semaphore_mem>>) src(%dma_wait3A_53 : memref<10240x128xf32, #tpu.memory_space<hbm>>) dst(%arg12 : memref<128x128xf32, #tpu.memory_space<vmem>>)
      %mul3A_54 = arith.constant 128 : i32
      %mul3A_55 = arith.muli %add3A_43, %mul3A_54 : i32
      %add3A_56 = arith.addi %select_n3A, %mul3A_55 : i32
      "tpu.region"() ({
        %run_scoped3A = tpu.sem_alloc : memref<!tpu.dma_semaphore, #tpu.memory_space<semaphore_mem>>
        %dma_start3A_68 = tpu.memref_slice %arg4[%add3A_56] : memref<327680xi32, #tpu.memory_space<hbm>> -> memref<128xi32, #tpu.memory_space<hbm>>
        %dma_start3A_69 = tpu.memref_slice %arg4[%add3A_56] : memref<327680xi32, #tpu.memory_space<hbm>> -> memref<128xi32, #tpu.memory_space<hbm>>
        tpu.enqueue_dma source(%dma_start3A_69 : memref<128xi32, #tpu.memory_space<hbm>>) target(%arg10 : memref<128xi32, #tpu.memory_space<vmem>>) target_semaphore(%run_scoped3A : memref<!tpu.dma_semaphore, #tpu.memory_space<semaphore_mem>>)
        %dma_wait3A_70 = tpu.memref_slice %arg4[%add3A_56] : memref<327680xi32, #tpu.memory_space<hbm>> -> memref<128xi32, #tpu.memory_space<hbm>>
        %dma_wait3A_71 = tpu.memref_slice %arg4[%add3A_56] : memref<327680xi32, #tpu.memory_space<hbm>> -> memref<128xi32, #tpu.memory_space<hbm>>
        tpu.wait_dma2 semaphore(%run_scoped3A : memref<!tpu.dma_semaphore, #tpu.memory_space<semaphore_mem>>) src(%dma_wait3A_71 : memref<128xi32, #tpu.memory_space<hbm>>) dst(%arg10 : memref<128xi32, #tpu.memory_space<vmem>>)
        tpu.yield
      }) : () -> ()
      "tpu.region"() ({
        %run_scoped3A = tpu.sem_alloc : memref<!tpu.dma_semaphore, #tpu.memory_space<semaphore_mem>>
        %dma_start3A_68 = arith.constant 0 : i32
        %dma_start3A_69 = arith.constant 0 : i32
        %dma_start3A_70 = tpu.memref_slice %arg6[%dma_start3A_68, %dma_start3A_69] : memref<10240x128xf32, #tpu.memory_space<vmem_shared>> -> memref<10240x128xf32, #tpu.memory_space<vmem_shared>>
        tpu.enqueue_indirect_dma source(%arg12 : memref<128x128xf32, #tpu.memory_space<vmem>>) target(%dma_start3A_70 : memref<10240x128xf32, #tpu.memory_space<vmem_shared>>) offsets(%arg10 : memref<128xi32, #tpu.memory_space<vmem>>) semaphore(%run_scoped3A : memref<!tpu.dma_semaphore, #tpu.memory_space<semaphore_mem>>) {add = true}
        %dma_wait3A_71 = arith.constant 0 : i32
        %dma_wait3A_72 = arith.constant 0 : i32
        %dma_wait3A_73 = tpu.memref_slice %arg6[%dma_wait3A_71, %dma_wait3A_72] : memref<10240x128xf32, #tpu.memory_space<vmem_shared>> -> memref<10240x128xf32, #tpu.memory_space<vmem_shared>>
        tpu.wait_indirect_dma semaphore(%run_scoped3A : memref<!tpu.dma_semaphore, #tpu.memory_space<semaphore_mem>>) src(%arg12 : memref<128x128xf32, #tpu.memory_space<vmem>>) dst(%dma_wait3A_73 : memref<10240x128xf32, #tpu.memory_space<vmem_shared>>)
        tpu.yield
      }) : () -> ()
      %add3A_57 = arith.constant 2 : i32
      %add3A_58 = arith.addi %add3A_43, %add3A_57 : i32
      %lt3A = arith.cmpi slt, %add3A_58, %select_n3A_8 : i32
      %convert_element_type3A = arith.extui %lt3A : i1 to i32
      %cond3A = arith.constant 0 : i32
      %cond3A_59 = arith.cmpi ne, %convert_element_type3A, %cond3A : i32
      scf.if %cond3A_59 {
        %add3A_68 = arith.constant 2 : i32
        %add3A_69 = arith.addi %add3A_43, %add3A_68 : i32
        %mul3A_70 = arith.constant 128 : i32
        %mul3A_71 = arith.muli %add3A_69, %mul3A_70 : i32
        %add3A_72 = arith.addi %select_n3A, %mul3A_71 : i32
        "tpu.region"() ({
          %run_scoped3A = tpu.sem_alloc : memref<!tpu.dma_semaphore, #tpu.memory_space<semaphore_mem>>
          %dma_start3A_76 = tpu.memref_slice %arg3[%add3A_72] : memref<327680xi32, #tpu.memory_space<hbm>> -> memref<128xi32, #tpu.memory_space<hbm>>
          %dma_start3A_77 = tpu.memref_slice %arg3[%add3A_72] : memref<327680xi32, #tpu.memory_space<hbm>> -> memref<128xi32, #tpu.memory_space<hbm>>
          tpu.enqueue_dma source(%dma_start3A_77 : memref<128xi32, #tpu.memory_space<hbm>>) target(%arg8 : memref<128xi32, #tpu.memory_space<vmem>>) target_semaphore(%run_scoped3A : memref<!tpu.dma_semaphore, #tpu.memory_space<semaphore_mem>>)
          %dma_wait3A_78 = tpu.memref_slice %arg3[%add3A_72] : memref<327680xi32, #tpu.memory_space<hbm>> -> memref<128xi32, #tpu.memory_space<hbm>>
          %dma_wait3A_79 = tpu.memref_slice %arg3[%add3A_72] : memref<327680xi32, #tpu.memory_space<hbm>> -> memref<128xi32, #tpu.memory_space<hbm>>
          tpu.wait_dma2 semaphore(%run_scoped3A : memref<!tpu.dma_semaphore, #tpu.memory_space<semaphore_mem>>) src(%dma_wait3A_79 : memref<128xi32, #tpu.memory_space<hbm>>) dst(%arg8 : memref<128xi32, #tpu.memory_space<vmem>>)
          tpu.yield
        }) : () -> ()
        %dma_start3A_73 = arith.constant 0 : i32
        %dma_start3A_74 = arith.constant 0 : i32
        %dma_start3A_75 = tpu.memref_slice %arg2[%dma_start3A_73, %dma_start3A_74] : memref<10240x128xf32, #tpu.memory_space<hbm>> -> memref<10240x128xf32, #tpu.memory_space<hbm>>
        tpu.enqueue_indirect_dma source(%dma_start3A_75 : memref<10240x128xf32, #tpu.memory_space<hbm>>) target(%arg12 : memref<128x128xf32, #tpu.memory_space<vmem>>) offsets(%arg8 : memref<128xi32, #tpu.memory_space<vmem>>) semaphore(%arg14 : memref<!tpu.dma_semaphore, #tpu.memory_space<semaphore_mem>>)
      } else {
      }
      %dma_wait3A_60 = arith.constant 0 : i32
      %dma_wait3A_61 = arith.constant 0 : i32
      %dma_wait3A_62 = tpu.memref_slice %arg2[%dma_wait3A_60, %dma_wait3A_61] : memref<10240x128xf32, #tpu.memory_space<hbm>> -> memref<10240x128xf32, #tpu.memory_space<hbm>>
      tpu.wait_indirect_dma semaphore(%arg15 : memref<!tpu.dma_semaphore, #tpu.memory_space<semaphore_mem>>) src(%dma_wait3A_62 : memref<10240x128xf32, #tpu.memory_space<hbm>>) dst(%arg13 : memref<128x128xf32, #tpu.memory_space<vmem>>)
      %add3A_63 = arith.constant 1 : i32
      %add3A_64 = arith.addi %add3A_43, %add3A_63 : i32
      %mul3A_65 = arith.constant 128 : i32
      %mul3A_66 = arith.muli %add3A_64, %mul3A_65 : i32
      %add3A_67 = arith.addi %select_n3A, %mul3A_66 : i32
      "tpu.region"() ({
        %run_scoped3A = tpu.sem_alloc : memref<!tpu.dma_semaphore, #tpu.memory_space<semaphore_mem>>
        %dma_start3A_68 = tpu.memref_slice %arg4[%add3A_67] : memref<327680xi32, #tpu.memory_space<hbm>> -> memref<128xi32, #tpu.memory_space<hbm>>
        %dma_start3A_69 = tpu.memref_slice %arg4[%add3A_67] : memref<327680xi32, #tpu.memory_space<hbm>> -> memref<128xi32, #tpu.memory_space<hbm>>
        tpu.enqueue_dma source(%dma_start3A_69 : memref<128xi32, #tpu.memory_space<hbm>>) target(%arg11 : memref<128xi32, #tpu.memory_space<vmem>>) target_semaphore(%run_scoped3A : memref<!tpu.dma_semaphore, #tpu.memory_space<semaphore_mem>>)
        %dma_wait3A_70 = tpu.memref_slice %arg4[%add3A_67] : memref<327680xi32, #tpu.memory_space<hbm>> -> memref<128xi32, #tpu.memory_space<hbm>>
        %dma_wait3A_71 = tpu.memref_slice %arg4[%add3A_67] : memref<327680xi32, #tpu.memory_space<hbm>> -> memref<128xi32, #tpu.memory_space<hbm>>
        tpu.wait_dma2 semaphore(%run_scoped3A : memref<!tpu.dma_semaphore, #tpu.memory_space<semaphore_mem>>) src(%dma_wait3A_71 : memref<128xi32, #tpu.memory_space<hbm>>) dst(%arg11 : memref<128xi32, #tpu.memory_space<vmem>>)
        tpu.yield
      }) : () -> ()
      "tpu.region"() ({
        %run_scoped3A = tpu.sem_alloc : memref<!tpu.dma_semaphore, #tpu.memory_space<semaphore_mem>>
        %dma_start3A_68 = arith.constant 0 : i32
        %dma_start3A_69 = arith.constant 0 : i32
        %dma_start3A_70 = tpu.memref_slice %arg6[%dma_start3A_68, %dma_start3A_69] : memref<10240x128xf32, #tpu.memory_space<vmem_shared>> -> memref<10240x128xf32, #tpu.memory_space<vmem_shared>>
        tpu.enqueue_indirect_dma source(%arg13 : memref<128x128xf32, #tpu.memory_space<vmem>>) target(%dma_start3A_70 : memref<10240x128xf32, #tpu.memory_space<vmem_shared>>) offsets(%arg11 : memref<128xi32, #tpu.memory_space<vmem>>) semaphore(%run_scoped3A : memref<!tpu.dma_semaphore, #tpu.memory_space<semaphore_mem>>) {add = true}
        %dma_wait3A_71 = arith.constant 0 : i32
        %dma_wait3A_72 = arith.constant 0 : i32
        %dma_wait3A_73 = tpu.memref_slice %arg6[%dma_wait3A_71, %dma_wait3A_72] : memref<10240x128xf32, #tpu.memory_space<vmem_shared>> -> memref<10240x128xf32, #tpu.memory_space<vmem_shared>>
        tpu.wait_indirect_dma semaphore(%run_scoped3A : memref<!tpu.dma_semaphore, #tpu.memory_space<semaphore_mem>>) src(%arg13 : memref<128x128xf32, #tpu.memory_space<vmem>>) dst(%dma_wait3A_73 : memref<10240x128xf32, #tpu.memory_space<vmem_shared>>)
        tpu.yield
      }) : () -> ()
    }
    %while3A_35 = arith.constant 1 : i32
    scf.for %while3A_41 = %while3A_33 to %while3A_29 step %while3A_35  : i32 {
      %mul3A_42 = arith.muli %while3A_41, %while3A : i32
      %add3A_43 = arith.addi %while3A_26, %mul3A_42 : i32
      %add3A_44 = arith.constant 1 : i32
      %add3A_45 = arith.addi %add3A_43, %add3A_44 : i32
      %mul3A_46 = arith.constant 128 : i32
      %mul3A_47 = arith.muli %add3A_45, %mul3A_46 : i32
      %add3A_48 = arith.addi %select_n3A, %mul3A_47 : i32
      "tpu.region"() ({
        %run_scoped3A = tpu.sem_alloc : memref<!tpu.dma_semaphore, #tpu.memory_space<semaphore_mem>>
        %dma_start3A_68 = tpu.memref_slice %arg3[%add3A_48] : memref<327680xi32, #tpu.memory_space<hbm>> -> memref<128xi32, #tpu.memory_space<hbm>>
        %dma_start3A_69 = tpu.memref_slice %arg3[%add3A_48] : memref<327680xi32, #tpu.memory_space<hbm>> -> memref<128xi32, #tpu.memory_space<hbm>>
        tpu.enqueue_dma source(%dma_start3A_69 : memref<128xi32, #tpu.memory_space<hbm>>) target(%arg9 : memref<128xi32, #tpu.memory_space<vmem>>) target_semaphore(%run_scoped3A : memref<!tpu.dma_semaphore, #tpu.memory_space<semaphore_mem>>)
        %dma_wait3A_70 = tpu.memref_slice %arg3[%add3A_48] : memref<327680xi32, #tpu.memory_space<hbm>> -> memref<128xi32, #tpu.memory_space<hbm>>
        %dma_wait3A_71 = tpu.memref_slice %arg3[%add3A_48] : memref<327680xi32, #tpu.memory_space<hbm>> -> memref<128xi32, #tpu.memory_space<hbm>>
        tpu.wait_dma2 semaphore(%run_scoped3A : memref<!tpu.dma_semaphore, #tpu.memory_space<semaphore_mem>>) src(%dma_wait3A_71 : memref<128xi32, #tpu.memory_space<hbm>>) dst(%arg9 : memref<128xi32, #tpu.memory_space<vmem>>)
        tpu.yield
      }) : () -> ()
      %dma_start3A_49 = arith.constant 0 : i32
      %dma_start3A_50 = arith.constant 0 : i32
      %dma_start3A_51 = tpu.memref_slice %arg2[%dma_start3A_49, %dma_start3A_50] : memref<10240x128xf32, #tpu.memory_space<hbm>> -> memref<10240x128xf32, #tpu.memory_space<hbm>>
      tpu.enqueue_indirect_dma source(%dma_start3A_51 : memref<10240x128xf32, #tpu.memory_space<hbm>>) target(%arg13 : memref<128x128xf32, #tpu.memory_space<vmem>>) offsets(%arg9 : memref<128xi32, #tpu.memory_space<vmem>>) semaphore(%arg15 : memref<!tpu.dma_semaphore, #tpu.memory_space<semaphore_mem>>)
      %dma_wait3A = arith.constant 0 : i32
      %dma_wait3A_52 = arith.constant 0 : i32
      %dma_wait3A_53 = tpu.memref_slice %arg2[%dma_wait3A, %dma_wait3A_52] : memref<10240x128xf32, #tpu.memory_space<hbm>> -> memref<10240x128xf32, #tpu.memory_space<hbm>>
      tpu.wait_indirect_dma semaphore(%arg14 : memref<!tpu.dma_semaphore, #tpu.memory_space<semaphore_mem>>) src(%dma_wait3A_53 : memref<10240x128xf32, #tpu.memory_space<hbm>>) dst(%arg12 : memref<128x128xf32, #tpu.memory_space<vmem>>)
      %mul3A_54 = arith.constant 128 : i32
      %mul3A_55 = arith.muli %add3A_43, %mul3A_54 : i32
      %add3A_56 = arith.addi %select_n3A, %mul3A_55 : i32
      "tpu.region"() ({
        %run_scoped3A = tpu.sem_alloc : memref<!tpu.dma_semaphore, #tpu.memory_space<semaphore_mem>>
        %dma_start3A_68 = tpu.memref_slice %arg4[%add3A_56] : memref<327680xi32, #tpu.memory_space<hbm>> -> memref<128xi32, #tpu.memory_space<hbm>>
        %dma_start3A_69 = tpu.memref_slice %arg4[%add3A_56] : memref<327680xi32, #tpu.memory_space<hbm>> -> memref<128xi32, #tpu.memory_space<hbm>>
        tpu.enqueue_dma source(%dma_start3A_69 : memref<128xi32, #tpu.memory_space<hbm>>) target(%arg10 : memref<128xi32, #tpu.memory_space<vmem>>) target_semaphore(%run_scoped3A : memref<!tpu.dma_semaphore, #tpu.memory_space<semaphore_mem>>)
        %dma_wait3A_70 = tpu.memref_slice %arg4[%add3A_56] : memref<327680xi32, #tpu.memory_space<hbm>> -> memref<128xi32, #tpu.memory_space<hbm>>
        %dma_wait3A_71 = tpu.memref_slice %arg4[%add3A_56] : memref<327680xi32, #tpu.memory_space<hbm>> -> memref<128xi32, #tpu.memory_space<hbm>>
        tpu.wait_dma2 semaphore(%run_scoped3A : memref<!tpu.dma_semaphore, #tpu.memory_space<semaphore_mem>>) src(%dma_wait3A_71 : memref<128xi32, #tpu.memory_space<hbm>>) dst(%arg10 : memref<128xi32, #tpu.memory_space<vmem>>)
        tpu.yield
      }) : () -> ()
      "tpu.region"() ({
        %run_scoped3A = tpu.sem_alloc : memref<!tpu.dma_semaphore, #tpu.memory_space<semaphore_mem>>
        %dma_start3A_68 = arith.constant 0 : i32
        %dma_start3A_69 = arith.constant 0 : i32
        %dma_start3A_70 = tpu.memref_slice %arg6[%dma_start3A_68, %dma_start3A_69] : memref<10240x128xf32, #tpu.memory_space<vmem_shared>> -> memref<10240x128xf32, #tpu.memory_space<vmem_shared>>
        tpu.enqueue_indirect_dma source(%arg12 : memref<128x128xf32, #tpu.memory_space<vmem>>) target(%dma_start3A_70 : memref<10240x128xf32, #tpu.memory_space<vmem_shared>>) offsets(%arg10 : memref<128xi32, #tpu.memory_space<vmem>>) semaphore(%run_scoped3A : memref<!tpu.dma_semaphore, #tpu.memory_space<semaphore_mem>>) {add = true}
        %dma_wait3A_71 = arith.constant 0 : i32
        %dma_wait3A_72 = arith.constant 0 : i32
        %dma_wait3A_73 = tpu.memref_slice %arg6[%dma_wait3A_71, %dma_wait3A_72] : memref<10240x128xf32, #tpu.memory_space<vmem_shared>> -> memref<10240x128xf32, #tpu.memory_space<vmem_shared>>
        tpu.wait_indirect_dma semaphore(%run_scoped3A : memref<!tpu.dma_semaphore, #tpu.memory_space<semaphore_mem>>) src(%arg12 : memref<128x128xf32, #tpu.memory_space<vmem>>) dst(%dma_wait3A_73 : memref<10240x128xf32, #tpu.memory_space<vmem_shared>>)
        tpu.yield
      }) : () -> ()
      %add3A_57 = arith.constant 2 : i32
      %add3A_58 = arith.addi %add3A_43, %add3A_57 : i32
      %lt3A = arith.cmpi slt, %add3A_58, %select_n3A_8 : i32
      %convert_element_type3A = arith.extui %lt3A : i1 to i32
      %cond3A = arith.constant 0 : i32
      %cond3A_59 = arith.cmpi ne, %convert_element_type3A, %cond3A : i32
      scf.if %cond3A_59 {
        %add3A_68 = arith.constant 2 : i32
        %add3A_69 = arith.addi %add3A_43, %add3A_68 : i32
        %mul3A_70 = arith.constant 128 : i32
        %mul3A_71 = arith.muli %add3A_69, %mul3A_70 : i32
        %add3A_72 = arith.addi %select_n3A, %mul3A_71 : i32
        "tpu.region"() ({
          %run_scoped3A = tpu.sem_alloc : memref<!tpu.dma_semaphore, #tpu.memory_space<semaphore_mem>>
          %dma_start3A_76 = tpu.memref_slice %arg3[%add3A_72] : memref<327680xi32, #tpu.memory_space<hbm>> -> memref<128xi32, #tpu.memory_space<hbm>>
          %dma_start3A_77 = tpu.memref_slice %arg3[%add3A_72] : memref<327680xi32, #tpu.memory_space<hbm>> -> memref<128xi32, #tpu.memory_space<hbm>>
          tpu.enqueue_dma source(%dma_start3A_77 : memref<128xi32, #tpu.memory_space<hbm>>) target(%arg8 : memref<128xi32, #tpu.memory_space<vmem>>) target_semaphore(%run_scoped3A : memref<!tpu.dma_semaphore, #tpu.memory_space<semaphore_mem>>)
          %dma_wait3A_78 = tpu.memref_slice %arg3[%add3A_72] : memref<327680xi32, #tpu.memory_space<hbm>> -> memref<128xi32, #tpu.memory_space<hbm>>
          %dma_wait3A_79 = tpu.memref_slice %arg3[%add3A_72] : memref<327680xi32, #tpu.memory_space<hbm>> -> memref<128xi32, #tpu.memory_space<hbm>>
          tpu.wait_dma2 semaphore(%run_scoped3A : memref<!tpu.dma_semaphore, #tpu.memory_space<semaphore_mem>>) src(%dma_wait3A_79 : memref<128xi32, #tpu.memory_space<hbm>>) dst(%arg8 : memref<128xi32, #tpu.memory_space<vmem>>)
          tpu.yield
        }) : () -> ()
        %dma_start3A_73 = arith.constant 0 : i32
        %dma_start3A_74 = arith.constant 0 : i32
        %dma_start3A_75 = tpu.memref_slice %arg2[%dma_start3A_73, %dma_start3A_74] : memref<10240x128xf32, #tpu.memory_space<hbm>> -> memref<10240x128xf32, #tpu.memory_space<hbm>>
        tpu.enqueue_indirect_dma source(%dma_start3A_75 : memref<10240x128xf32, #tpu.memory_space<hbm>>) target(%arg12 : memref<128x128xf32, #tpu.memory_space<vmem>>) offsets(%arg8 : memref<128xi32, #tpu.memory_space<vmem>>) semaphore(%arg14 : memref<!tpu.dma_semaphore, #tpu.memory_space<semaphore_mem>>)
      } else {
      }
      %dma_wait3A_60 = arith.constant 0 : i32
      %dma_wait3A_61 = arith.constant 0 : i32
      %dma_wait3A_62 = tpu.memref_slice %arg2[%dma_wait3A_60, %dma_wait3A_61] : memref<10240x128xf32, #tpu.memory_space<hbm>> -> memref<10240x128xf32, #tpu.memory_space<hbm>>
      tpu.wait_indirect_dma semaphore(%arg15 : memref<!tpu.dma_semaphore, #tpu.memory_space<semaphore_mem>>) src(%dma_wait3A_62 : memref<10240x128xf32, #tpu.memory_space<hbm>>) dst(%arg13 : memref<128x128xf32, #tpu.memory_space<vmem>>)
      %add3A_63 = arith.constant 1 : i32
      %add3A_64 = arith.addi %add3A_43, %add3A_63 : i32
      %mul3A_65 = arith.constant 128 : i32
      %mul3A_66 = arith.muli %add3A_64, %mul3A_65 : i32
      %add3A_67 = arith.addi %select_n3A, %mul3A_66 : i32
      "tpu.region"() ({
        %run_scoped3A = tpu.sem_alloc : memref<!tpu.dma_semaphore, #tpu.memory_space<semaphore_mem>>
        %dma_start3A_68 = tpu.memref_slice %arg4[%add3A_67] : memref<327680xi32, #tpu.memory_space<hbm>> -> memref<128xi32, #tpu.memory_space<hbm>>
        %dma_start3A_69 = tpu.memref_slice %arg4[%add3A_67] : memref<327680xi32, #tpu.memory_space<hbm>> -> memref<128xi32, #tpu.memory_space<hbm>>
        tpu.enqueue_dma source(%dma_start3A_69 : memref<128xi32, #tpu.memory_space<hbm>>) target(%arg11 : memref<128xi32, #tpu.memory_space<vmem>>) target_semaphore(%run_scoped3A : memref<!tpu.dma_semaphore, #tpu.memory_space<semaphore_mem>>)
        %dma_wait3A_70 = tpu.memref_slice %arg4[%add3A_67] : memref<327680xi32, #tpu.memory_space<hbm>> -> memref<128xi32, #tpu.memory_space<hbm>>
        %dma_wait3A_71 = tpu.memref_slice %arg4[%add3A_67] : memref<327680xi32, #tpu.memory_space<hbm>> -> memref<128xi32, #tpu.memory_space<hbm>>
        tpu.wait_dma2 semaphore(%run_scoped3A : memref<!tpu.dma_semaphore, #tpu.memory_space<semaphore_mem>>) src(%dma_wait3A_71 : memref<128xi32, #tpu.memory_space<hbm>>) dst(%arg11 : memref<128xi32, #tpu.memory_space<vmem>>)
        tpu.yield
      }) : () -> ()
      "tpu.region"() ({
        %run_scoped3A = tpu.sem_alloc : memref<!tpu.dma_semaphore, #tpu.memory_space<semaphore_mem>>
        %dma_start3A_68 = arith.constant 0 : i32
        %dma_start3A_69 = arith.constant 0 : i32
        %dma_start3A_70 = tpu.memref_slice %arg6[%dma_start3A_68, %dma_start3A_69] : memref<10240x128xf32, #tpu.memory_space<vmem_shared>> -> memref<10240x128xf32, #tpu.memory_space<vmem_shared>>
        tpu.enqueue_indirect_dma source(%arg13 : memref<128x128xf32, #tpu.memory_space<vmem>>) target(%dma_start3A_70 : memref<10240x128xf32, #tpu.memory_space<vmem_shared>>) offsets(%arg11 : memref<128xi32, #tpu.memory_space<vmem>>) semaphore(%run_scoped3A : memref<!tpu.dma_semaphore, #tpu.memory_space<semaphore_mem>>) {add = true}
        %dma_wait3A_71 = arith.constant 0 : i32
        %dma_wait3A_72 = arith.constant 0 : i32
        %dma_wait3A_73 = tpu.memref_slice %arg6[%dma_wait3A_71, %dma_wait3A_72] : memref<10240x128xf32, #tpu.memory_space<vmem_shared>> -> memref<10240x128xf32, #tpu.memory_space<vmem_shared>>
        tpu.wait_indirect_dma semaphore(%run_scoped3A : memref<!tpu.dma_semaphore, #tpu.memory_space<semaphore_mem>>) src(%arg13 : memref<128x128xf32, #tpu.memory_space<vmem>>) dst(%dma_wait3A_73 : memref<10240x128xf32, #tpu.memory_space<vmem_shared>>)
        tpu.yield
      }) : () -> ()
    }
    %barrier3A_36 = arith.constant 0 : index
    tpu.barrier barrier_id(%barrier3A_36)
    %mul3A_37 = arith.constant 640 : i32
    %mul3A_38 = arith.muli %arg1, %mul3A_37 : i32
    %mul3A_39 = arith.constant 640 : i32
    %mul3A_40 = arith.muli %arg1, %mul3A_39 : i32
    "tpu.region"() ({
      %run_scoped3A = tpu.sem_alloc : memref<!tpu.dma_semaphore, #tpu.memory_space<semaphore_mem>>
      %dma_start3A_41 = arith.constant 0 : i32
      %dma_start3A_42 = tpu.memref_slice %arg5[%arg0, %mul3A_40, %dma_start3A_41] : memref<2x10240x128xf32, #tpu.memory_space<hbm>> -> memref<1x640x128xf32, #tpu.memory_space<hbm>>
      %dma_start3A_43 = tpu.memref_squeeze %dma_start3A_42 : memref<1x640x128xf32, #tpu.memory_space<hbm>> -> memref<640x128xf32, #tpu.memory_space<hbm>>
      %dma_start3A_44 = arith.constant 0 : i32
      %dma_start3A_45 = tpu.memref_slice %arg6[%mul3A_38, %dma_start3A_44] : memref<10240x128xf32, #tpu.memory_space<vmem_shared>> -> memref<640x128xf32, #tpu.memory_space<vmem_shared>>
      tpu.enqueue_dma source(%dma_start3A_45 : memref<640x128xf32, #tpu.memory_space<vmem_shared>>) target(%dma_start3A_43 : memref<640x128xf32, #tpu.memory_space<hbm>>) target_semaphore(%run_scoped3A : memref<!tpu.dma_semaphore, #tpu.memory_space<semaphore_mem>>)
      %dma_wait3A = arith.constant 0 : i32
      %dma_wait3A_46 = tpu.memref_slice %arg5[%arg0, %mul3A_40, %dma_wait3A] : memref<2x10240x128xf32, #tpu.memory_space<hbm>> -> memref<1x640x128xf32, #tpu.memory_space<hbm>>
      %dma_wait3A_47 = tpu.memref_squeeze %dma_wait3A_46 : memref<1x640x128xf32, #tpu.memory_space<hbm>> -> memref<640x128xf32, #tpu.memory_space<hbm>>
      %dma_wait3A_48 = arith.constant 0 : i32
      %dma_wait3A_49 = tpu.memref_slice %arg6[%mul3A_38, %dma_wait3A_48] : memref<10240x128xf32, #tpu.memory_space<vmem_shared>> -> memref<640x128xf32, #tpu.memory_space<vmem_shared>>
      tpu.wait_dma2 semaphore(%run_scoped3A : memref<!tpu.dma_semaphore, #tpu.memory_space<semaphore_mem>>) src(%dma_wait3A_49 : memref<640x128xf32, #tpu.memory_space<vmem_shared>>) dst(%dma_wait3A_47 : memref<640x128xf32, #tpu.memory_space<hbm>>)
      tpu.yield
    }) : () -> ()
    return
  }
}

#map = affine_map<(d0, d1) -> (0, 0)>
#map1 = affine_map<(d0, d1) -> (0)>
#map2 = affine_map<(d0, d1) -> (0, 0, 0)>
module attributes {stable_mosaic.version = 14 : i64} {
  func.func @_sc_segsum_body(%arg0: i32, %arg1: i32, %arg2: memref<10240x128xf32, #tpu.memory_space<hbm>>, %arg3: memref<327680xi32, #tpu.memory_space<hbm>>, %arg4: memref<327680xi32, #tpu.memory_space<hbm>>, %arg5: memref<2x10240x128xf32, #tpu.memory_space<hbm>>, %arg6: memref<10240x128xf32, #tpu.memory_space<vmem_shared>>, %arg7: memref<64x128xf32, #tpu.memory_space<vmem>>, %arg8: memref<128xi32, #tpu.memory_space<vmem>>, %arg9: memref<128xi32, #tpu.memory_space<vmem>>, %arg10: memref<128xi32, #tpu.memory_space<vmem>>, %arg11: memref<128xi32, #tpu.memory_space<vmem>>, %arg12: memref<128x128xf32, #tpu.memory_space<vmem>>, %arg13: memref<128x128xf32, #tpu.memory_space<vmem>>, %arg14: memref<!tpu.dma_semaphore, #tpu.memory_space<semaphore_mem>>, %arg15: memref<!tpu.dma_semaphore, #tpu.memory_space<semaphore_mem>>) attributes {dimension_semantics = [#tpu.dimension_semantics<core_parallel>, #tpu.dimension_semantics<subcore_parallel>], iteration_bounds = array<i64: 2, 16>, scalar_prefetch = 0 : i64, scratch_operands = 10 : i64, tpu.core_type = #tpu.core_type<sc_vector_subcore>, window_params = [{transform_indices = #map}, {transform_indices = #map1}, {transform_indices = #map1}, {transform_indices = #map2}]} {
    %eq3A = arith.constant 0 : i32
    %eq3A_0 = arith.cmpi eq, %arg0, %eq3A : i32
    %mul3A = arith.constant 19456 : i32
    %mul3A_1 = arith.muli %arg1, %mul3A : i32
    %mul3A_2 = arith.constant 1024 : i32
    %mul3A_3 = arith.muli %arg1, %mul3A_2 : i32
    %add3A = arith.constant 311296 : i32
    %add3A_4 = arith.addi %add3A, %mul3A_3 : i32
    %select_n3A = arith.select %eq3A_0, %mul3A_1, %add3A_4 : i32
    %eq3A_5 = arith.constant 0 : i32
    %eq3A_6 = arith.cmpi eq, %arg0, %eq3A_5 : i32
    %jit3A = arith.constant 152 : i32
    %jit3A_7 = arith.constant 8 : i32
    %select_n3A_8 = arith.select %eq3A_6, %jit3A, %jit3A_7 : i32
    %scan3A = arith.constant 0 : i32
    %scan3A_9 = arith.constant 64 : i32
    %scan3A_10 = arith.addi %scan3A, %scan3A_9 : i32
    %scan3A_11 = arith.constant 1 : i32
    scf.for %scan3A_41 = %scan3A to %scan3A_10 step %scan3A_11  : i32 {
      %mul3A_42 = arith.constant 1 : i32
      %mul3A_43 = arith.muli %scan3A_41, %mul3A_42 : i32
      %add3A_44 = arith.constant 0 : i32
      %add3A_45 = arith.addi %add3A_44, %mul3A_43 : i32
      %scan3A_46 = arith.constant 0 : i32
      %scan3A_47 = arith.constant 8 : i32
      %scan3A_48 = arith.addi %scan3A_46, %scan3A_47 : i32
      %scan3A_49 = arith.constant 1 : i32
      scf.for %scan3A_51 = %scan3A_46 to %scan3A_48 step %scan3A_49  : i32 {
        %mul3A_52 = arith.constant 1 : i32
        %mul3A_53 = arith.muli %scan3A_51, %mul3A_52 : i32
        %add3A_54 = arith.constant 0 : i32
        %add3A_55 = arith.addi %add3A_54, %mul3A_53 : i32
        %broadcast_in_dim3A = arith.constant 0.000000e+00 : f32
        %broadcast_in_dim3A_56 = vector.broadcast %broadcast_in_dim3A : f32 to vector<16xf32>
        %mul3A_57 = arith.constant 16 : i32
        %mul3A_58 = arith.muli %add3A_55, %mul3A_57 : i32
        %swap3A = arith.index_cast %add3A_45 : i32 to index
        %swap3A_59 = arith.index_cast %mul3A_58 : i32 to index
        %swap3A_60 = tpu.vector_load %arg7[%swap3A, %swap3A_59] {strides = array<i32>} : memref<64x128xf32, #tpu.memory_space<vmem>>, vector<1x16xf32>,
        %swap3A_61 = vector.shape_cast %swap3A_60 : vector<1x16xf32> to vector<16xf32>
        %swap3A_62 = vector.shape_cast %broadcast_in_dim3A_56 : vector<16xf32> to vector<1x16xf32>
        tpu.vector_store %arg7[%swap3A, %swap3A_59], %swap3A_62 {strides = array<i32>} : memref<64x128xf32, #tpu.memory_space<vmem>>, vector<1x16xf32>,
      }
      %scan3A_50 = arith.constant 8 : i32
    }
    %scan3A_12 = arith.constant 64 : i32
    %scan3A_13 = arith.constant 0 : i32
    %scan3A_14 = arith.constant 10 : i32
    %scan3A_15 = arith.addi %scan3A_13, %scan3A_14 : i32
    %scan3A_16 = arith.constant 1 : i32
    scf.for %scan3A_41 = %scan3A_13 to %scan3A_15 step %scan3A_16  : i32 {
      %mul3A_42 = arith.constant 1 : i32
      %mul3A_43 = arith.muli %scan3A_41, %mul3A_42 : i32
      %add3A_44 = arith.constant 0 : i32
      %add3A_45 = arith.addi %add3A_44, %mul3A_43 : i32
      %mul3A_46 = arith.constant 640 : i32
      %mul3A_47 = arith.muli %arg1, %mul3A_46 : i32
      %mul3A_48 = arith.constant 64 : i32
      %mul3A_49 = arith.muli %add3A_45, %mul3A_48 : i32
      %add3A_50 = arith.addi %mul3A_47, %mul3A_49 : i32
      "tpu.region"() ({
        %run_scoped3A = tpu.sem_alloc : memref<!tpu.dma_semaphore, #tpu.memory_space<semaphore_mem>>
        %dma_start3A_51 = arith.constant 0 : i32
        %dma_start3A_52 = tpu.memref_slice %arg6[%add3A_50, %dma_start3A_51] : memref<10240x128xf32, #tpu.memory_space<vmem_shared>> -> memref<64x128xf32, #tpu.memory_space<vmem_shared>>
        %dma_start3A_53 = arith.constant 0 : i32
        %dma_start3A_54 = tpu.memref_slice %arg6[%add3A_50, %dma_start3A_53] : memref<10240x128xf32, #tpu.memory_space<vmem_shared>> -> memref<64x128xf32, #tpu.memory_space<vmem_shared>>
        tpu.enqueue_dma source(%arg7 : memref<64x128xf32, #tpu.memory_space<vmem>>) target(%dma_start3A_54 : memref<64x128xf32, #tpu.memory_space<vmem_shared>>) target_semaphore(%run_scoped3A : memref<!tpu.dma_semaphore, #tpu.memory_space<semaphore_mem>>)
        %dma_wait3A = arith.constant 0 : i32
        %dma_wait3A_55 = tpu.memref_slice %arg6[%add3A_50, %dma_wait3A] : memref<10240x128xf32, #tpu.memory_space<vmem_shared>> -> memref<64x128xf32, #tpu.memory_space<vmem_shared>>
        %dma_wait3A_56 = arith.constant 0 : i32
        %dma_wait3A_57 = tpu.memref_slice %arg6[%add3A_50, %dma_wait3A_56] : memref<10240x128xf32, #tpu.memory_space<vmem_shared>> -> memref<64x128xf32, #tpu.memory_space<vmem_shared>>
        tpu.wait_dma2 semaphore(%run_scoped3A : memref<!tpu.dma_semaphore, #tpu.memory_space<semaphore_mem>>) src(%arg7 : memref<64x128xf32, #tpu.memory_space<vmem>>) dst(%dma_wait3A_57 : memref<64x128xf32, #tpu.memory_space<vmem_shared>>)
        tpu.yield
      }) : () -> ()
    }
    %scan3A_17 = arith.constant 10 : i32
    %barrier3A = arith.constant 0 : index
    tpu.barrier barrier_id(%barrier3A)
    "tpu.region"() ({
      %run_scoped3A = tpu.sem_alloc : memref<!tpu.dma_semaphore, #tpu.memory_space<semaphore_mem>>
      %dma_start3A_41 = tpu.memref_slice %arg3[%select_n3A] : memref<327680xi32, #tpu.memory_space<hbm>> -> memref<128xi32, #tpu.memory_space<hbm>>
      %dma_start3A_42 = tpu.memref_slice %arg3[%select_n3A] : memref<327680xi32, #tpu.memory_space<hbm>> -> memref<128xi32, #tpu.memory_space<hbm>>
      tpu.enqueue_dma source(%dma_start3A_42 : memref<128xi32, #tpu.memory_space<hbm>>) target(%arg8 : memref<128xi32, #tpu.memory_space<vmem>>) target_semaphore(%run_scoped3A : memref<!tpu.dma_semaphore, #tpu.memory_space<semaphore_mem>>)
      %dma_wait3A = tpu.memref_slice %arg3[%select_n3A] : memref<327680xi32, #tpu.memory_space<hbm>> -> memref<128xi32, #tpu.memory_space<hbm>>
      %dma_wait3A_43 = tpu.memref_slice %arg3[%select_n3A] : memref<327680xi32, #tpu.memory_space<hbm>> -> memref<128xi32, #tpu.memory_space<hbm>>
      tpu.wait_dma2 semaphore(%run_scoped3A : memref<!tpu.dma_semaphore, #tpu.memory_space<semaphore_mem>>) src(%dma_wait3A_43 : memref<128xi32, #tpu.memory_space<hbm>>) dst(%arg8 : memref<128xi32, #tpu.memory_space<vmem>>)
      tpu.yield
    }) : () -> ()
    %dma_start3A = arith.constant 0 : i32
    %dma_start3A_18 = arith.constant 0 : i32
    %dma_start3A_19 = tpu.memref_slice %arg2[%dma_start3A, %dma_start3A_18] : memref<10240x128xf32, #tpu.memory_space<hbm>> -> memref<10240x128xf32, #tpu.memory_space<hbm>>
    tpu.enqueue_indirect_dma source(%dma_start3A_19 : memref<10240x128xf32, #tpu.memory_space<hbm>>) target(%arg12 : memref<128x128xf32, #tpu.memory_space<vmem>>) offsets(%arg8 : memref<128xi32, #tpu.memory_space<vmem>>) semaphore(%arg14 : memref<!tpu.dma_semaphore, #tpu.memory_space<semaphore_mem>>)
    %sub3A = arith.constant 0 : i32
    %sub3A_20 = arith.subi %select_n3A_8, %sub3A : i32
    %sub3A_21 = arith.constant 2 : i32
    %sub3A_22 = arith.constant 1 : i32
    %sub3A_23 = arith.subi %sub3A_21, %sub3A_22 : i32
    %add3A_24 = arith.addi %sub3A_20, %sub3A_23 : i32
    %div3A = arith.constant 2 : i32
    %div3A_25 = arith.divsi %add3A_24, %div3A : i32
    %while3A = arith.constant 2 : i32
    %while3A_26 = arith.constant 0 : i32
    %while3A_27 = arith.constant 0 : i32
    %while3A_28 = arith.subi %div3A_25, %while3A_27 : i32
    %while3A_29 = arith.addi %while3A_27, %while3A_28 : i32
    %while3A_30 = arith.constant 1 : i32
    %while3A_31 = arith.divsi %while3A_28, %while3A_30 : i32
    %while3A_32 = arith.muli %while3A_31, %while3A_30 : i32
    %while3A_33 = arith.addi %while3A_27, %while3A_32 : i32
    %while3A_34 = arith.constant 1 : i32
    scf.for %while3A_41 = %while3A_27 to %while3A_33 step %while3A_34  : i32 {
      %mul3A_42 = arith.muli %while3A_41, %while3A : i32
      %add3A_43 = arith.addi %while3A_26, %mul3A_42 : i32
      %add3A_44 = arith.constant 1 : i32
      %add3A_45 = arith.addi %add3A_43, %add3A_44 : i32
      %mul3A_46 = arith.constant 128 : i32
      %mul3A_47 = arith.muli %add3A_45, %mul3A_46 : i32
      %add3A_48 = arith.addi %select_n3A, %mul3A_47 : i32
      "tpu.region"() ({
        %run_scoped3A = tpu.sem_alloc : memref<!tpu.dma_semaphore, #tpu.memory_space<semaphore_mem>>
        %dma_start3A_68 = tpu.memref_slice %arg3[%add3A_48] : memref<327680xi32, #tpu.memory_space<hbm>> -> memref<128xi32, #tpu.memory_space<hbm>>
        %dma_start3A_69 = tpu.memref_slice %arg3[%add3A_48] : memref<327680xi32, #tpu.memory_space<hbm>> -> memref<128xi32, #tpu.memory_space<hbm>>
        tpu.enqueue_dma source(%dma_start3A_69 : memref<128xi32, #tpu.memory_space<hbm>>) target(%arg9 : memref<128xi32, #tpu.memory_space<vmem>>) target_semaphore(%run_scoped3A : memref<!tpu.dma_semaphore, #tpu.memory_space<semaphore_mem>>)
        %dma_wait3A_70 = tpu.memref_slice %arg3[%add3A_48] : memref<327680xi32, #tpu.memory_space<hbm>> -> memref<128xi32, #tpu.memory_space<hbm>>
        %dma_wait3A_71 = tpu.memref_slice %arg3[%add3A_48] : memref<327680xi32, #tpu.memory_space<hbm>> -> memref<128xi32, #tpu.memory_space<hbm>>
        tpu.wait_dma2 semaphore(%run_scoped3A : memref<!tpu.dma_semaphore, #tpu.memory_space<semaphore_mem>>) src(%dma_wait3A_71 : memref<128xi32, #tpu.memory_space<hbm>>) dst(%arg9 : memref<128xi32, #tpu.memory_space<vmem>>)
        tpu.yield
      }) : () -> ()
      %dma_start3A_49 = arith.constant 0 : i32
      %dma_start3A_50 = arith.constant 0 : i32
      %dma_start3A_51 = tpu.memref_slice %arg2[%dma_start3A_49, %dma_start3A_50] : memref<10240x128xf32, #tpu.memory_space<hbm>> -> memref<10240x128xf32, #tpu.memory_space<hbm>>
      tpu.enqueue_indirect_dma source(%dma_start3A_51 : memref<10240x128xf32, #tpu.memory_space<hbm>>) target(%arg13 : memref<128x128xf32, #tpu.memory_space<vmem>>) offsets(%arg9 : memref<128xi32, #tpu.memory_space<vmem>>) semaphore(%arg15 : memref<!tpu.dma_semaphore, #tpu.memory_space<semaphore_mem>>)
      %dma_wait3A = arith.constant 0 : i32
      %dma_wait3A_52 = arith.constant 0 : i32
      %dma_wait3A_53 = tpu.memref_slice %arg2[%dma_wait3A, %dma_wait3A_52] : memref<10240x128xf32, #tpu.memory_space<hbm>> -> memref<10240x128xf32, #tpu.memory_space<hbm>>
      tpu.wait_indirect_dma semaphore(%arg14 : memref<!tpu.dma_semaphore, #tpu.memory_space<semaphore_mem>>) src(%dma_wait3A_53 : memref<10240x128xf32, #tpu.memory_space<hbm>>) dst(%arg12 : memref<128x128xf32, #tpu.memory_space<vmem>>)
      %mul3A_54 = arith.constant 128 : i32
      %mul3A_55 = arith.muli %add3A_43, %mul3A_54 : i32
      %add3A_56 = arith.addi %select_n3A, %mul3A_55 : i32
      "tpu.region"() ({
        %run_scoped3A = tpu.sem_alloc : memref<!tpu.dma_semaphore, #tpu.memory_space<semaphore_mem>>
        %dma_start3A_68 = tpu.memref_slice %arg4[%add3A_56] : memref<327680xi32, #tpu.memory_space<hbm>> -> memref<128xi32, #tpu.memory_space<hbm>>
        %dma_start3A_69 = tpu.memref_slice %arg4[%add3A_56] : memref<327680xi32, #tpu.memory_space<hbm>> -> memref<128xi32, #tpu.memory_space<hbm>>
        tpu.enqueue_dma source(%dma_start3A_69 : memref<128xi32, #tpu.memory_space<hbm>>) target(%arg10 : memref<128xi32, #tpu.memory_space<vmem>>) target_semaphore(%run_scoped3A : memref<!tpu.dma_semaphore, #tpu.memory_space<semaphore_mem>>)
        %dma_wait3A_70 = tpu.memref_slice %arg4[%add3A_56] : memref<327680xi32, #tpu.memory_space<hbm>> -> memref<128xi32, #tpu.memory_space<hbm>>
        %dma_wait3A_71 = tpu.memref_slice %arg4[%add3A_56] : memref<327680xi32, #tpu.memory_space<hbm>> -> memref<128xi32, #tpu.memory_space<hbm>>
        tpu.wait_dma2 semaphore(%run_scoped3A : memref<!tpu.dma_semaphore, #tpu.memory_space<semaphore_mem>>) src(%dma_wait3A_71 : memref<128xi32, #tpu.memory_space<hbm>>) dst(%arg10 : memref<128xi32, #tpu.memory_space<vmem>>)
        tpu.yield
      }) : () -> ()
      "tpu.region"() ({
        %run_scoped3A = tpu.sem_alloc : memref<!tpu.dma_semaphore, #tpu.memory_space<semaphore_mem>>
        %dma_start3A_68 = arith.constant 0 : i32
        %dma_start3A_69 = arith.constant 0 : i32
        %dma_start3A_70 = tpu.memref_slice %arg6[%dma_start3A_68, %dma_start3A_69] : memref<10240x128xf32, #tpu.memory_space<vmem_shared>> -> memref<10240x128xf32, #tpu.memory_space<vmem_shared>>
        tpu.enqueue_indirect_dma source(%arg12 : memref<128x128xf32, #tpu.memory_space<vmem>>) target(%dma_start3A_70 : memref<10240x128xf32, #tpu.memory_space<vmem_shared>>) offsets(%arg10 : memref<128xi32, #tpu.memory_space<vmem>>) semaphore(%run_scoped3A : memref<!tpu.dma_semaphore, #tpu.memory_space<semaphore_mem>>) {add = true}
        %dma_wait3A_71 = arith.constant 0 : i32
        %dma_wait3A_72 = arith.constant 0 : i32
        %dma_wait3A_73 = tpu.memref_slice %arg6[%dma_wait3A_71, %dma_wait3A_72] : memref<10240x128xf32, #tpu.memory_space<vmem_shared>> -> memref<10240x128xf32, #tpu.memory_space<vmem_shared>>
        tpu.wait_indirect_dma semaphore(%run_scoped3A : memref<!tpu.dma_semaphore, #tpu.memory_space<semaphore_mem>>) src(%arg12 : memref<128x128xf32, #tpu.memory_space<vmem>>) dst(%dma_wait3A_73 : memref<10240x128xf32, #tpu.memory_space<vmem_shared>>)
        tpu.yield
      }) : () -> ()
      %add3A_57 = arith.constant 2 : i32
      %add3A_58 = arith.addi %add3A_43, %add3A_57 : i32
      %lt3A = arith.cmpi slt, %add3A_58, %select_n3A_8 : i32
      %convert_element_type3A = arith.extui %lt3A : i1 to i32
      %cond3A = arith.constant 0 : i32
      %cond3A_59 = arith.cmpi ne, %convert_element_type3A, %cond3A : i32
      scf.if %cond3A_59 {
        %add3A_68 = arith.constant 2 : i32
        %add3A_69 = arith.addi %add3A_43, %add3A_68 : i32
        %mul3A_70 = arith.constant 128 : i32
        %mul3A_71 = arith.muli %add3A_69, %mul3A_70 : i32
        %add3A_72 = arith.addi %select_n3A, %mul3A_71 : i32
        "tpu.region"() ({
          %run_scoped3A = tpu.sem_alloc : memref<!tpu.dma_semaphore, #tpu.memory_space<semaphore_mem>>
          %dma_start3A_76 = tpu.memref_slice %arg3[%add3A_72] : memref<327680xi32, #tpu.memory_space<hbm>> -> memref<128xi32, #tpu.memory_space<hbm>>
          %dma_start3A_77 = tpu.memref_slice %arg3[%add3A_72] : memref<327680xi32, #tpu.memory_space<hbm>> -> memref<128xi32, #tpu.memory_space<hbm>>
          tpu.enqueue_dma source(%dma_start3A_77 : memref<128xi32, #tpu.memory_space<hbm>>) target(%arg8 : memref<128xi32, #tpu.memory_space<vmem>>) target_semaphore(%run_scoped3A : memref<!tpu.dma_semaphore, #tpu.memory_space<semaphore_mem>>)
          %dma_wait3A_78 = tpu.memref_slice %arg3[%add3A_72] : memref<327680xi32, #tpu.memory_space<hbm>> -> memref<128xi32, #tpu.memory_space<hbm>>
          %dma_wait3A_79 = tpu.memref_slice %arg3[%add3A_72] : memref<327680xi32, #tpu.memory_space<hbm>> -> memref<128xi32, #tpu.memory_space<hbm>>
          tpu.wait_dma2 semaphore(%run_scoped3A : memref<!tpu.dma_semaphore, #tpu.memory_space<semaphore_mem>>) src(%dma_wait3A_79 : memref<128xi32, #tpu.memory_space<hbm>>) dst(%arg8 : memref<128xi32, #tpu.memory_space<vmem>>)
          tpu.yield
        }) : () -> ()
        %dma_start3A_73 = arith.constant 0 : i32
        %dma_start3A_74 = arith.constant 0 : i32
        %dma_start3A_75 = tpu.memref_slice %arg2[%dma_start3A_73, %dma_start3A_74] : memref<10240x128xf32, #tpu.memory_space<hbm>> -> memref<10240x128xf32, #tpu.memory_space<hbm>>
        tpu.enqueue_indirect_dma source(%dma_start3A_75 : memref<10240x128xf32, #tpu.memory_space<hbm>>) target(%arg12 : memref<128x128xf32, #tpu.memory_space<vmem>>) offsets(%arg8 : memref<128xi32, #tpu.memory_space<vmem>>) semaphore(%arg14 : memref<!tpu.dma_semaphore, #tpu.memory_space<semaphore_mem>>)
      } else {
      }
      %dma_wait3A_60 = arith.constant 0 : i32
      %dma_wait3A_61 = arith.constant 0 : i32
      %dma_wait3A_62 = tpu.memref_slice %arg2[%dma_wait3A_60, %dma_wait3A_61] : memref<10240x128xf32, #tpu.memory_space<hbm>> -> memref<10240x128xf32, #tpu.memory_space<hbm>>
      tpu.wait_indirect_dma semaphore(%arg15 : memref<!tpu.dma_semaphore, #tpu.memory_space<semaphore_mem>>) src(%dma_wait3A_62 : memref<10240x128xf32, #tpu.memory_space<hbm>>) dst(%arg13 : memref<128x128xf32, #tpu.memory_space<vmem>>)
      %add3A_63 = arith.constant 1 : i32
      %add3A_64 = arith.addi %add3A_43, %add3A_63 : i32
      %mul3A_65 = arith.constant 128 : i32
      %mul3A_66 = arith.muli %add3A_64, %mul3A_65 : i32
      %add3A_67 = arith.addi %select_n3A, %mul3A_66 : i32
      "tpu.region"() ({
        %run_scoped3A = tpu.sem_alloc : memref<!tpu.dma_semaphore, #tpu.memory_space<semaphore_mem>>
        %dma_start3A_68 = tpu.memref_slice %arg4[%add3A_67] : memref<327680xi32, #tpu.memory_space<hbm>> -> memref<128xi32, #tpu.memory_space<hbm>>
        %dma_start3A_69 = tpu.memref_slice %arg4[%add3A_67] : memref<327680xi32, #tpu.memory_space<hbm>> -> memref<128xi32, #tpu.memory_space<hbm>>
        tpu.enqueue_dma source(%dma_start3A_69 : memref<128xi32, #tpu.memory_space<hbm>>) target(%arg11 : memref<128xi32, #tpu.memory_space<vmem>>) target_semaphore(%run_scoped3A : memref<!tpu.dma_semaphore, #tpu.memory_space<semaphore_mem>>)
        %dma_wait3A_70 = tpu.memref_slice %arg4[%add3A_67] : memref<327680xi32, #tpu.memory_space<hbm>> -> memref<128xi32, #tpu.memory_space<hbm>>
        %dma_wait3A_71 = tpu.memref_slice %arg4[%add3A_67] : memref<327680xi32, #tpu.memory_space<hbm>> -> memref<128xi32, #tpu.memory_space<hbm>>
        tpu.wait_dma2 semaphore(%run_scoped3A : memref<!tpu.dma_semaphore, #tpu.memory_space<semaphore_mem>>) src(%dma_wait3A_71 : memref<128xi32, #tpu.memory_space<hbm>>) dst(%arg11 : memref<128xi32, #tpu.memory_space<vmem>>)
        tpu.yield
      }) : () -> ()
      "tpu.region"() ({
        %run_scoped3A = tpu.sem_alloc : memref<!tpu.dma_semaphore, #tpu.memory_space<semaphore_mem>>
        %dma_start3A_68 = arith.constant 0 : i32
        %dma_start3A_69 = arith.constant 0 : i32
        %dma_start3A_70 = tpu.memref_slice %arg6[%dma_start3A_68, %dma_start3A_69] : memref<10240x128xf32, #tpu.memory_space<vmem_shared>> -> memref<10240x128xf32, #tpu.memory_space<vmem_shared>>
        tpu.enqueue_indirect_dma source(%arg13 : memref<128x128xf32, #tpu.memory_space<vmem>>) target(%dma_start3A_70 : memref<10240x128xf32, #tpu.memory_space<vmem_shared>>) offsets(%arg11 : memref<128xi32, #tpu.memory_space<vmem>>) semaphore(%run_scoped3A : memref<!tpu.dma_semaphore, #tpu.memory_space<semaphore_mem>>) {add = true}
        %dma_wait3A_71 = arith.constant 0 : i32
        %dma_wait3A_72 = arith.constant 0 : i32
        %dma_wait3A_73 = tpu.memref_slice %arg6[%dma_wait3A_71, %dma_wait3A_72] : memref<10240x128xf32, #tpu.memory_space<vmem_shared>> -> memref<10240x128xf32, #tpu.memory_space<vmem_shared>>
        tpu.wait_indirect_dma semaphore(%run_scoped3A : memref<!tpu.dma_semaphore, #tpu.memory_space<semaphore_mem>>) src(%arg13 : memref<128x128xf32, #tpu.memory_space<vmem>>) dst(%dma_wait3A_73 : memref<10240x128xf32, #tpu.memory_space<vmem_shared>>)
        tpu.yield
      }) : () -> ()
    }
    %while3A_35 = arith.constant 1 : i32
    scf.for %while3A_41 = %while3A_33 to %while3A_29 step %while3A_35  : i32 {
      %mul3A_42 = arith.muli %while3A_41, %while3A : i32
      %add3A_43 = arith.addi %while3A_26, %mul3A_42 : i32
      %add3A_44 = arith.constant 1 : i32
      %add3A_45 = arith.addi %add3A_43, %add3A_44 : i32
      %mul3A_46 = arith.constant 128 : i32
      %mul3A_47 = arith.muli %add3A_45, %mul3A_46 : i32
      %add3A_48 = arith.addi %select_n3A, %mul3A_47 : i32
      "tpu.region"() ({
        %run_scoped3A = tpu.sem_alloc : memref<!tpu.dma_semaphore, #tpu.memory_space<semaphore_mem>>
        %dma_start3A_68 = tpu.memref_slice %arg3[%add3A_48] : memref<327680xi32, #tpu.memory_space<hbm>> -> memref<128xi32, #tpu.memory_space<hbm>>
        %dma_start3A_69 = tpu.memref_slice %arg3[%add3A_48] : memref<327680xi32, #tpu.memory_space<hbm>> -> memref<128xi32, #tpu.memory_space<hbm>>
        tpu.enqueue_dma source(%dma_start3A_69 : memref<128xi32, #tpu.memory_space<hbm>>) target(%arg9 : memref<128xi32, #tpu.memory_space<vmem>>) target_semaphore(%run_scoped3A : memref<!tpu.dma_semaphore, #tpu.memory_space<semaphore_mem>>)
        %dma_wait3A_70 = tpu.memref_slice %arg3[%add3A_48] : memref<327680xi32, #tpu.memory_space<hbm>> -> memref<128xi32, #tpu.memory_space<hbm>>
        %dma_wait3A_71 = tpu.memref_slice %arg3[%add3A_48] : memref<327680xi32, #tpu.memory_space<hbm>> -> memref<128xi32, #tpu.memory_space<hbm>>
        tpu.wait_dma2 semaphore(%run_scoped3A : memref<!tpu.dma_semaphore, #tpu.memory_space<semaphore_mem>>) src(%dma_wait3A_71 : memref<128xi32, #tpu.memory_space<hbm>>) dst(%arg9 : memref<128xi32, #tpu.memory_space<vmem>>)
        tpu.yield
      }) : () -> ()
      %dma_start3A_49 = arith.constant 0 : i32
      %dma_start3A_50 = arith.constant 0 : i32
      %dma_start3A_51 = tpu.memref_slice %arg2[%dma_start3A_49, %dma_start3A_50] : memref<10240x128xf32, #tpu.memory_space<hbm>> -> memref<10240x128xf32, #tpu.memory_space<hbm>>
      tpu.enqueue_indirect_dma source(%dma_start3A_51 : memref<10240x128xf32, #tpu.memory_space<hbm>>) target(%arg13 : memref<128x128xf32, #tpu.memory_space<vmem>>) offsets(%arg9 : memref<128xi32, #tpu.memory_space<vmem>>) semaphore(%arg15 : memref<!tpu.dma_semaphore, #tpu.memory_space<semaphore_mem>>)
      %dma_wait3A = arith.constant 0 : i32
      %dma_wait3A_52 = arith.constant 0 : i32
      %dma_wait3A_53 = tpu.memref_slice %arg2[%dma_wait3A, %dma_wait3A_52] : memref<10240x128xf32, #tpu.memory_space<hbm>> -> memref<10240x128xf32, #tpu.memory_space<hbm>>
      tpu.wait_indirect_dma semaphore(%arg14 : memref<!tpu.dma_semaphore, #tpu.memory_space<semaphore_mem>>) src(%dma_wait3A_53 : memref<10240x128xf32, #tpu.memory_space<hbm>>) dst(%arg12 : memref<128x128xf32, #tpu.memory_space<vmem>>)
      %mul3A_54 = arith.constant 128 : i32
      %mul3A_55 = arith.muli %add3A_43, %mul3A_54 : i32
      %add3A_56 = arith.addi %select_n3A, %mul3A_55 : i32
      "tpu.region"() ({
        %run_scoped3A = tpu.sem_alloc : memref<!tpu.dma_semaphore, #tpu.memory_space<semaphore_mem>>
        %dma_start3A_68 = tpu.memref_slice %arg4[%add3A_56] : memref<327680xi32, #tpu.memory_space<hbm>> -> memref<128xi32, #tpu.memory_space<hbm>>
        %dma_start3A_69 = tpu.memref_slice %arg4[%add3A_56] : memref<327680xi32, #tpu.memory_space<hbm>> -> memref<128xi32, #tpu.memory_space<hbm>>
        tpu.enqueue_dma source(%dma_start3A_69 : memref<128xi32, #tpu.memory_space<hbm>>) target(%arg10 : memref<128xi32, #tpu.memory_space<vmem>>) target_semaphore(%run_scoped3A : memref<!tpu.dma_semaphore, #tpu.memory_space<semaphore_mem>>)
        %dma_wait3A_70 = tpu.memref_slice %arg4[%add3A_56] : memref<327680xi32, #tpu.memory_space<hbm>> -> memref<128xi32, #tpu.memory_space<hbm>>
        %dma_wait3A_71 = tpu.memref_slice %arg4[%add3A_56] : memref<327680xi32, #tpu.memory_space<hbm>> -> memref<128xi32, #tpu.memory_space<hbm>>
        tpu.wait_dma2 semaphore(%run_scoped3A : memref<!tpu.dma_semaphore, #tpu.memory_space<semaphore_mem>>) src(%dma_wait3A_71 : memref<128xi32, #tpu.memory_space<hbm>>) dst(%arg10 : memref<128xi32, #tpu.memory_space<vmem>>)
        tpu.yield
      }) : () -> ()
      "tpu.region"() ({
        %run_scoped3A = tpu.sem_alloc : memref<!tpu.dma_semaphore, #tpu.memory_space<semaphore_mem>>
        %dma_start3A_68 = arith.constant 0 : i32
        %dma_start3A_69 = arith.constant 0 : i32
        %dma_start3A_70 = tpu.memref_slice %arg6[%dma_start3A_68, %dma_start3A_69] : memref<10240x128xf32, #tpu.memory_space<vmem_shared>> -> memref<10240x128xf32, #tpu.memory_space<vmem_shared>>
        tpu.enqueue_indirect_dma source(%arg12 : memref<128x128xf32, #tpu.memory_space<vmem>>) target(%dma_start3A_70 : memref<10240x128xf32, #tpu.memory_space<vmem_shared>>) offsets(%arg10 : memref<128xi32, #tpu.memory_space<vmem>>) semaphore(%run_scoped3A : memref<!tpu.dma_semaphore, #tpu.memory_space<semaphore_mem>>) {add = true}
        %dma_wait3A_71 = arith.constant 0 : i32
        %dma_wait3A_72 = arith.constant 0 : i32
        %dma_wait3A_73 = tpu.memref_slice %arg6[%dma_wait3A_71, %dma_wait3A_72] : memref<10240x128xf32, #tpu.memory_space<vmem_shared>> -> memref<10240x128xf32, #tpu.memory_space<vmem_shared>>
        tpu.wait_indirect_dma semaphore(%run_scoped3A : memref<!tpu.dma_semaphore, #tpu.memory_space<semaphore_mem>>) src(%arg12 : memref<128x128xf32, #tpu.memory_space<vmem>>) dst(%dma_wait3A_73 : memref<10240x128xf32, #tpu.memory_space<vmem_shared>>)
        tpu.yield
      }) : () -> ()
      %add3A_57 = arith.constant 2 : i32
      %add3A_58 = arith.addi %add3A_43, %add3A_57 : i32
      %lt3A = arith.cmpi slt, %add3A_58, %select_n3A_8 : i32
      %convert_element_type3A = arith.extui %lt3A : i1 to i32
      %cond3A = arith.constant 0 : i32
      %cond3A_59 = arith.cmpi ne, %convert_element_type3A, %cond3A : i32
      scf.if %cond3A_59 {
        %add3A_68 = arith.constant 2 : i32
        %add3A_69 = arith.addi %add3A_43, %add3A_68 : i32
        %mul3A_70 = arith.constant 128 : i32
        %mul3A_71 = arith.muli %add3A_69, %mul3A_70 : i32
        %add3A_72 = arith.addi %select_n3A, %mul3A_71 : i32
        "tpu.region"() ({
          %run_scoped3A = tpu.sem_alloc : memref<!tpu.dma_semaphore, #tpu.memory_space<semaphore_mem>>
          %dma_start3A_76 = tpu.memref_slice %arg3[%add3A_72] : memref<327680xi32, #tpu.memory_space<hbm>> -> memref<128xi32, #tpu.memory_space<hbm>>
          %dma_start3A_77 = tpu.memref_slice %arg3[%add3A_72] : memref<327680xi32, #tpu.memory_space<hbm>> -> memref<128xi32, #tpu.memory_space<hbm>>
          tpu.enqueue_dma source(%dma_start3A_77 : memref<128xi32, #tpu.memory_space<hbm>>) target(%arg8 : memref<128xi32, #tpu.memory_space<vmem>>) target_semaphore(%run_scoped3A : memref<!tpu.dma_semaphore, #tpu.memory_space<semaphore_mem>>)
          %dma_wait3A_78 = tpu.memref_slice %arg3[%add3A_72] : memref<327680xi32, #tpu.memory_space<hbm>> -> memref<128xi32, #tpu.memory_space<hbm>>
          %dma_wait3A_79 = tpu.memref_slice %arg3[%add3A_72] : memref<327680xi32, #tpu.memory_space<hbm>> -> memref<128xi32, #tpu.memory_space<hbm>>
          tpu.wait_dma2 semaphore(%run_scoped3A : memref<!tpu.dma_semaphore, #tpu.memory_space<semaphore_mem>>) src(%dma_wait3A_79 : memref<128xi32, #tpu.memory_space<hbm>>) dst(%arg8 : memref<128xi32, #tpu.memory_space<vmem>>)
          tpu.yield
        }) : () -> ()
        %dma_start3A_73 = arith.constant 0 : i32
        %dma_start3A_74 = arith.constant 0 : i32
        %dma_start3A_75 = tpu.memref_slice %arg2[%dma_start3A_73, %dma_start3A_74] : memref<10240x128xf32, #tpu.memory_space<hbm>> -> memref<10240x128xf32, #tpu.memory_space<hbm>>
        tpu.enqueue_indirect_dma source(%dma_start3A_75 : memref<10240x128xf32, #tpu.memory_space<hbm>>) target(%arg12 : memref<128x128xf32, #tpu.memory_space<vmem>>) offsets(%arg8 : memref<128xi32, #tpu.memory_space<vmem>>) semaphore(%arg14 : memref<!tpu.dma_semaphore, #tpu.memory_space<semaphore_mem>>)
      } else {
      }
      %dma_wait3A_60 = arith.constant 0 : i32
      %dma_wait3A_61 = arith.constant 0 : i32
      %dma_wait3A_62 = tpu.memref_slice %arg2[%dma_wait3A_60, %dma_wait3A_61] : memref<10240x128xf32, #tpu.memory_space<hbm>> -> memref<10240x128xf32, #tpu.memory_space<hbm>>
      tpu.wait_indirect_dma semaphore(%arg15 : memref<!tpu.dma_semaphore, #tpu.memory_space<semaphore_mem>>) src(%dma_wait3A_62 : memref<10240x128xf32, #tpu.memory_space<hbm>>) dst(%arg13 : memref<128x128xf32, #tpu.memory_space<vmem>>)
      %add3A_63 = arith.constant 1 : i32
      %add3A_64 = arith.addi %add3A_43, %add3A_63 : i32
      %mul3A_65 = arith.constant 128 : i32
      %mul3A_66 = arith.muli %add3A_64, %mul3A_65 : i32
      %add3A_67 = arith.addi %select_n3A, %mul3A_66 : i32
      "tpu.region"() ({
        %run_scoped3A = tpu.sem_alloc : memref<!tpu.dma_semaphore, #tpu.memory_space<semaphore_mem>>
        %dma_start3A_68 = tpu.memref_slice %arg4[%add3A_67] : memref<327680xi32, #tpu.memory_space<hbm>> -> memref<128xi32, #tpu.memory_space<hbm>>
        %dma_start3A_69 = tpu.memref_slice %arg4[%add3A_67] : memref<327680xi32, #tpu.memory_space<hbm>> -> memref<128xi32, #tpu.memory_space<hbm>>
        tpu.enqueue_dma source(%dma_start3A_69 : memref<128xi32, #tpu.memory_space<hbm>>) target(%arg11 : memref<128xi32, #tpu.memory_space<vmem>>) target_semaphore(%run_scoped3A : memref<!tpu.dma_semaphore, #tpu.memory_space<semaphore_mem>>)
        %dma_wait3A_70 = tpu.memref_slice %arg4[%add3A_67] : memref<327680xi32, #tpu.memory_space<hbm>> -> memref<128xi32, #tpu.memory_space<hbm>>
        %dma_wait3A_71 = tpu.memref_slice %arg4[%add3A_67] : memref<327680xi32, #tpu.memory_space<hbm>> -> memref<128xi32, #tpu.memory_space<hbm>>
        tpu.wait_dma2 semaphore(%run_scoped3A : memref<!tpu.dma_semaphore, #tpu.memory_space<semaphore_mem>>) src(%dma_wait3A_71 : memref<128xi32, #tpu.memory_space<hbm>>) dst(%arg11 : memref<128xi32, #tpu.memory_space<vmem>>)
        tpu.yield
      }) : () -> ()
      "tpu.region"() ({
        %run_scoped3A = tpu.sem_alloc : memref<!tpu.dma_semaphore, #tpu.memory_space<semaphore_mem>>
        %dma_start3A_68 = arith.constant 0 : i32
        %dma_start3A_69 = arith.constant 0 : i32
        %dma_start3A_70 = tpu.memref_slice %arg6[%dma_start3A_68, %dma_start3A_69] : memref<10240x128xf32, #tpu.memory_space<vmem_shared>> -> memref<10240x128xf32, #tpu.memory_space<vmem_shared>>
        tpu.enqueue_indirect_dma source(%arg13 : memref<128x128xf32, #tpu.memory_space<vmem>>) target(%dma_start3A_70 : memref<10240x128xf32, #tpu.memory_space<vmem_shared>>) offsets(%arg11 : memref<128xi32, #tpu.memory_space<vmem>>) semaphore(%run_scoped3A : memref<!tpu.dma_semaphore, #tpu.memory_space<semaphore_mem>>) {add = true}
        %dma_wait3A_71 = arith.constant 0 : i32
        %dma_wait3A_72 = arith.constant 0 : i32
        %dma_wait3A_73 = tpu.memref_slice %arg6[%dma_wait3A_71, %dma_wait3A_72] : memref<10240x128xf32, #tpu.memory_space<vmem_shared>> -> memref<10240x128xf32, #tpu.memory_space<vmem_shared>>
        tpu.wait_indirect_dma semaphore(%run_scoped3A : memref<!tpu.dma_semaphore, #tpu.memory_space<semaphore_mem>>) src(%arg13 : memref<128x128xf32, #tpu.memory_space<vmem>>) dst(%dma_wait3A_73 : memref<10240x128xf32, #tpu.memory_space<vmem_shared>>)
        tpu.yield
      }) : () -> ()
    }
    %barrier3A_36 = arith.constant 0 : index
    tpu.barrier barrier_id(%barrier3A_36)
    %mul3A_37 = arith.constant 640 : i32
    %mul3A_38 = arith.muli %arg1, %mul3A_37 : i32
    %mul3A_39 = arith.constant 640 : i32
    %mul3A_40 = arith.muli %arg1, %mul3A_39 : i32
    "tpu.region"() ({
      %run_scoped3A = tpu.sem_alloc : memref<!tpu.dma_semaphore, #tpu.memory_space<semaphore_mem>>
      %dma_start3A_41 = arith.constant 0 : i32
      %dma_start3A_42 = tpu.memref_slice %arg5[%arg0, %mul3A_40, %dma_start3A_41] : memref<2x10240x128xf32, #tpu.memory_space<hbm>> -> memref<1x640x128xf32, #tpu.memory_space<hbm>>
      %dma_start3A_43 = tpu.memref_squeeze %dma_start3A_42 : memref<1x640x128xf32, #tpu.memory_space<hbm>> -> memref<640x128xf32, #tpu.memory_space<hbm>>
      %dma_start3A_44 = arith.constant 0 : i32
      %dma_start3A_45 = tpu.memref_slice %arg6[%mul3A_38, %dma_start3A_44] : memref<10240x128xf32, #tpu.memory_space<vmem_shared>> -> memref<640x128xf32, #tpu.memory_space<vmem_shared>>
      tpu.enqueue_dma source(%dma_start3A_45 : memref<640x128xf32, #tpu.memory_space<vmem_shared>>) target(%dma_start3A_43 : memref<640x128xf32, #tpu.memory_space<hbm>>) target_semaphore(%run_scoped3A : memref<!tpu.dma_semaphore, #tpu.memory_space<semaphore_mem>>)
      %dma_wait3A = arith.constant 0 : i32
      %dma_wait3A_46 = tpu.memref_slice %arg5[%arg0, %mul3A_40, %dma_wait3A] : memref<2x10240x128xf32, #tpu.memory_space<hbm>> -> memref<1x640x128xf32, #tpu.memory_space<hbm>>
      %dma_wait3A_47 = tpu.memref_squeeze %dma_wait3A_46 : memref<1x640x128xf32, #tpu.memory_space<hbm>> -> memref<640x128xf32, #tpu.memory_space<hbm>>
      %dma_wait3A_48 = arith.constant 0 : i32
      %dma_wait3A_49 = tpu.memref_slice %arg6[%mul3A_38, %dma_wait3A_48] : memref<10240x128xf32, #tpu.memory_space<vmem_shared>> -> memref<640x128xf32, #tpu.memory_space<vmem_shared>>
      tpu.wait_dma2 semaphore(%run_scoped3A : memref<!tpu.dma_semaphore, #tpu.memory_space<semaphore_mem>>) src(%dma_wait3A_49 : memref<640x128xf32, #tpu.memory_space<vmem_shared>>) dst(%dma_wait3A_47 : memref<640x128xf32, #tpu.memory_space<hbm>>)
      tpu.yield
    }) : () -> ()
    return
  }
}

#map = affine_map<(d0, d1) -> (0, 0)>
#map1 = affine_map<(d0, d1) -> (0)>
#map2 = affine_map<(d0, d1) -> (0, 0, 0)>
module attributes {stable_mosaic.version = 14 : i64} {
  func.func @_sc_segsum_body(%arg0: i32, %arg1: i32, %arg2: memref<10240x128xf32, #tpu.memory_space<hbm>>, %arg3: memref<327680xi32, #tpu.memory_space<hbm>>, %arg4: memref<327680xi32, #tpu.memory_space<hbm>>, %arg5: memref<2x10240x128xf32, #tpu.memory_space<hbm>>, %arg6: memref<10240x128xf32, #tpu.memory_space<vmem_shared>>, %arg7: memref<64x128xf32, #tpu.memory_space<vmem>>, %arg8: memref<128xi32, #tpu.memory_space<vmem>>, %arg9: memref<128xi32, #tpu.memory_space<vmem>>, %arg10: memref<128xi32, #tpu.memory_space<vmem>>, %arg11: memref<128xi32, #tpu.memory_space<vmem>>, %arg12: memref<128x128xf32, #tpu.memory_space<vmem>>, %arg13: memref<128x128xf32, #tpu.memory_space<vmem>>, %arg14: memref<!tpu.dma_semaphore, #tpu.memory_space<semaphore_mem>>, %arg15: memref<!tpu.dma_semaphore, #tpu.memory_space<semaphore_mem>>) attributes {dimension_semantics = [#tpu.dimension_semantics<core_parallel>, #tpu.dimension_semantics<subcore_parallel>], iteration_bounds = array<i64: 2, 16>, scalar_prefetch = 0 : i64, scratch_operands = 10 : i64, tpu.core_type = #tpu.core_type<sc_vector_subcore>, window_params = [{transform_indices = #map}, {transform_indices = #map1}, {transform_indices = #map1}, {transform_indices = #map2}]} {
    %eq3A = arith.constant 0 : i32
    %eq3A_0 = arith.cmpi eq, %arg0, %eq3A : i32
    %mul3A = arith.constant 19456 : i32
    %mul3A_1 = arith.muli %arg1, %mul3A : i32
    %mul3A_2 = arith.constant 1024 : i32
    %mul3A_3 = arith.muli %arg1, %mul3A_2 : i32
    %add3A = arith.constant 311296 : i32
    %add3A_4 = arith.addi %add3A, %mul3A_3 : i32
    %select_n3A = arith.select %eq3A_0, %mul3A_1, %add3A_4 : i32
    %eq3A_5 = arith.constant 0 : i32
    %eq3A_6 = arith.cmpi eq, %arg0, %eq3A_5 : i32
    %jit3A = arith.constant 152 : i32
    %jit3A_7 = arith.constant 8 : i32
    %select_n3A_8 = arith.select %eq3A_6, %jit3A, %jit3A_7 : i32
    %scan3A = arith.constant 0 : i32
    %scan3A_9 = arith.constant 64 : i32
    %scan3A_10 = arith.addi %scan3A, %scan3A_9 : i32
    %scan3A_11 = arith.constant 1 : i32
    scf.for %scan3A_41 = %scan3A to %scan3A_10 step %scan3A_11  : i32 {
      %mul3A_42 = arith.constant 1 : i32
      %mul3A_43 = arith.muli %scan3A_41, %mul3A_42 : i32
      %add3A_44 = arith.constant 0 : i32
      %add3A_45 = arith.addi %add3A_44, %mul3A_43 : i32
      %scan3A_46 = arith.constant 0 : i32
      %scan3A_47 = arith.constant 8 : i32
      %scan3A_48 = arith.addi %scan3A_46, %scan3A_47 : i32
      %scan3A_49 = arith.constant 1 : i32
      scf.for %scan3A_51 = %scan3A_46 to %scan3A_48 step %scan3A_49  : i32 {
        %mul3A_52 = arith.constant 1 : i32
        %mul3A_53 = arith.muli %scan3A_51, %mul3A_52 : i32
        %add3A_54 = arith.constant 0 : i32
        %add3A_55 = arith.addi %add3A_54, %mul3A_53 : i32
        %broadcast_in_dim3A = arith.constant 0.000000e+00 : f32
        %broadcast_in_dim3A_56 = vector.broadcast %broadcast_in_dim3A : f32 to vector<16xf32>
        %mul3A_57 = arith.constant 16 : i32
        %mul3A_58 = arith.muli %add3A_55, %mul3A_57 : i32
        %swap3A = arith.index_cast %add3A_45 : i32 to index
        %swap3A_59 = arith.index_cast %mul3A_58 : i32 to index
        %swap3A_60 = tpu.vector_load %arg7[%swap3A, %swap3A_59] {strides = array<i32>} : memref<64x128xf32, #tpu.memory_space<vmem>>, vector<1x16xf32>,
        %swap3A_61 = vector.shape_cast %swap3A_60 : vector<1x16xf32> to vector<16xf32>
        %swap3A_62 = vector.shape_cast %broadcast_in_dim3A_56 : vector<16xf32> to vector<1x16xf32>
        tpu.vector_store %arg7[%swap3A, %swap3A_59], %swap3A_62 {strides = array<i32>} : memref<64x128xf32, #tpu.memory_space<vmem>>, vector<1x16xf32>,
      }
      %scan3A_50 = arith.constant 8 : i32
    }
    %scan3A_12 = arith.constant 64 : i32
    %scan3A_13 = arith.constant 0 : i32
    %scan3A_14 = arith.constant 10 : i32
    %scan3A_15 = arith.addi %scan3A_13, %scan3A_14 : i32
    %scan3A_16 = arith.constant 1 : i32
    scf.for %scan3A_41 = %scan3A_13 to %scan3A_15 step %scan3A_16  : i32 {
      %mul3A_42 = arith.constant 1 : i32
      %mul3A_43 = arith.muli %scan3A_41, %mul3A_42 : i32
      %add3A_44 = arith.constant 0 : i32
      %add3A_45 = arith.addi %add3A_44, %mul3A_43 : i32
      %mul3A_46 = arith.constant 640 : i32
      %mul3A_47 = arith.muli %arg1, %mul3A_46 : i32
      %mul3A_48 = arith.constant 64 : i32
      %mul3A_49 = arith.muli %add3A_45, %mul3A_48 : i32
      %add3A_50 = arith.addi %mul3A_47, %mul3A_49 : i32
      "tpu.region"() ({
        %run_scoped3A = tpu.sem_alloc : memref<!tpu.dma_semaphore, #tpu.memory_space<semaphore_mem>>
        %dma_start3A_51 = arith.constant 0 : i32
        %dma_start3A_52 = tpu.memref_slice %arg6[%add3A_50, %dma_start3A_51] : memref<10240x128xf32, #tpu.memory_space<vmem_shared>> -> memref<64x128xf32, #tpu.memory_space<vmem_shared>>
        %dma_start3A_53 = arith.constant 0 : i32
        %dma_start3A_54 = tpu.memref_slice %arg6[%add3A_50, %dma_start3A_53] : memref<10240x128xf32, #tpu.memory_space<vmem_shared>> -> memref<64x128xf32, #tpu.memory_space<vmem_shared>>
        tpu.enqueue_dma source(%arg7 : memref<64x128xf32, #tpu.memory_space<vmem>>) target(%dma_start3A_54 : memref<64x128xf32, #tpu.memory_space<vmem_shared>>) target_semaphore(%run_scoped3A : memref<!tpu.dma_semaphore, #tpu.memory_space<semaphore_mem>>)
        %dma_wait3A = arith.constant 0 : i32
        %dma_wait3A_55 = tpu.memref_slice %arg6[%add3A_50, %dma_wait3A] : memref<10240x128xf32, #tpu.memory_space<vmem_shared>> -> memref<64x128xf32, #tpu.memory_space<vmem_shared>>
        %dma_wait3A_56 = arith.constant 0 : i32
        %dma_wait3A_57 = tpu.memref_slice %arg6[%add3A_50, %dma_wait3A_56] : memref<10240x128xf32, #tpu.memory_space<vmem_shared>> -> memref<64x128xf32, #tpu.memory_space<vmem_shared>>
        tpu.wait_dma2 semaphore(%run_scoped3A : memref<!tpu.dma_semaphore, #tpu.memory_space<semaphore_mem>>) src(%arg7 : memref<64x128xf32, #tpu.memory_space<vmem>>) dst(%dma_wait3A_57 : memref<64x128xf32, #tpu.memory_space<vmem_shared>>)
        tpu.yield
      }) : () -> ()
    }
    %scan3A_17 = arith.constant 10 : i32
    %barrier3A = arith.constant 0 : index
    tpu.barrier barrier_id(%barrier3A)
    "tpu.region"() ({
      %run_scoped3A = tpu.sem_alloc : memref<!tpu.dma_semaphore, #tpu.memory_space<semaphore_mem>>
      %dma_start3A_41 = tpu.memref_slice %arg3[%select_n3A] : memref<327680xi32, #tpu.memory_space<hbm>> -> memref<128xi32, #tpu.memory_space<hbm>>
      %dma_start3A_42 = tpu.memref_slice %arg3[%select_n3A] : memref<327680xi32, #tpu.memory_space<hbm>> -> memref<128xi32, #tpu.memory_space<hbm>>
      tpu.enqueue_dma source(%dma_start3A_42 : memref<128xi32, #tpu.memory_space<hbm>>) target(%arg8 : memref<128xi32, #tpu.memory_space<vmem>>) target_semaphore(%run_scoped3A : memref<!tpu.dma_semaphore, #tpu.memory_space<semaphore_mem>>)
      %dma_wait3A = tpu.memref_slice %arg3[%select_n3A] : memref<327680xi32, #tpu.memory_space<hbm>> -> memref<128xi32, #tpu.memory_space<hbm>>
      %dma_wait3A_43 = tpu.memref_slice %arg3[%select_n3A] : memref<327680xi32, #tpu.memory_space<hbm>> -> memref<128xi32, #tpu.memory_space<hbm>>
      tpu.wait_dma2 semaphore(%run_scoped3A : memref<!tpu.dma_semaphore, #tpu.memory_space<semaphore_mem>>) src(%dma_wait3A_43 : memref<128xi32, #tpu.memory_space<hbm>>) dst(%arg8 : memref<128xi32, #tpu.memory_space<vmem>>)
      tpu.yield
    }) : () -> ()
    %dma_start3A = arith.constant 0 : i32
    %dma_start3A_18 = arith.constant 0 : i32
    %dma_start3A_19 = tpu.memref_slice %arg2[%dma_start3A, %dma_start3A_18] : memref<10240x128xf32, #tpu.memory_space<hbm>> -> memref<10240x128xf32, #tpu.memory_space<hbm>>
    tpu.enqueue_indirect_dma source(%dma_start3A_19 : memref<10240x128xf32, #tpu.memory_space<hbm>>) target(%arg12 : memref<128x128xf32, #tpu.memory_space<vmem>>) offsets(%arg8 : memref<128xi32, #tpu.memory_space<vmem>>) semaphore(%arg14 : memref<!tpu.dma_semaphore, #tpu.memory_space<semaphore_mem>>)
    %sub3A = arith.constant 0 : i32
    %sub3A_20 = arith.subi %select_n3A_8, %sub3A : i32
    %sub3A_21 = arith.constant 2 : i32
    %sub3A_22 = arith.constant 1 : i32
    %sub3A_23 = arith.subi %sub3A_21, %sub3A_22 : i32
    %add3A_24 = arith.addi %sub3A_20, %sub3A_23 : i32
    %div3A = arith.constant 2 : i32
    %div3A_25 = arith.divsi %add3A_24, %div3A : i32
    %while3A = arith.constant 2 : i32
    %while3A_26 = arith.constant 0 : i32
    %while3A_27 = arith.constant 0 : i32
    %while3A_28 = arith.subi %div3A_25, %while3A_27 : i32
    %while3A_29 = arith.addi %while3A_27, %while3A_28 : i32
    %while3A_30 = arith.constant 1 : i32
    %while3A_31 = arith.divsi %while3A_28, %while3A_30 : i32
    %while3A_32 = arith.muli %while3A_31, %while3A_30 : i32
    %while3A_33 = arith.addi %while3A_27, %while3A_32 : i32
    %while3A_34 = arith.constant 1 : i32
    scf.for %while3A_41 = %while3A_27 to %while3A_33 step %while3A_34  : i32 {
      %mul3A_42 = arith.muli %while3A_41, %while3A : i32
      %add3A_43 = arith.addi %while3A_26, %mul3A_42 : i32
      %add3A_44 = arith.constant 1 : i32
      %add3A_45 = arith.addi %add3A_43, %add3A_44 : i32
      %mul3A_46 = arith.constant 128 : i32
      %mul3A_47 = arith.muli %add3A_45, %mul3A_46 : i32
      %add3A_48 = arith.addi %select_n3A, %mul3A_47 : i32
      "tpu.region"() ({
        %run_scoped3A = tpu.sem_alloc : memref<!tpu.dma_semaphore, #tpu.memory_space<semaphore_mem>>
        %dma_start3A_68 = tpu.memref_slice %arg3[%add3A_48] : memref<327680xi32, #tpu.memory_space<hbm>> -> memref<128xi32, #tpu.memory_space<hbm>>
        %dma_start3A_69 = tpu.memref_slice %arg3[%add3A_48] : memref<327680xi32, #tpu.memory_space<hbm>> -> memref<128xi32, #tpu.memory_space<hbm>>
        tpu.enqueue_dma source(%dma_start3A_69 : memref<128xi32, #tpu.memory_space<hbm>>) target(%arg9 : memref<128xi32, #tpu.memory_space<vmem>>) target_semaphore(%run_scoped3A : memref<!tpu.dma_semaphore, #tpu.memory_space<semaphore_mem>>)
        %dma_wait3A_70 = tpu.memref_slice %arg3[%add3A_48] : memref<327680xi32, #tpu.memory_space<hbm>> -> memref<128xi32, #tpu.memory_space<hbm>>
        %dma_wait3A_71 = tpu.memref_slice %arg3[%add3A_48] : memref<327680xi32, #tpu.memory_space<hbm>> -> memref<128xi32, #tpu.memory_space<hbm>>
        tpu.wait_dma2 semaphore(%run_scoped3A : memref<!tpu.dma_semaphore, #tpu.memory_space<semaphore_mem>>) src(%dma_wait3A_71 : memref<128xi32, #tpu.memory_space<hbm>>) dst(%arg9 : memref<128xi32, #tpu.memory_space<vmem>>)
        tpu.yield
      }) : () -> ()
      %dma_start3A_49 = arith.constant 0 : i32
      %dma_start3A_50 = arith.constant 0 : i32
      %dma_start3A_51 = tpu.memref_slice %arg2[%dma_start3A_49, %dma_start3A_50] : memref<10240x128xf32, #tpu.memory_space<hbm>> -> memref<10240x128xf32, #tpu.memory_space<hbm>>
      tpu.enqueue_indirect_dma source(%dma_start3A_51 : memref<10240x128xf32, #tpu.memory_space<hbm>>) target(%arg13 : memref<128x128xf32, #tpu.memory_space<vmem>>) offsets(%arg9 : memref<128xi32, #tpu.memory_space<vmem>>) semaphore(%arg15 : memref<!tpu.dma_semaphore, #tpu.memory_space<semaphore_mem>>)
      %dma_wait3A = arith.constant 0 : i32
      %dma_wait3A_52 = arith.constant 0 : i32
      %dma_wait3A_53 = tpu.memref_slice %arg2[%dma_wait3A, %dma_wait3A_52] : memref<10240x128xf32, #tpu.memory_space<hbm>> -> memref<10240x128xf32, #tpu.memory_space<hbm>>
      tpu.wait_indirect_dma semaphore(%arg14 : memref<!tpu.dma_semaphore, #tpu.memory_space<semaphore_mem>>) src(%dma_wait3A_53 : memref<10240x128xf32, #tpu.memory_space<hbm>>) dst(%arg12 : memref<128x128xf32, #tpu.memory_space<vmem>>)
      %mul3A_54 = arith.constant 128 : i32
      %mul3A_55 = arith.muli %add3A_43, %mul3A_54 : i32
      %add3A_56 = arith.addi %select_n3A, %mul3A_55 : i32
      "tpu.region"() ({
        %run_scoped3A = tpu.sem_alloc : memref<!tpu.dma_semaphore, #tpu.memory_space<semaphore_mem>>
        %dma_start3A_68 = tpu.memref_slice %arg4[%add3A_56] : memref<327680xi32, #tpu.memory_space<hbm>> -> memref<128xi32, #tpu.memory_space<hbm>>
        %dma_start3A_69 = tpu.memref_slice %arg4[%add3A_56] : memref<327680xi32, #tpu.memory_space<hbm>> -> memref<128xi32, #tpu.memory_space<hbm>>
        tpu.enqueue_dma source(%dma_start3A_69 : memref<128xi32, #tpu.memory_space<hbm>>) target(%arg10 : memref<128xi32, #tpu.memory_space<vmem>>) target_semaphore(%run_scoped3A : memref<!tpu.dma_semaphore, #tpu.memory_space<semaphore_mem>>)
        %dma_wait3A_70 = tpu.memref_slice %arg4[%add3A_56] : memref<327680xi32, #tpu.memory_space<hbm>> -> memref<128xi32, #tpu.memory_space<hbm>>
        %dma_wait3A_71 = tpu.memref_slice %arg4[%add3A_56] : memref<327680xi32, #tpu.memory_space<hbm>> -> memref<128xi32, #tpu.memory_space<hbm>>
        tpu.wait_dma2 semaphore(%run_scoped3A : memref<!tpu.dma_semaphore, #tpu.memory_space<semaphore_mem>>) src(%dma_wait3A_71 : memref<128xi32, #tpu.memory_space<hbm>>) dst(%arg10 : memref<128xi32, #tpu.memory_space<vmem>>)
        tpu.yield
      }) : () -> ()
      "tpu.region"() ({
        %run_scoped3A = tpu.sem_alloc : memref<!tpu.dma_semaphore, #tpu.memory_space<semaphore_mem>>
        %dma_start3A_68 = arith.constant 0 : i32
        %dma_start3A_69 = arith.constant 0 : i32
        %dma_start3A_70 = tpu.memref_slice %arg6[%dma_start3A_68, %dma_start3A_69] : memref<10240x128xf32, #tpu.memory_space<vmem_shared>> -> memref<10240x128xf32, #tpu.memory_space<vmem_shared>>
        tpu.enqueue_indirect_dma source(%arg12 : memref<128x128xf32, #tpu.memory_space<vmem>>) target(%dma_start3A_70 : memref<10240x128xf32, #tpu.memory_space<vmem_shared>>) offsets(%arg10 : memref<128xi32, #tpu.memory_space<vmem>>) semaphore(%run_scoped3A : memref<!tpu.dma_semaphore, #tpu.memory_space<semaphore_mem>>) {add = true}
        %dma_wait3A_71 = arith.constant 0 : i32
        %dma_wait3A_72 = arith.constant 0 : i32
        %dma_wait3A_73 = tpu.memref_slice %arg6[%dma_wait3A_71, %dma_wait3A_72] : memref<10240x128xf32, #tpu.memory_space<vmem_shared>> -> memref<10240x128xf32, #tpu.memory_space<vmem_shared>>
        tpu.wait_indirect_dma semaphore(%run_scoped3A : memref<!tpu.dma_semaphore, #tpu.memory_space<semaphore_mem>>) src(%arg12 : memref<128x128xf32, #tpu.memory_space<vmem>>) dst(%dma_wait3A_73 : memref<10240x128xf32, #tpu.memory_space<vmem_shared>>)
        tpu.yield
      }) : () -> ()
      %add3A_57 = arith.constant 2 : i32
      %add3A_58 = arith.addi %add3A_43, %add3A_57 : i32
      %lt3A = arith.cmpi slt, %add3A_58, %select_n3A_8 : i32
      %convert_element_type3A = arith.extui %lt3A : i1 to i32
      %cond3A = arith.constant 0 : i32
      %cond3A_59 = arith.cmpi ne, %convert_element_type3A, %cond3A : i32
      scf.if %cond3A_59 {
        %add3A_68 = arith.constant 2 : i32
        %add3A_69 = arith.addi %add3A_43, %add3A_68 : i32
        %mul3A_70 = arith.constant 128 : i32
        %mul3A_71 = arith.muli %add3A_69, %mul3A_70 : i32
        %add3A_72 = arith.addi %select_n3A, %mul3A_71 : i32
        "tpu.region"() ({
          %run_scoped3A = tpu.sem_alloc : memref<!tpu.dma_semaphore, #tpu.memory_space<semaphore_mem>>
          %dma_start3A_76 = tpu.memref_slice %arg3[%add3A_72] : memref<327680xi32, #tpu.memory_space<hbm>> -> memref<128xi32, #tpu.memory_space<hbm>>
          %dma_start3A_77 = tpu.memref_slice %arg3[%add3A_72] : memref<327680xi32, #tpu.memory_space<hbm>> -> memref<128xi32, #tpu.memory_space<hbm>>
          tpu.enqueue_dma source(%dma_start3A_77 : memref<128xi32, #tpu.memory_space<hbm>>) target(%arg8 : memref<128xi32, #tpu.memory_space<vmem>>) target_semaphore(%run_scoped3A : memref<!tpu.dma_semaphore, #tpu.memory_space<semaphore_mem>>)
          %dma_wait3A_78 = tpu.memref_slice %arg3[%add3A_72] : memref<327680xi32, #tpu.memory_space<hbm>> -> memref<128xi32, #tpu.memory_space<hbm>>
          %dma_wait3A_79 = tpu.memref_slice %arg3[%add3A_72] : memref<327680xi32, #tpu.memory_space<hbm>> -> memref<128xi32, #tpu.memory_space<hbm>>
          tpu.wait_dma2 semaphore(%run_scoped3A : memref<!tpu.dma_semaphore, #tpu.memory_space<semaphore_mem>>) src(%dma_wait3A_79 : memref<128xi32, #tpu.memory_space<hbm>>) dst(%arg8 : memref<128xi32, #tpu.memory_space<vmem>>)
          tpu.yield
        }) : () -> ()
        %dma_start3A_73 = arith.constant 0 : i32
        %dma_start3A_74 = arith.constant 0 : i32
        %dma_start3A_75 = tpu.memref_slice %arg2[%dma_start3A_73, %dma_start3A_74] : memref<10240x128xf32, #tpu.memory_space<hbm>> -> memref<10240x128xf32, #tpu.memory_space<hbm>>
        tpu.enqueue_indirect_dma source(%dma_start3A_75 : memref<10240x128xf32, #tpu.memory_space<hbm>>) target(%arg12 : memref<128x128xf32, #tpu.memory_space<vmem>>) offsets(%arg8 : memref<128xi32, #tpu.memory_space<vmem>>) semaphore(%arg14 : memref<!tpu.dma_semaphore, #tpu.memory_space<semaphore_mem>>)
      } else {
      }
      %dma_wait3A_60 = arith.constant 0 : i32
      %dma_wait3A_61 = arith.constant 0 : i32
      %dma_wait3A_62 = tpu.memref_slice %arg2[%dma_wait3A_60, %dma_wait3A_61] : memref<10240x128xf32, #tpu.memory_space<hbm>> -> memref<10240x128xf32, #tpu.memory_space<hbm>>
      tpu.wait_indirect_dma semaphore(%arg15 : memref<!tpu.dma_semaphore, #tpu.memory_space<semaphore_mem>>) src(%dma_wait3A_62 : memref<10240x128xf32, #tpu.memory_space<hbm>>) dst(%arg13 : memref<128x128xf32, #tpu.memory_space<vmem>>)
      %add3A_63 = arith.constant 1 : i32
      %add3A_64 = arith.addi %add3A_43, %add3A_63 : i32
      %mul3A_65 = arith.constant 128 : i32
      %mul3A_66 = arith.muli %add3A_64, %mul3A_65 : i32
      %add3A_67 = arith.addi %select_n3A, %mul3A_66 : i32
      "tpu.region"() ({
        %run_scoped3A = tpu.sem_alloc : memref<!tpu.dma_semaphore, #tpu.memory_space<semaphore_mem>>
        %dma_start3A_68 = tpu.memref_slice %arg4[%add3A_67] : memref<327680xi32, #tpu.memory_space<hbm>> -> memref<128xi32, #tpu.memory_space<hbm>>
        %dma_start3A_69 = tpu.memref_slice %arg4[%add3A_67] : memref<327680xi32, #tpu.memory_space<hbm>> -> memref<128xi32, #tpu.memory_space<hbm>>
        tpu.enqueue_dma source(%dma_start3A_69 : memref<128xi32, #tpu.memory_space<hbm>>) target(%arg11 : memref<128xi32, #tpu.memory_space<vmem>>) target_semaphore(%run_scoped3A : memref<!tpu.dma_semaphore, #tpu.memory_space<semaphore_mem>>)
        %dma_wait3A_70 = tpu.memref_slice %arg4[%add3A_67] : memref<327680xi32, #tpu.memory_space<hbm>> -> memref<128xi32, #tpu.memory_space<hbm>>
        %dma_wait3A_71 = tpu.memref_slice %arg4[%add3A_67] : memref<327680xi32, #tpu.memory_space<hbm>> -> memref<128xi32, #tpu.memory_space<hbm>>
        tpu.wait_dma2 semaphore(%run_scoped3A : memref<!tpu.dma_semaphore, #tpu.memory_space<semaphore_mem>>) src(%dma_wait3A_71 : memref<128xi32, #tpu.memory_space<hbm>>) dst(%arg11 : memref<128xi32, #tpu.memory_space<vmem>>)
        tpu.yield
      }) : () -> ()
      "tpu.region"() ({
        %run_scoped3A = tpu.sem_alloc : memref<!tpu.dma_semaphore, #tpu.memory_space<semaphore_mem>>
        %dma_start3A_68 = arith.constant 0 : i32
        %dma_start3A_69 = arith.constant 0 : i32
        %dma_start3A_70 = tpu.memref_slice %arg6[%dma_start3A_68, %dma_start3A_69] : memref<10240x128xf32, #tpu.memory_space<vmem_shared>> -> memref<10240x128xf32, #tpu.memory_space<vmem_shared>>
        tpu.enqueue_indirect_dma source(%arg13 : memref<128x128xf32, #tpu.memory_space<vmem>>) target(%dma_start3A_70 : memref<10240x128xf32, #tpu.memory_space<vmem_shared>>) offsets(%arg11 : memref<128xi32, #tpu.memory_space<vmem>>) semaphore(%run_scoped3A : memref<!tpu.dma_semaphore, #tpu.memory_space<semaphore_mem>>) {add = true}
        %dma_wait3A_71 = arith.constant 0 : i32
        %dma_wait3A_72 = arith.constant 0 : i32
        %dma_wait3A_73 = tpu.memref_slice %arg6[%dma_wait3A_71, %dma_wait3A_72] : memref<10240x128xf32, #tpu.memory_space<vmem_shared>> -> memref<10240x128xf32, #tpu.memory_space<vmem_shared>>
        tpu.wait_indirect_dma semaphore(%run_scoped3A : memref<!tpu.dma_semaphore, #tpu.memory_space<semaphore_mem>>) src(%arg13 : memref<128x128xf32, #tpu.memory_space<vmem>>) dst(%dma_wait3A_73 : memref<10240x128xf32, #tpu.memory_space<vmem_shared>>)
        tpu.yield
      }) : () -> ()
    }
    %while3A_35 = arith.constant 1 : i32
    scf.for %while3A_41 = %while3A_33 to %while3A_29 step %while3A_35  : i32 {
      %mul3A_42 = arith.muli %while3A_41, %while3A : i32
      %add3A_43 = arith.addi %while3A_26, %mul3A_42 : i32
      %add3A_44 = arith.constant 1 : i32
      %add3A_45 = arith.addi %add3A_43, %add3A_44 : i32
      %mul3A_46 = arith.constant 128 : i32
      %mul3A_47 = arith.muli %add3A_45, %mul3A_46 : i32
      %add3A_48 = arith.addi %select_n3A, %mul3A_47 : i32
      "tpu.region"() ({
        %run_scoped3A = tpu.sem_alloc : memref<!tpu.dma_semaphore, #tpu.memory_space<semaphore_mem>>
        %dma_start3A_68 = tpu.memref_slice %arg3[%add3A_48] : memref<327680xi32, #tpu.memory_space<hbm>> -> memref<128xi32, #tpu.memory_space<hbm>>
        %dma_start3A_69 = tpu.memref_slice %arg3[%add3A_48] : memref<327680xi32, #tpu.memory_space<hbm>> -> memref<128xi32, #tpu.memory_space<hbm>>
        tpu.enqueue_dma source(%dma_start3A_69 : memref<128xi32, #tpu.memory_space<hbm>>) target(%arg9 : memref<128xi32, #tpu.memory_space<vmem>>) target_semaphore(%run_scoped3A : memref<!tpu.dma_semaphore, #tpu.memory_space<semaphore_mem>>)
        %dma_wait3A_70 = tpu.memref_slice %arg3[%add3A_48] : memref<327680xi32, #tpu.memory_space<hbm>> -> memref<128xi32, #tpu.memory_space<hbm>>
        %dma_wait3A_71 = tpu.memref_slice %arg3[%add3A_48] : memref<327680xi32, #tpu.memory_space<hbm>> -> memref<128xi32, #tpu.memory_space<hbm>>
        tpu.wait_dma2 semaphore(%run_scoped3A : memref<!tpu.dma_semaphore, #tpu.memory_space<semaphore_mem>>) src(%dma_wait3A_71 : memref<128xi32, #tpu.memory_space<hbm>>) dst(%arg9 : memref<128xi32, #tpu.memory_space<vmem>>)
        tpu.yield
      }) : () -> ()
      %dma_start3A_49 = arith.constant 0 : i32
      %dma_start3A_50 = arith.constant 0 : i32
      %dma_start3A_51 = tpu.memref_slice %arg2[%dma_start3A_49, %dma_start3A_50] : memref<10240x128xf32, #tpu.memory_space<hbm>> -> memref<10240x128xf32, #tpu.memory_space<hbm>>
      tpu.enqueue_indirect_dma source(%dma_start3A_51 : memref<10240x128xf32, #tpu.memory_space<hbm>>) target(%arg13 : memref<128x128xf32, #tpu.memory_space<vmem>>) offsets(%arg9 : memref<128xi32, #tpu.memory_space<vmem>>) semaphore(%arg15 : memref<!tpu.dma_semaphore, #tpu.memory_space<semaphore_mem>>)
      %dma_wait3A = arith.constant 0 : i32
      %dma_wait3A_52 = arith.constant 0 : i32
      %dma_wait3A_53 = tpu.memref_slice %arg2[%dma_wait3A, %dma_wait3A_52] : memref<10240x128xf32, #tpu.memory_space<hbm>> -> memref<10240x128xf32, #tpu.memory_space<hbm>>
      tpu.wait_indirect_dma semaphore(%arg14 : memref<!tpu.dma_semaphore, #tpu.memory_space<semaphore_mem>>) src(%dma_wait3A_53 : memref<10240x128xf32, #tpu.memory_space<hbm>>) dst(%arg12 : memref<128x128xf32, #tpu.memory_space<vmem>>)
      %mul3A_54 = arith.constant 128 : i32
      %mul3A_55 = arith.muli %add3A_43, %mul3A_54 : i32
      %add3A_56 = arith.addi %select_n3A, %mul3A_55 : i32
      "tpu.region"() ({
        %run_scoped3A = tpu.sem_alloc : memref<!tpu.dma_semaphore, #tpu.memory_space<semaphore_mem>>
        %dma_start3A_68 = tpu.memref_slice %arg4[%add3A_56] : memref<327680xi32, #tpu.memory_space<hbm>> -> memref<128xi32, #tpu.memory_space<hbm>>
        %dma_start3A_69 = tpu.memref_slice %arg4[%add3A_56] : memref<327680xi32, #tpu.memory_space<hbm>> -> memref<128xi32, #tpu.memory_space<hbm>>
        tpu.enqueue_dma source(%dma_start3A_69 : memref<128xi32, #tpu.memory_space<hbm>>) target(%arg10 : memref<128xi32, #tpu.memory_space<vmem>>) target_semaphore(%run_scoped3A : memref<!tpu.dma_semaphore, #tpu.memory_space<semaphore_mem>>)
        %dma_wait3A_70 = tpu.memref_slice %arg4[%add3A_56] : memref<327680xi32, #tpu.memory_space<hbm>> -> memref<128xi32, #tpu.memory_space<hbm>>
        %dma_wait3A_71 = tpu.memref_slice %arg4[%add3A_56] : memref<327680xi32, #tpu.memory_space<hbm>> -> memref<128xi32, #tpu.memory_space<hbm>>
        tpu.wait_dma2 semaphore(%run_scoped3A : memref<!tpu.dma_semaphore, #tpu.memory_space<semaphore_mem>>) src(%dma_wait3A_71 : memref<128xi32, #tpu.memory_space<hbm>>) dst(%arg10 : memref<128xi32, #tpu.memory_space<vmem>>)
        tpu.yield
      }) : () -> ()
      "tpu.region"() ({
        %run_scoped3A = tpu.sem_alloc : memref<!tpu.dma_semaphore, #tpu.memory_space<semaphore_mem>>
        %dma_start3A_68 = arith.constant 0 : i32
        %dma_start3A_69 = arith.constant 0 : i32
        %dma_start3A_70 = tpu.memref_slice %arg6[%dma_start3A_68, %dma_start3A_69] : memref<10240x128xf32, #tpu.memory_space<vmem_shared>> -> memref<10240x128xf32, #tpu.memory_space<vmem_shared>>
        tpu.enqueue_indirect_dma source(%arg12 : memref<128x128xf32, #tpu.memory_space<vmem>>) target(%dma_start3A_70 : memref<10240x128xf32, #tpu.memory_space<vmem_shared>>) offsets(%arg10 : memref<128xi32, #tpu.memory_space<vmem>>) semaphore(%run_scoped3A : memref<!tpu.dma_semaphore, #tpu.memory_space<semaphore_mem>>) {add = true}
        %dma_wait3A_71 = arith.constant 0 : i32
        %dma_wait3A_72 = arith.constant 0 : i32
        %dma_wait3A_73 = tpu.memref_slice %arg6[%dma_wait3A_71, %dma_wait3A_72] : memref<10240x128xf32, #tpu.memory_space<vmem_shared>> -> memref<10240x128xf32, #tpu.memory_space<vmem_shared>>
        tpu.wait_indirect_dma semaphore(%run_scoped3A : memref<!tpu.dma_semaphore, #tpu.memory_space<semaphore_mem>>) src(%arg12 : memref<128x128xf32, #tpu.memory_space<vmem>>) dst(%dma_wait3A_73 : memref<10240x128xf32, #tpu.memory_space<vmem_shared>>)
        tpu.yield
      }) : () -> ()
      %add3A_57 = arith.constant 2 : i32
      %add3A_58 = arith.addi %add3A_43, %add3A_57 : i32
      %lt3A = arith.cmpi slt, %add3A_58, %select_n3A_8 : i32
      %convert_element_type3A = arith.extui %lt3A : i1 to i32
      %cond3A = arith.constant 0 : i32
      %cond3A_59 = arith.cmpi ne, %convert_element_type3A, %cond3A : i32
      scf.if %cond3A_59 {
        %add3A_68 = arith.constant 2 : i32
        %add3A_69 = arith.addi %add3A_43, %add3A_68 : i32
        %mul3A_70 = arith.constant 128 : i32
        %mul3A_71 = arith.muli %add3A_69, %mul3A_70 : i32
        %add3A_72 = arith.addi %select_n3A, %mul3A_71 : i32
        "tpu.region"() ({
          %run_scoped3A = tpu.sem_alloc : memref<!tpu.dma_semaphore, #tpu.memory_space<semaphore_mem>>
          %dma_start3A_76 = tpu.memref_slice %arg3[%add3A_72] : memref<327680xi32, #tpu.memory_space<hbm>> -> memref<128xi32, #tpu.memory_space<hbm>>
          %dma_start3A_77 = tpu.memref_slice %arg3[%add3A_72] : memref<327680xi32, #tpu.memory_space<hbm>> -> memref<128xi32, #tpu.memory_space<hbm>>
          tpu.enqueue_dma source(%dma_start3A_77 : memref<128xi32, #tpu.memory_space<hbm>>) target(%arg8 : memref<128xi32, #tpu.memory_space<vmem>>) target_semaphore(%run_scoped3A : memref<!tpu.dma_semaphore, #tpu.memory_space<semaphore_mem>>)
          %dma_wait3A_78 = tpu.memref_slice %arg3[%add3A_72] : memref<327680xi32, #tpu.memory_space<hbm>> -> memref<128xi32, #tpu.memory_space<hbm>>
          %dma_wait3A_79 = tpu.memref_slice %arg3[%add3A_72] : memref<327680xi32, #tpu.memory_space<hbm>> -> memref<128xi32, #tpu.memory_space<hbm>>
          tpu.wait_dma2 semaphore(%run_scoped3A : memref<!tpu.dma_semaphore, #tpu.memory_space<semaphore_mem>>) src(%dma_wait3A_79 : memref<128xi32, #tpu.memory_space<hbm>>) dst(%arg8 : memref<128xi32, #tpu.memory_space<vmem>>)
          tpu.yield
        }) : () -> ()
        %dma_start3A_73 = arith.constant 0 : i32
        %dma_start3A_74 = arith.constant 0 : i32
        %dma_start3A_75 = tpu.memref_slice %arg2[%dma_start3A_73, %dma_start3A_74] : memref<10240x128xf32, #tpu.memory_space<hbm>> -> memref<10240x128xf32, #tpu.memory_space<hbm>>
        tpu.enqueue_indirect_dma source(%dma_start3A_75 : memref<10240x128xf32, #tpu.memory_space<hbm>>) target(%arg12 : memref<128x128xf32, #tpu.memory_space<vmem>>) offsets(%arg8 : memref<128xi32, #tpu.memory_space<vmem>>) semaphore(%arg14 : memref<!tpu.dma_semaphore, #tpu.memory_space<semaphore_mem>>)
      } else {
      }
      %dma_wait3A_60 = arith.constant 0 : i32
      %dma_wait3A_61 = arith.constant 0 : i32
      %dma_wait3A_62 = tpu.memref_slice %arg2[%dma_wait3A_60, %dma_wait3A_61] : memref<10240x128xf32, #tpu.memory_space<hbm>> -> memref<10240x128xf32, #tpu.memory_space<hbm>>
      tpu.wait_indirect_dma semaphore(%arg15 : memref<!tpu.dma_semaphore, #tpu.memory_space<semaphore_mem>>) src(%dma_wait3A_62 : memref<10240x128xf32, #tpu.memory_space<hbm>>) dst(%arg13 : memref<128x128xf32, #tpu.memory_space<vmem>>)
      %add3A_63 = arith.constant 1 : i32
      %add3A_64 = arith.addi %add3A_43, %add3A_63 : i32
      %mul3A_65 = arith.constant 128 : i32
      %mul3A_66 = arith.muli %add3A_64, %mul3A_65 : i32
      %add3A_67 = arith.addi %select_n3A, %mul3A_66 : i32
      "tpu.region"() ({
        %run_scoped3A = tpu.sem_alloc : memref<!tpu.dma_semaphore, #tpu.memory_space<semaphore_mem>>
        %dma_start3A_68 = tpu.memref_slice %arg4[%add3A_67] : memref<327680xi32, #tpu.memory_space<hbm>> -> memref<128xi32, #tpu.memory_space<hbm>>
        %dma_start3A_69 = tpu.memref_slice %arg4[%add3A_67] : memref<327680xi32, #tpu.memory_space<hbm>> -> memref<128xi32, #tpu.memory_space<hbm>>
        tpu.enqueue_dma source(%dma_start3A_69 : memref<128xi32, #tpu.memory_space<hbm>>) target(%arg11 : memref<128xi32, #tpu.memory_space<vmem>>) target_semaphore(%run_scoped3A : memref<!tpu.dma_semaphore, #tpu.memory_space<semaphore_mem>>)
        %dma_wait3A_70 = tpu.memref_slice %arg4[%add3A_67] : memref<327680xi32, #tpu.memory_space<hbm>> -> memref<128xi32, #tpu.memory_space<hbm>>
        %dma_wait3A_71 = tpu.memref_slice %arg4[%add3A_67] : memref<327680xi32, #tpu.memory_space<hbm>> -> memref<128xi32, #tpu.memory_space<hbm>>
        tpu.wait_dma2 semaphore(%run_scoped3A : memref<!tpu.dma_semaphore, #tpu.memory_space<semaphore_mem>>) src(%dma_wait3A_71 : memref<128xi32, #tpu.memory_space<hbm>>) dst(%arg11 : memref<128xi32, #tpu.memory_space<vmem>>)
        tpu.yield
      }) : () -> ()
      "tpu.region"() ({
        %run_scoped3A = tpu.sem_alloc : memref<!tpu.dma_semaphore, #tpu.memory_space<semaphore_mem>>
        %dma_start3A_68 = arith.constant 0 : i32
        %dma_start3A_69 = arith.constant 0 : i32
        %dma_start3A_70 = tpu.memref_slice %arg6[%dma_start3A_68, %dma_start3A_69] : memref<10240x128xf32, #tpu.memory_space<vmem_shared>> -> memref<10240x128xf32, #tpu.memory_space<vmem_shared>>
        tpu.enqueue_indirect_dma source(%arg13 : memref<128x128xf32, #tpu.memory_space<vmem>>) target(%dma_start3A_70 : memref<10240x128xf32, #tpu.memory_space<vmem_shared>>) offsets(%arg11 : memref<128xi32, #tpu.memory_space<vmem>>) semaphore(%run_scoped3A : memref<!tpu.dma_semaphore, #tpu.memory_space<semaphore_mem>>) {add = true}
        %dma_wait3A_71 = arith.constant 0 : i32
        %dma_wait3A_72 = arith.constant 0 : i32
        %dma_wait3A_73 = tpu.memref_slice %arg6[%dma_wait3A_71, %dma_wait3A_72] : memref<10240x128xf32, #tpu.memory_space<vmem_shared>> -> memref<10240x128xf32, #tpu.memory_space<vmem_shared>>
        tpu.wait_indirect_dma semaphore(%run_scoped3A : memref<!tpu.dma_semaphore, #tpu.memory_space<semaphore_mem>>) src(%arg13 : memref<128x128xf32, #tpu.memory_space<vmem>>) dst(%dma_wait3A_73 : memref<10240x128xf32, #tpu.memory_space<vmem_shared>>)
        tpu.yield
      }) : () -> ()
    }
    %barrier3A_36 = arith.constant 0 : index
    tpu.barrier barrier_id(%barrier3A_36)
    %mul3A_37 = arith.constant 640 : i32
    %mul3A_38 = arith.muli %arg1, %mul3A_37 : i32
    %mul3A_39 = arith.constant 640 : i32
    %mul3A_40 = arith.muli %arg1, %mul3A_39 : i32
    "tpu.region"() ({
      %run_scoped3A = tpu.sem_alloc : memref<!tpu.dma_semaphore, #tpu.memory_space<semaphore_mem>>
      %dma_start3A_41 = arith.constant 0 : i32
      %dma_start3A_42 = tpu.memref_slice %arg5[%arg0, %mul3A_40, %dma_start3A_41] : memref<2x10240x128xf32, #tpu.memory_space<hbm>> -> memref<1x640x128xf32, #tpu.memory_space<hbm>>
      %dma_start3A_43 = tpu.memref_squeeze %dma_start3A_42 : memref<1x640x128xf32, #tpu.memory_space<hbm>> -> memref<640x128xf32, #tpu.memory_space<hbm>>
      %dma_start3A_44 = arith.constant 0 : i32
      %dma_start3A_45 = tpu.memref_slice %arg6[%mul3A_38, %dma_start3A_44] : memref<10240x128xf32, #tpu.memory_space<vmem_shared>> -> memref<640x128xf32, #tpu.memory_space<vmem_shared>>
      tpu.enqueue_dma source(%dma_start3A_45 : memref<640x128xf32, #tpu.memory_space<vmem_shared>>) target(%dma_start3A_43 : memref<640x128xf32, #tpu.memory_space<hbm>>) target_semaphore(%run_scoped3A : memref<!tpu.dma_semaphore, #tpu.memory_space<semaphore_mem>>)
      %dma_wait3A = arith.constant 0 : i32
      %dma_wait3A_46 = tpu.memref_slice %arg5[%arg0, %mul3A_40, %dma_wait3A] : memref<2x10240x128xf32, #tpu.memory_space<hbm>> -> memref<1x640x128xf32, #tpu.memory_space<hbm>>
      %dma_wait3A_47 = tpu.memref_squeeze %dma_wait3A_46 : memref<1x640x128xf32, #tpu.memory_space<hbm>> -> memref<640x128xf32, #tpu.memory_space<hbm>>
      %dma_wait3A_48 = arith.constant 0 : i32
      %dma_wait3A_49 = tpu.memref_slice %arg6[%mul3A_38, %dma_wait3A_48] : memref<10240x128xf32, #tpu.memory_space<vmem_shared>> -> memref<640x128xf32, #tpu.memory_space<vmem_shared>>
      tpu.wait_dma2 semaphore(%run_scoped3A : memref<!tpu.dma_semaphore, #tpu.memory_space<semaphore_mem>>) src(%dma_wait3A_49 : memref<640x128xf32, #tpu.memory_space<vmem_shared>>) dst(%dma_wait3A_47 : memref<640x128xf32, #tpu.memory_space<hbm>>)
      tpu.yield
    }) : () -> ()
    return
  }
}

module attributes {stable_mosaic.version = 14 : i64} {
  func.func @_l1_body(%arg0: i32, %arg1: memref<2x512x128xf32, #tpu.memory_space<vmem>>, %arg2: memref<512x128xf32, #tpu.memory_space<vmem>>, %arg3: memref<128x128xf32, #tpu.memory_space<vmem>>, %arg4: memref<128x128xf32, #tpu.memory_space<vmem>>, %arg5: memref<1x128xf32, #tpu.memory_space<vmem>>, %arg6: memref<512x128xf32, #tpu.memory_space<vmem>>) attributes {dimension_semantics = [#tpu.dimension_semantics<arbitrary>], iteration_bounds = array<i64: 20>, scalar_prefetch = 0 : i64, scratch_operands = 0 : i64, tpu.core_type = #tpu.core_type<tc>, window_params = [{transform_indices = @transform_0, window_bounds = array<i64: 2, 512, 128>}, {transform_indices = @transform_1, window_bounds = array<i64: 512, 128>}, {pipeline_mode = #tpu.pipeline_mode<synchronous>, transform_indices = @transform_2, window_bounds = array<i64: 128, 128>}, {pipeline_mode = #tpu.pipeline_mode<synchronous>, transform_indices = @transform_3, window_bounds = array<i64: 128, 128>}, {pipeline_mode = #tpu.pipeline_mode<synchronous>, transform_indices = @transform_4, window_bounds = array<i64: 1, 128>}, {transform_indices = @transform_5, window_bounds = array<i64: 512, 128>}]} {
    %get3A = arith.constant 0 : index
    %get3A_0 = arith.constant 0 : index
    %get3A_1 = arith.constant 0 : index
    %get3A_2 = vector.load %arg1[%get3A, %get3A_0, %get3A_1] : memref<2x512x128xf32, #tpu.memory_space<vmem>>, vector<1x512x128xf32>
    %get3A_3 = vector.shape_cast %get3A_2 : vector<1x512x128xf32> to vector<512x128xf32>
    %get3A_4 = arith.constant 1 : index
    %get3A_5 = arith.constant 0 : index
    %get3A_6 = arith.constant 0 : index
    %get3A_7 = vector.load %arg1[%get3A_4, %get3A_5, %get3A_6] : memref<2x512x128xf32, #tpu.memory_space<vmem>>, vector<1x512x128xf32>
    %get3A_8 = vector.shape_cast %get3A_7 : vector<1x512x128xf32> to vector<512x128xf32>
    %add3A = arith.addf %get3A_3, %get3A_8 : vector<512x128xf32>
    %get3A_9 = arith.constant 0 : index
    %get3A_10 = arith.constant 0 : index
    %get3A_11 = vector.load %arg3[%get3A_9, %get3A_10] : memref<128x128xf32, #tpu.memory_space<vmem>>, vector<128x128xf32>
    %dot_general3A = arith.constant dense<0.000000e+00> : vector<512x128xf32>
    %dot_general3A_12 = tpu.matmul %add3A, %get3A_11, %dot_general3A {dimension_numbers = #tpu.dot_dimension_numbers<[1], [0], [0], [1], [0, 0, 1, 1], [], []>, transpose_lhs_hint = false} : vector<512x128xf32>, vector<128x128xf32>, vector<512x128xf32> -> vector<512x128xf32>
    %get3A_13 = arith.constant 0 : index
    %get3A_14 = arith.constant 0 : index
    %get3A_15 = vector.load %arg2[%get3A_13, %get3A_14] : memref<512x128xf32, #tpu.memory_space<vmem>>, vector<512x128xf32>
    %get3A_16 = arith.constant 0 : index
    %get3A_17 = arith.constant 0 : index
    %get3A_18 = vector.load %arg4[%get3A_16, %get3A_17] : memref<128x128xf32, #tpu.memory_space<vmem>>, vector<128x128xf32>
    %dot_general3A_19 = arith.constant dense<0.000000e+00> : vector<512x128xf32>
    %dot_general3A_20 = tpu.matmul %get3A_15, %get3A_18, %dot_general3A_19 {dimension_numbers = #tpu.dot_dimension_numbers<[1], [0], [0], [1], [0, 0, 1, 1], [], []>, transpose_lhs_hint = false} : vector<512x128xf32>, vector<128x128xf32>, vector<512x128xf32> -> vector<512x128xf32>
    %add3A_21 = arith.addf %dot_general3A_12, %dot_general3A_20 : vector<512x128xf32>
    %get3A_22 = arith.constant 0 : index
    %get3A_23 = arith.constant 0 : index
    %get3A_24 = vector.load %arg5[%get3A_22, %get3A_23] : memref<1x128xf32, #tpu.memory_space<vmem>>, vector<1x128xf32>
    %add3A_25 = vector.broadcast %get3A_24 : vector<1x128xf32> to vector<512x128xf32>
    %add3A_26 = arith.addf %add3A_21, %add3A_25 : vector<512x128xf32>
    %max3A = arith.constant 0.000000e+00 : f32
    %max3A_27 = vector.broadcast %max3A : f32 to vector<512x128xf32>
    %max3A_28 = arith.maximumf %add3A_26, %max3A_27 : vector<512x128xf32>
    %swap3A = arith.constant 0 : index
    %swap3A_29 = arith.constant 0 : index
    %swap3A_30 = vector.load %arg6[%swap3A, %swap3A_29] : memref<512x128xf32, #tpu.memory_space<vmem>>, vector<512x128xf32>
    tpu.vector_store %arg6[%swap3A, %swap3A_29], %max3A_28 {strides = array<i32>} : memref<512x128xf32, #tpu.memory_space<vmem>>, vector<512x128xf32>,
    return
  }
  func.func @transform_0(%arg0: i32) -> (i32, i32, i32) {
    %c0_i32 = arith.constant 0 : i32
    %c0_i32_0 = arith.constant 0 : i32
    %c0_i32_1 = arith.constant 0 : i32
    return %c0_i32, %arg0, %c0_i32_0 : i32, i32, i32
  }
  func.func @transform_1(%arg0: i32) -> (i32, i32) {
    %c0_i32 = arith.constant 0 : i32
    %c0_i32_0 = arith.constant 0 : i32
    return %arg0, %c0_i32 : i32, i32
  }
  func.func @transform_2(%arg0: i32) -> (i32, i32) {
    %c0_i32 = arith.constant 0 : i32
    %c0_i32_0 = arith.constant 0 : i32
    %c0_i32_1 = arith.constant 0 : i32
    return %c0_i32, %c0_i32_0 : i32, i32
  }
  func.func @transform_3(%arg0: i32) -> (i32, i32) {
    %c0_i32 = arith.constant 0 : i32
    %c0_i32_0 = arith.constant 0 : i32
    %c0_i32_1 = arith.constant 0 : i32
    return %c0_i32, %c0_i32_0 : i32, i32
  }
  func.func @transform_4(%arg0: i32) -> (i32, i32) {
    %c0_i32 = arith.constant 0 : i32
    %c0_i32_0 = arith.constant 0 : i32
    %c0_i32_1 = arith.constant 0 : i32
    return %c0_i32, %c0_i32_0 : i32, i32
  }
  func.func @transform_5(%arg0: i32) -> (i32, i32) {
    %c0_i32 = arith.constant 0 : i32
    %c0_i32_0 = arith.constant 0 : i32
    return %arg0, %c0_i32 : i32, i32
  }
}

module attributes {stable_mosaic.version = 14 : i64} {
  func.func @_l2_body(%arg0: i32, %arg1: memref<2x512x128xf32, #tpu.memory_space<vmem>>, %arg2: memref<512x128xf32, #tpu.memory_space<vmem>>, %arg3: memref<128x256xf32, #tpu.memory_space<vmem>>, %arg4: memref<128x256xf32, #tpu.memory_space<vmem>>, %arg5: memref<1x256xf32, #tpu.memory_space<vmem>>, %arg6: memref<256x128xf32, #tpu.memory_space<vmem>>, %arg7: memref<512x256xf32, #tpu.memory_space<vmem>>, %arg8: memref<512x128xf32, #tpu.memory_space<vmem>>) attributes {dimension_semantics = [#tpu.dimension_semantics<arbitrary>], iteration_bounds = array<i64: 20>, scalar_prefetch = 0 : i64, scratch_operands = 0 : i64, tpu.core_type = #tpu.core_type<tc>, window_params = [{transform_indices = @transform_0, window_bounds = array<i64: 2, 512, 128>}, {transform_indices = @transform_1, window_bounds = array<i64: 512, 128>}, {pipeline_mode = #tpu.pipeline_mode<synchronous>, transform_indices = @transform_2, window_bounds = array<i64: 128, 256>}, {pipeline_mode = #tpu.pipeline_mode<synchronous>, transform_indices = @transform_3, window_bounds = array<i64: 128, 256>}, {pipeline_mode = #tpu.pipeline_mode<synchronous>, transform_indices = @transform_4, window_bounds = array<i64: 1, 256>}, {pipeline_mode = #tpu.pipeline_mode<synchronous>, transform_indices = @transform_5, window_bounds = array<i64: 256, 128>}, {transform_indices = @transform_6, window_bounds = array<i64: 512, 256>}, {transform_indices = @transform_7, window_bounds = array<i64: 512, 128>}]} {
    %get3A = arith.constant 0 : index
    %get3A_0 = arith.constant 0 : index
    %get3A_1 = arith.constant 0 : index
    %get3A_2 = vector.load %arg1[%get3A, %get3A_0, %get3A_1] : memref<2x512x128xf32, #tpu.memory_space<vmem>>, vector<1x512x128xf32>
    %get3A_3 = vector.shape_cast %get3A_2 : vector<1x512x128xf32> to vector<512x128xf32>
    %get3A_4 = arith.constant 1 : index
    %get3A_5 = arith.constant 0 : index
    %get3A_6 = arith.constant 0 : index
    %get3A_7 = vector.load %arg1[%get3A_4, %get3A_5, %get3A_6] : memref<2x512x128xf32, #tpu.memory_space<vmem>>, vector<1x512x128xf32>
    %get3A_8 = vector.shape_cast %get3A_7 : vector<1x512x128xf32> to vector<512x128xf32>
    %add3A = arith.addf %get3A_3, %get3A_8 : vector<512x128xf32>
    %get3A_9 = arith.constant 0 : index
    %get3A_10 = arith.constant 0 : index
    %get3A_11 = vector.load %arg3[%get3A_9, %get3A_10] : memref<128x256xf32, #tpu.memory_space<vmem>>, vector<128x256xf32>
    %dot_general3A = arith.constant dense<0.000000e+00> : vector<512x256xf32>
    %dot_general3A_12 = tpu.matmul %add3A, %get3A_11, %dot_general3A {dimension_numbers = #tpu.dot_dimension_numbers<[1], [0], [0], [1], [0, 0, 1, 1], [], []>, transpose_lhs_hint = false} : vector<512x128xf32>, vector<128x256xf32>, vector<512x256xf32> -> vector<512x256xf32>
    %get3A_13 = arith.constant 0 : index
    %get3A_14 = arith.constant 0 : index
    %get3A_15 = vector.load %arg2[%get3A_13, %get3A_14] : memref<512x128xf32, #tpu.memory_space<vmem>>, vector<512x128xf32>
    %get3A_16 = arith.constant 0 : index
    %get3A_17 = arith.constant 0 : index
    %get3A_18 = vector.load %arg4[%get3A_16, %get3A_17] : memref<128x256xf32, #tpu.memory_space<vmem>>, vector<128x256xf32>
    %dot_general3A_19 = arith.constant dense<0.000000e+00> : vector<512x256xf32>
    %dot_general3A_20 = tpu.matmul %get3A_15, %get3A_18, %dot_general3A_19 {dimension_numbers = #tpu.dot_dimension_numbers<[1], [0], [0], [1], [0, 0, 1, 1], [], []>, transpose_lhs_hint = false} : vector<512x128xf32>, vector<128x256xf32>, vector<512x256xf32> -> vector<512x256xf32>
    %add3A_21 = arith.addf %dot_general3A_12, %dot_general3A_20 : vector<512x256xf32>
    %get3A_22 = arith.constant 0 : index
    %get3A_23 = arith.constant 0 : index
    %get3A_24 = vector.load %arg5[%get3A_22, %get3A_23] : memref<1x256xf32, #tpu.memory_space<vmem>>, vector<1x256xf32>
    %add3A_25 = vector.broadcast %get3A_24 : vector<1x256xf32> to vector<512x256xf32>
    %add3A_26 = arith.addf %add3A_21, %add3A_25 : vector<512x256xf32>
    %max3A = arith.constant 0.000000e+00 : f32
    %max3A_27 = vector.broadcast %max3A : f32 to vector<512x256xf32>
    %max3A_28 = arith.maximumf %add3A_26, %max3A_27 : vector<512x256xf32>
    %swap3A = arith.constant 0 : index
    %swap3A_29 = arith.constant 0 : index
    %swap3A_30 = vector.load %arg7[%swap3A, %swap3A_29] : memref<512x256xf32, #tpu.memory_space<vmem>>, vector<512x256xf32>
    tpu.vector_store %arg7[%swap3A, %swap3A_29], %max3A_28 {strides = array<i32>} : memref<512x256xf32, #tpu.memory_space<vmem>>, vector<512x256xf32>,
    %get3A_31 = arith.constant 0 : index
    %get3A_32 = arith.constant 0 : index
    %get3A_33 = vector.load %arg6[%get3A_31, %get3A_32] : memref<256x128xf32, #tpu.memory_space<vmem>>, vector<256x128xf32>
    %dot_general3A_34 = arith.constant dense<0.000000e+00> : vector<512x128xf32>
    %dot_general3A_35 = tpu.matmul %max3A_28, %get3A_33, %dot_general3A_34 {dimension_numbers = #tpu.dot_dimension_numbers<[1], [0], [0], [1], [0, 0, 1, 1], [], []>, transpose_lhs_hint = false} : vector<512x256xf32>, vector<256x128xf32>, vector<512x128xf32> -> vector<512x128xf32>
    %swap3A_36 = arith.constant 0 : index
    %swap3A_37 = arith.constant 0 : index
    %swap3A_38 = vector.load %arg8[%swap3A_36, %swap3A_37] : memref<512x128xf32, #tpu.memory_space<vmem>>, vector<512x128xf32>
    tpu.vector_store %arg8[%swap3A_36, %swap3A_37], %dot_general3A_35 {strides = array<i32>} : memref<512x128xf32, #tpu.memory_space<vmem>>, vector<512x128xf32>,
    return
  }
  func.func @transform_0(%arg0: i32) -> (i32, i32, i32) {
    %c0_i32 = arith.constant 0 : i32
    %c0_i32_0 = arith.constant 0 : i32
    %c0_i32_1 = arith.constant 0 : i32
    return %c0_i32, %arg0, %c0_i32_0 : i32, i32, i32
  }
  func.func @transform_1(%arg0: i32) -> (i32, i32) {
    %c0_i32 = arith.constant 0 : i32
    %c0_i32_0 = arith.constant 0 : i32
    return %arg0, %c0_i32 : i32, i32
  }
  func.func @transform_2(%arg0: i32) -> (i32, i32) {
    %c0_i32 = arith.constant 0 : i32
    %c0_i32_0 = arith.constant 0 : i32
    %c0_i32_1 = arith.constant 0 : i32
    return %c0_i32, %c0_i32_0 : i32, i32
  }
  func.func @transform_3(%arg0: i32) -> (i32, i32) {
    %c0_i32 = arith.constant 0 : i32
    %c0_i32_0 = arith.constant 0 : i32
    %c0_i32_1 = arith.constant 0 : i32
    return %c0_i32, %c0_i32_0 : i32, i32
  }
  func.func @transform_4(%arg0: i32) -> (i32, i32) {
    %c0_i32 = arith.constant 0 : i32
    %c0_i32_0 = arith.constant 0 : i32
    %c0_i32_1 = arith.constant 0 : i32
    return %c0_i32, %c0_i32_0 : i32, i32
  }
  func.func @transform_5(%arg0: i32) -> (i32, i32) {
    %c0_i32 = arith.constant 0 : i32
    %c0_i32_0 = arith.constant 0 : i32
    %c0_i32_1 = arith.constant 0 : i32
    return %c0_i32, %c0_i32_0 : i32, i32
  }
  func.func @transform_6(%arg0: i32) -> (i32, i32) {
    %c0_i32 = arith.constant 0 : i32
    %c0_i32_0 = arith.constant 0 : i32
    return %arg0, %c0_i32 : i32, i32
  }
  func.func @transform_7(%arg0: i32) -> (i32, i32) {
    %c0_i32 = arith.constant 0 : i32
    %c0_i32_0 = arith.constant 0 : i32
    return %arg0, %c0_i32 : i32, i32
  }
}

module attributes {stable_mosaic.version = 14 : i64} {
  func.func @_l3_body(%arg0: i32, %arg1: memref<2x512x128xf32, #tpu.memory_space<vmem>>, %arg2: memref<512x256xf32, #tpu.memory_space<vmem>>, %arg3: memref<256x128xf32, #tpu.memory_space<vmem>>, %arg4: memref<1x128xf32, #tpu.memory_space<vmem>>, %arg5: memref<1x1x512xi32, #tpu.memory_space<vmem>>, %arg6: memref<128x62xf32, #tpu.memory_space<vmem>>, %arg7: memref<1x62xf32, #tpu.memory_space<vmem>>, %arg8: memref<64x62xf32, #tpu.memory_space<vmem>>, %arg9: memref<64x128xf32, #tpu.memory_space<vmem>>, %arg10: memref<64x1xf32, #tpu.memory_space<vmem>>) attributes {dimension_semantics = [#tpu.dimension_semantics<arbitrary>], iteration_bounds = array<i64: 20>, scalar_prefetch = 0 : i64, scratch_operands = 2 : i64, tpu.core_type = #tpu.core_type<tc>, window_params = [{transform_indices = @transform_0, window_bounds = array<i64: 2, 512, 128>}, {transform_indices = @transform_1, window_bounds = array<i64: 512, 256>}, {pipeline_mode = #tpu.pipeline_mode<synchronous>, transform_indices = @transform_2, window_bounds = array<i64: 256, 128>}, {pipeline_mode = #tpu.pipeline_mode<synchronous>, transform_indices = @transform_3, window_bounds = array<i64: 1, 128>}, {transform_indices = @transform_4, window_bounds = array<i64: 1, 1, 512>}, {pipeline_mode = #tpu.pipeline_mode<synchronous>, transform_indices = @transform_5, window_bounds = array<i64: 128, 62>}, {pipeline_mode = #tpu.pipeline_mode<synchronous>, transform_indices = @transform_6, window_bounds = array<i64: 1, 62>}, {pipeline_mode = #tpu.pipeline_mode<synchronous>, transform_indices = @transform_7, window_bounds = array<i64: 64, 62>}]} {
    %get3A = arith.constant 0 : index
    %get3A_0 = arith.constant 0 : index
    %get3A_1 = arith.constant 0 : index
    %get3A_2 = vector.load %arg1[%get3A, %get3A_0, %get3A_1] : memref<2x512x128xf32, #tpu.memory_space<vmem>>, vector<1x512x128xf32>
    %get3A_3 = vector.shape_cast %get3A_2 : vector<1x512x128xf32> to vector<512x128xf32>
    %get3A_4 = arith.constant 1 : index
    %get3A_5 = arith.constant 0 : index
    %get3A_6 = arith.constant 0 : index
    %get3A_7 = vector.load %arg1[%get3A_4, %get3A_5, %get3A_6] : memref<2x512x128xf32, #tpu.memory_space<vmem>>, vector<1x512x128xf32>
    %get3A_8 = vector.shape_cast %get3A_7 : vector<1x512x128xf32> to vector<512x128xf32>
    %add3A = arith.addf %get3A_3, %get3A_8 : vector<512x128xf32>
    %get3A_9 = arith.constant 0 : index
    %get3A_10 = arith.constant 0 : index
    %get3A_11 = vector.load %arg2[%get3A_9, %get3A_10] : memref<512x256xf32, #tpu.memory_space<vmem>>, vector<512x256xf32>
    %get3A_12 = arith.constant 0 : index
    %get3A_13 = arith.constant 0 : index
    %get3A_14 = vector.load %arg3[%get3A_12, %get3A_13] : memref<256x128xf32, #tpu.memory_space<vmem>>, vector<256x128xf32>
    %dot_general3A = arith.constant dense<0.000000e+00> : vector<512x128xf32>
    %dot_general3A_15 = tpu.matmul %get3A_11, %get3A_14, %dot_general3A {dimension_numbers = #tpu.dot_dimension_numbers<[1], [0], [0], [1], [0, 0, 1, 1], [], []>, transpose_lhs_hint = false} : vector<512x256xf32>, vector<256x128xf32>, vector<512x128xf32> -> vector<512x128xf32>
    %add3A_16 = arith.addf %add3A, %dot_general3A_15 : vector<512x128xf32>
    %get3A_17 = arith.constant 0 : index
    %get3A_18 = arith.constant 0 : index
    %get3A_19 = vector.load %arg4[%get3A_17, %get3A_18] : memref<1x128xf32, #tpu.memory_space<vmem>>, vector<1x128xf32>
    %add3A_20 = vector.broadcast %get3A_19 : vector<1x128xf32> to vector<512x128xf32>
    %add3A_21 = arith.addf %add3A_16, %add3A_20 : vector<512x128xf32>
    %max3A = arith.constant 0.000000e+00 : f32
    %max3A_22 = vector.broadcast %max3A : f32 to vector<512x128xf32>
    %max3A_23 = arith.maximumf %add3A_21, %max3A_22 : vector<512x128xf32>
    %get3A_24 = arith.constant 0 : index
    %get3A_25 = arith.constant 0 : index
    %get3A_26 = arith.constant 0 : index
    %get3A_27 = vector.load %arg5[%get3A_24, %get3A_25, %get3A_26] : memref<1x1x512xi32, #tpu.memory_space<vmem>>, vector<1x1x512xi32>
    %reshape3A = vector.shape_cast %get3A_27 : vector<1x1x512xi32> to vector<1x512xi32>
    %iota3A = tpu.iota {dimensions = array<i32: 0>} : vector<64x512xi32>
    %eq3A = vector.broadcast %reshape3A : vector<1x512xi32> to vector<64x512xi32>
    %eq3A_28 = arith.cmpi eq, %iota3A, %eq3A : vector<64x512xi32>
    %convert_element_type3A = arith.extui %eq3A_28 : vector<64x512xi1> to vector<64x512xi32>
    %convert_element_type3A_29 = arith.sitofp %convert_element_type3A : vector<64x512xi32> to vector<64x512xf32>
    %dot_general3A_30 = arith.constant dense<0.000000e+00> : vector<64x128xf32>
    %dot_general3A_31 = tpu.matmul %convert_element_type3A_29, %max3A_23, %dot_general3A_30 {dimension_numbers = #tpu.dot_dimension_numbers<[1], [0], [0], [1], [0, 0, 1, 1], [], []>, transpose_lhs_hint = false} : vector<64x512xf32>, vector<512x128xf32>, vector<64x128xf32> -> vector<64x128xf32>
    %reduce_sum3A = arith.constant dense<0.000000e+00> : vector<64xf32>
    %reduce_sum3A_32 = vector.multi_reduction <add>, %convert_element_type3A_29, %reduce_sum3A [1] : vector<64x512xf32> to vector<64xf32>
    %broadcast_in_dim3A = vector.shape_cast %reduce_sum3A_32 : vector<64xf32> to vector<64x1xf32>
    %eq3A_33 = arith.constant 0 : i32
    %eq3A_34 = arith.cmpi eq, %arg0, %eq3A_33 : i32
    %convert_element_type3A_35 = arith.extui %eq3A_34 : i1 to i32
    %cond3A = arith.constant 0 : i32
    %cond3A_36 = arith.cmpi ne, %convert_element_type3A_35, %cond3A : i32
    scf.if %cond3A_36 {
      %swap3A = arith.constant 0 : index
      %swap3A_46 = arith.constant 0 : index
      %swap3A_47 = vector.load %arg9[%swap3A, %swap3A_46] : memref<64x128xf32, #tpu.memory_space<vmem>>, vector<64x128xf32>
      tpu.vector_store %arg9[%swap3A, %swap3A_46], %dot_general3A_31 {strides = array<i32>} : memref<64x128xf32, #tpu.memory_space<vmem>>, vector<64x128xf32>,
      %swap3A_48 = arith.constant 0 : index
      %swap3A_49 = arith.constant 0 : index
      %swap3A_50 = vector.load %arg10[%swap3A_48, %swap3A_49] : memref<64x1xf32, #tpu.memory_space<vmem>>, vector<64x1xf32>
      tpu.vector_store %arg10[%swap3A_48, %swap3A_49], %broadcast_in_dim3A {strides = array<i32>} : memref<64x1xf32, #tpu.memory_space<vmem>>, vector<64x1xf32>,
    } else {
    }
    %gt3A = arith.constant 0 : i32
    %gt3A_37 = arith.cmpi sgt, %arg0, %gt3A : i32
    %convert_element_type3A_38 = arith.extui %gt3A_37 : i1 to i32
    %cond3A_39 = arith.constant 0 : i32
    %cond3A_40 = arith.cmpi ne, %convert_element_type3A_38, %cond3A_39 : i32
    scf.if %cond3A_40 {
      %get3A_46 = arith.constant 0 : index
      %get3A_47 = arith.constant 0 : index
      %get3A_48 = vector.load %arg9[%get3A_46, %get3A_47] : memref<64x128xf32, #tpu.memory_space<vmem>>, vector<64x128xf32>
      %add3A_49 = arith.addf %get3A_48, %dot_general3A_31 : vector<64x128xf32>
      %swap3A = arith.constant 0 : index
      %swap3A_50 = arith.constant 0 : index
      %swap3A_51 = vector.load %arg9[%swap3A, %swap3A_50] : memref<64x128xf32, #tpu.memory_space<vmem>>, vector<64x128xf32>
      tpu.vector_store %arg9[%swap3A, %swap3A_50], %add3A_49 {strides = array<i32>} : memref<64x128xf32, #tpu.memory_space<vmem>>, vector<64x128xf32>,
      %get3A_52 = arith.constant 0 : index
      %get3A_53 = arith.constant 0 : index
      %get3A_54 = vector.load %arg10[%get3A_52, %get3A_53] : memref<64x1xf32, #tpu.memory_space<vmem>>, vector<64x1xf32>
      %add3A_55 = arith.addf %get3A_54, %broadcast_in_dim3A : vector<64x1xf32>
      %swap3A_56 = arith.constant 0 : index
      %swap3A_57 = arith.constant 0 : index
      %swap3A_58 = vector.load %arg10[%swap3A_56, %swap3A_57] : memref<64x1xf32, #tpu.memory_space<vmem>>, vector<64x1xf32>
      tpu.vector_store %arg10[%swap3A_56, %swap3A_57], %add3A_55 {strides = array<i32>} : memref<64x1xf32, #tpu.memory_space<vmem>>, vector<64x1xf32>,
    } else {
    }
    %eq3A_41 = arith.constant 19 : i32
    %eq3A_42 = arith.cmpi eq, %arg0, %eq3A_41 : i32
    %convert_element_type3A_43 = arith.extui %eq3A_42 : i1 to i32
    %cond3A_44 = arith.constant 0 : i32
    %cond3A_45 = arith.cmpi ne, %convert_element_type3A_43, %cond3A_44 : i32
    scf.if %cond3A_45 {
      %get3A_46 = arith.constant 0 : index
      %get3A_47 = arith.constant 0 : index
      %get3A_48 = vector.load %arg9[%get3A_46, %get3A_47] : memref<64x128xf32, #tpu.memory_space<vmem>>, vector<64x128xf32>
      %get3A_49 = arith.constant 0 : index
      %get3A_50 = arith.constant 0 : index
      %get3A_51 = vector.load %arg10[%get3A_49, %get3A_50] : memref<64x1xf32, #tpu.memory_space<vmem>>, vector<64x1xf32>
      %max3A_52 = arith.constant 1.000000e+00 : f32
      %max3A_53 = vector.broadcast %max3A_52 : f32 to vector<64x1xf32>
      %max3A_54 = arith.maximumf %get3A_51, %max3A_53 : vector<64x1xf32>
      %div3A = vector.broadcast %max3A_54 : vector<64x1xf32> to vector<64x128xf32>
      %div3A_55 = arith.divf %get3A_48, %div3A : vector<64x128xf32>
      %get3A_56 = arith.constant 0 : index
      %get3A_57 = arith.constant 0 : index
      %get3A_58 = vector.load %arg6[%get3A_56, %get3A_57] : memref<128x62xf32, #tpu.memory_space<vmem>>, vector<128x62xf32>
      %dot_general3A_59 = arith.constant dense<0.000000e+00> : vector<64x62xf32>
      %dot_general3A_60 = tpu.matmul %div3A_55, %get3A_58, %dot_general3A_59 {dimension_numbers = #tpu.dot_dimension_numbers<[1], [0], [0], [1], [0, 0, 1, 1], [], []>, transpose_lhs_hint = false} : vector<64x128xf32>, vector<128x62xf32>, vector<64x62xf32> -> vector<64x62xf32>
      %get3A_61 = arith.constant 0 : index
      %get3A_62 = arith.constant 0 : index
      %get3A_63 = vector.load %arg7[%get3A_61, %get3A_62] : memref<1x62xf32, #tpu.memory_space<vmem>>, vector<1x62xf32>
      %add3A_64 = vector.broadcast %get3A_63 : vector<1x62xf32> to vector<64x62xf32>
      %add3A_65 = arith.addf %dot_general3A_60, %add3A_64 : vector<64x62xf32>
      %max3A_66 = arith.constant 0.000000e+00 : f32
      %max3A_67 = vector.broadcast %max3A_66 : f32 to vector<64x62xf32>
      %max3A_68 = arith.maximumf %add3A_65, %max3A_67 : vector<64x62xf32>
      %swap3A = arith.constant 0 : index
      %swap3A_69 = arith.constant 0 : index
      %swap3A_70 = vector.load %arg8[%swap3A, %swap3A_69] : memref<64x62xf32, #tpu.memory_space<vmem>>, vector<64x62xf32>
      tpu.vector_store %arg8[%swap3A, %swap3A_69], %max3A_68 {strides = array<i32>} : memref<64x62xf32, #tpu.memory_space<vmem>>, vector<64x62xf32>,
    } else {
    }
    return
  }
  func.func @transform_0(%arg0: i32) -> (i32, i32, i32) {
    %c0_i32 = arith.constant 0 : i32
    %c0_i32_0 = arith.constant 0 : i32
    %c0_i32_1 = arith.constant 0 : i32
    return %c0_i32, %arg0, %c0_i32_0 : i32, i32, i32
  }
  func.func @transform_1(%arg0: i32) -> (i32, i32) {
    %c0_i32 = arith.constant 0 : i32
    %c0_i32_0 = arith.constant 0 : i32
    return %arg0, %c0_i32 : i32, i32
  }
  func.func @transform_2(%arg0: i32) -> (i32, i32) {
    %c0_i32 = arith.constant 0 : i32
    %c0_i32_0 = arith.constant 0 : i32
    %c0_i32_1 = arith.constant 0 : i32
    return %c0_i32, %c0_i32_0 : i32, i32
  }
  func.func @transform_3(%arg0: i32) -> (i32, i32) {
    %c0_i32 = arith.constant 0 : i32
    %c0_i32_0 = arith.constant 0 : i32
    %c0_i32_1 = arith.constant 0 : i32
    return %c0_i32, %c0_i32_0 : i32, i32
  }
  func.func @transform_4(%arg0: i32) -> (i32, i32, i32) {
    %c0_i32 = arith.constant 0 : i32
    %c0_i32_0 = arith.constant 0 : i32
    %c0_i32_1 = arith.constant 0 : i32
    return %arg0, %c0_i32, %c0_i32_0 : i32, i32, i32
  }
  func.func @transform_5(%arg0: i32) -> (i32, i32) {
    %c0_i32 = arith.constant 0 : i32
    %c0_i32_0 = arith.constant 0 : i32
    %c0_i32_1 = arith.constant 0 : i32
    return %c0_i32, %c0_i32_0 : i32, i32
  }
  func.func @transform_6(%arg0: i32) -> (i32, i32) {
    %c0_i32 = arith.constant 0 : i32
    %c0_i32_0 = arith.constant 0 : i32
    %c0_i32_1 = arith.constant 0 : i32
    return %c0_i32, %c0_i32_0 : i32, i32
  }
  func.func @transform_7(%arg0: i32) -> (i32, i32) {
    %c0_i32 = arith.constant 0 : i32
    %c0_i32_0 = arith.constant 0 : i32
    %c0_i32_1 = arith.constant 0 : i32
    return %c0_i32, %c0_i32_0 : i32, i32
  }
}

</mosaic_0001>

<sc_bundles>
// kernel: kernel.11.cloned.1.call-start
scs
__scs_entry_jumppad:
0x0: {  	(pc) =	sbr.rel $0x88, $3  }
0x1: {  	(tag) =	ssettag $0x0;
	lr =	simm.s32 $0x1  }
0x2: {  	[smem:$0x3F93] =	sst lr;
	_ =	strace $0xD0000000  }
0x3: {  	_ = 	snop  }
0x4: {  	_ = 	snop  }
0x5: {  	_ = 	snop  }
0x6: {  	_ = 	snop  }
0x7: {  	_ = 	snop  }
__scs_overlays_trampoline_lowered:
0x8: {  	[smem:$0x3FA2] =	sst s0  }
0x9: {  	[smem:$0x3FA3] =	sst s1  }
0xa: {  	[smem:$0x3FA4] =	sst s2  }
0xb: {  	[smem:$0x3FA5] =	sst s3  }
0xc: {  	[smem:$0x3FA6] =	sst s4  }
0xd: {  	[smem:$0x3FA7] =	sst s5  }
0xe: {  	[smem:$0x3FA8] =	sst s6  }
0xf: {  	[smem:$0x3FA9] =	sst s7  }
0x10: {  	[smem:$0x3FAA] =	sst s8  }
0x11: {  	[smem:$0x3FAB] =	sst s9;
	s0 =	simm.s32 @!p0 $0x0  }
0x12: {  	s1 =	sld [smem:$0x3F91];
	s0 =	simm.s32 @p0 $0x1  }
0x13: {  	[smem:$0x3FAC] =	sst s0;
	s0 =	simm.s32 @!p1 $0x0  }
0x14: {  	s2 =	sld [smem:$0x3F90];
	s0 =	simm.s32 @p1 $0x1  }
0x15: {  	[smem:$0x3FAD] =	sst s0;
	s0 =	simm.s32 @!p2 $0x0  }
0x16: {  	s3 =	sld [smem:$0x3FDB];
	s0 =	simm.s32 @p2 $0x1  }
0x17: {  	s4 =	simm.s32 $0x1BF5;
	[smem:$0x3FAF] =	sst s0  }
0x18: {  	s0 =	sld [smem:$0x3F92];
	_ =	swait.ge [sflag:s4], $0x0  }
0x19: {  	s7 =	sld [smem:$0x3F93]  }
0x1a: {  	s8 =	sadd.s32 $0xFFFFE003, lr  }
0x1b: {  	s9 =	sadd.s32 $0xFFFFFEF7, lr;
	s5 =	simm.s32 $0xFFFFFFFF;
	p2 =	slt.u32 s8, $0xFFFFF086  }
0x1c: {  	p1 =	slt.u32 s9, $0xF7A;
	s5 =	simm.s32 @!p2 $0x0  }
0x1d: {  	s5 =	simm.s32 @p1 $0x1;
	p0 =	seq.s32 s7, s2  }
0x1e: {  	s7 =	smul.u32 @!p0 $0xF7A, s2;
	p2 =	seq.s32 @!p0 s5, $0x0  }
0x1f: {  	s9 =	smul.u32 $0xF7A, s1;
	s8 =	simm.s32 @!p0 $0x1BF5;
	p2 =	por !p2, p0  }
0x20: {  	[sflag:s8] =	ssyncset.s32 @!p0 $0xFFFFF086;
	s6 =	sadd.s32 @!p0 s3, s7;
	s7 =	simm.s32 @!p0 $0x108  }
0x21: {  	s3 =	sadd.s32 s3, s9;
	s6 =	sadd.s32 @!p0 $0x88, s6;
	s7 =	simm.s32 @p2 $0x1082  }
0x22: {  	[simem:s7], [sflag:s8] =	dma.local @!p0 [hbm:s6], $0xF7A  }
0x23: {  	s9 =	sor.u32 $0xD0000000, s2;
	s6 =	simm.s32 $0x108;
	_ =	swait.ge @!p0 [sflag:s8], $0x0  }
0x24: {  	s3 =	sadd.s32 $0x88, s3;
	s6 =	simm.s32 @!p1 $0x1082;
	[sflag:s4] =	ssyncset.s32 $0xFFFFF086  }
0x25: {  	[simem:s6], [sflag:s4] =	dma.local [hbm:s3], $0xF7A  }
0x26: {  	[smem:$0x3F93] =	sst s1;
	(tag) =	ssettag s2;
	_ =	strace s9  }
0x27: {  	s1 =	sld [smem:$0x3FA3]  }
0x28: {  	s2 =	sld [smem:$0x3FA4]  }
0x29: {  	s4 =	sld [smem:$0x3FA6]  }
0x2a: {  	p0 =	seq.s32 s5, $0x0;
	s5 =	sld [smem:$0x3FA7]  }
0x2b: {  	s6 =	sld [smem:$0x3FA8]  }
0x2c: {  	s7 =	sld [smem:$0x3FA9]  }
0x2d: {  	s3 =	simm.s32 $0x108;
	s8 =	sld [smem:$0x3FAA]  }
0x2e: {  	s3 =	simm.s32 @!p0 $0x1082;
	s9 =	sld [smem:$0x3FAB]  }
0x2f: {  	lr =	sadd.s32 s0, s3;
	s0 =	sld [smem:$0x3FA2]  }
0x30: {  	s3 =	sld [smem:$0x3FA5]  }
0x31: {  	[smem:$0x3FAE] =	sst s10  }
0x32: {  	s10 =	sld [smem:$0x3FAC];
	_ =	sdelay $0x3  }
0x33: {  	p0 =	seq.s32 s10, $0x1;
	s10 =	sld [smem:$0x3FAE];
	_ =	sdelay $0x3  }
0x34: {  	[smem:$0x3FAE] =	sst s10  }
0x35: {  	s10 =	sld [smem:$0x3FAD];
	_ =	sdelay $0x3  }
0x36: {  	p1 =	seq.s32 s10, $0x1;
	s10 =	sld [smem:$0x3FAE];
	_ =	sdelay $0x3  }
0x37: {  	[smem:$0x3FAE] =	sst s10  }
0x38: {  	s10 =	sld [smem:$0x3FAF]  }
0x39: {  	_ = 	snop;
	(pc) =	sbr.ind lr, $3  }
0x3a: {  	_ = 	snop  }
0x3b: {  	_ = 	snop  }
0x3c: {  	p2 =	seq.s32 s10, $0x1;
	s10 =	sld [smem:$0x3FAE]  }
0x3d: {  	_ =	shalt  }
0x3e: {  	_ =	shalt  }
0x3f: {  	_ =	shalt  }
0x40: {  	_ =	shalt  }
0x41: {  	_ =	shalt  }
0x42: {  	_ =	shalt  }
0x43: {  	_ =	shalt  }
0x44: {  	_ =	shalt  }
0x45: {  	_ =	shalt  }
0x46: {  	_ =	shalt  }
0x47: {  	_ =	shalt  }
0x48: {  	_ =	shalt  }
0x49: {  	_ =	shalt  }
0x4a: {  	_ =	shalt  }
0x4b: {  	_ =	shalt  }
0x4c: {  	_ =	shalt  }
0x4d: {  	_ =	shalt  }
0x4e: {  	_ =	shalt  }
0x4f: {  	_ =	shalt  }
0x50: {  	_ =	shalt  }
0x51: {  	_ =	shalt  }
0x52: {  	_ =	shalt  }
0x53: {  	_ =	shalt  }
0x54: {  	_ =	shalt  }
0x55: {  	_ =	shalt  }
0x56: {  	_ =	shalt  }
0x57: {  	_ =	shalt  }
0x58: {  	_ =	shalt  }
0x59: {  	_ =	shalt  }
0x5a: {  	_ =	shalt  }
0x5b: {  	_ =	shalt  }
0x5c: {  	_ =	shalt  }
0x5d: {  	_ =	shalt  }
0x5e: {  	_ =	shalt  }
0x5f: {  	_ =	shalt  }
0x60: {  	_ =	shalt  }
0x61: {  	_ =	shalt  }
0x62: {  	_ =	shalt  }
0x63: {  	_ =	shalt  }
0x64: {  	_ =	shalt  }
0x65: {  	_ =	shalt  }
0x66: {  	_ =	shalt  }
0x67: {  	_ =	shalt  }
0x68: {  	_ =	shalt  }
0x69: {  	_ =	shalt  }
0x6a: {  	_ =	shalt  }
0x6b: {  	_ =	shalt  }
0x6c: {  	_ =	shalt  }
0x6d: {  	_ =	shalt  }
0x6e: {  	_ =	shalt  }
0x6f: {  	_ =	shalt  }
0x70: {  	_ =	shalt  }
0x71: {  	_ =	shalt  }
0x72: {  	_ =	shalt  }
0x73: {  	_ =	shalt  }
0x74: {  	_ =	shalt  }
0x75: {  	_ =	shalt  }
0x76: {  	_ =	shalt  }
0x77: {  	_ =	shalt  }
0x78: {  	_ =	shalt  }
0x79: {  	_ =	shalt  }
0x7a: {  	_ =	shalt  }
0x7b: {  	_ =	shalt  }
0x7c: {  	_ =	shalt  }
0x7d: {  	_ =	shalt  }
0x7e: {  	_ =	shalt  }
0x7f: {  	_ =	shalt  }
0x80: {  	_ =	shalt  }
0x81: {  	_ =	shalt  }
0x82: {  	_ =	shalt  }
0x83: {  	_ =	shalt  }
0x84: {  	_ =	shalt  }
0x85: {  	_ =	shalt  }
0x86: {  	_ =	shalt  }
0x87: {  	_ =	shalt  }
.Lfunc_end0:
.L_simem_size_0:
called_computation.1_lowered:
.L_overlay_start_0:
0x88: {  	s2 =	sld [smem:$0x3FD9]  }
0x89: {  	s3 =	sld [smem:$0x3FFE];
	_ =	sdelay $0x1  }
0x8a: {  	s1 =	srdreg.scid  }
0x8b: {  	s0 =	sand.u32 $0x1, s1  }
0x8c: {  	s16 =	sshll.u32 s0, $0xA;
	s2 =	sadd.s32 s3, s2  }
0x8d: {  	s2 =	sadd.s32 s2, s16  }
0x8e: {  	[smem:$0x3FBA] =	sst s2  }
0x8f: {  	_ = 	snop  }
0x90: {  	(tm) =	ssettm $0x1  }
0x91: {  	s17 =	sld [smem:$0x3FFB];
	_ =	sdelay $0x3  }
0x92: {  	_ =	strace s17  }
0x93: {  	s2 =	sld [smem:$0x3FFC];
	_ =	sdelay $0x3  }
0x94: {  	_ =	strace s2  }
0x95: {  	s2 =	sld [smem:$0x3FFD];
	_ =	sdelay $0x3  }
0x96: {  	_ =	strace s2  }
0x97: {  	_ =	strace $0x8FFFFFFF  }
0x98: {  	s18 =	sld [smem:$0x3FDB];
	_ =	sdelay $0x1  }
0x99: {  	s19 =	simm.s32 $_scs_section_size  }
0x9a: {  	s4 =	simm.s32 $_size__tile_overlayer_lowered;
	s5 =	simm.s32 $_tile_overlayer_lowered  }
0x9b: {  	s22 =	simm.s32 $0x1BFF;
	s21 =	sshll.u32 s5, $0x1;
	s2 =	sadd.s32 s19, s18  }
0x9c: {  	s6 =	simm.s32 $0x0;
	s20 =	sshll.u32 s4, $0x1;
	s4 =	sadd.s32 s21, s2  }
0x9d: {  	[timem:s6], [sflag:s22] =	dma.local [hbm:s4], s20  }
0x9e: {  	_ =	swait.ge [sflag:s22], s20  }
0x9f: {  	s3 =	ssub.s32 $0x0, s20;
	[sflag:s22] =	ssyncset.done $0x0  }
0xa0: {  	[sflag:s22] =	ssyncadd.s32 s3;
	_ =	sdelay $0x1  }
0xa1: {  	s23 =	simm.s32 $0x1B8B  }
0xa2: {  	_ =	swait.ge [sflag:s23], $0x1  }
0xa3: {  	[sflag:s23] =	ssyncset.done $0x0  }
0xa4: {  	s25 =	simm.s32 $0x1B8E;
	s24 =	sld [smem:$0x3FFE];
	[sflag:s23] =	ssyncadd.s32 $0xFFFFFFFF  }
0xa5: {  	s26 =	simm.s32 $execute0_lowered;
	[smem:$0x3FD2] =	sst s25  }
0xa6: {  	s4 =	sshll.u32 s26, $0x1;
	_ =	strace $0x80000049;
	[dreg:$0x1] =	wrdreg $0xFFFFFFFF  }
0xa7: {  	s28 =	simm.s32 $_size_execute0_lowered;
	s2 =	sadd.s32 s2, s4;
	[dreg:$0x0] =	wrdreg $0x0  }
0xa8: {  	s4 =	sshll.u32 s28, $0x1;
	[dreg:$0x2] =	wrdreg s2  }
0xa9: {  	[dreg:$0x3] =	wrdreg s4  }
0xaa: {  	[dreg:$0x4] =	wrdreg $0xC0  }
0xab: {  	_ =	task [dreg:s6], $0x5FFFF  }
0xac: {  	[dreg:$0x1] =	wrdreg $0xFFFFFFFF  }
0xad: {  	[dreg:$0x0] =	wrdreg $0x60  }
0xae: {  	[dreg:$0x2] =	wrdreg s24  }
0xaf: {  	[dreg:$0x3] =	wrdreg $0x0  }
0xb0: {  	[dreg:$0x4] =	wrdreg $0x9  }
0xb1: {  	_ =	task.clear_ibuf [dreg:s6], $0x5FFFF;
	_ =	strace $0x90000049  }
0xb2: {  	s29 =	simm.s32 $0x9;
	_ =	strace $0x8000004B  }
0xb3: {  	_ =	swait.ge [sflag:s29], $0x1  }
0xb4: {  	[sflag:s29] =	ssyncadd.s32 $0xFFFFFFFF  }
0xb5: {  	_ =	strace $0x9000004B  }
0xb6: {  	_ =	sfence  }
0xb7: {  	s30 =	sld [smem:$0x0];
	_ =	sdelay $0x2  }
0xb8: {  	s31 =	sshll.u32 s1, $0xD;
	s1 =	sshrl.u32 s1, $0x2  }
0xb9: {  	s3 =	sand.u32 $0x4000, s31;
	s1 =	sadd.s32 s1, s30  }
0xba: {  	s0 =	sor.u32 s3, s0;
	s1 =	sshll.u32 s1, $0x11  }
0xbb: {  	s0 =	sor.u32 s1, s0  }
0xbc: {  	s0 =	sadd.s32 $0x8F2B, s0  }
0xbd: {  	[sflag:s0] =	ssyncadd.remote.s32 $0x1  }
0xbe: {  	_ =	sfence.sel $0xFFFF  }
0xbf: {  	[dreg:$0x0] =	wrdreg $0xFFFFFFFF;
	(pc) =	sbr.abs _section_cstart, $3  }
0xc0: {  	[dreg:$0x1] =	wrdreg $0xFFFFFFFF  }
0xc1: {  	_ =	task.clear_ibuf [dreg:s6], $0x2FFFF;
	_ =	strace $0x9FFFFFFF  }
0xc2: {  	(tm) =	ssettm $0x7FFFFFFF  }
0xc3: {  	_ =	shalt  }
tec
execute0_lowered:
.L_overlay_start_1:
0x0: {  	(tag) =	ssettag $0x1  }
0x1: {  	s0 =	rddreg [dreg:$0x0]  }
0x2: {  	s1 =	rddreg [dreg:$0x1];
	s2 =	srdreg.scid  }
0x3: {  	s3 =	simm.s32 $0x0;
	s12 =	stileid.u32;
	s29 =	simm.s32 $0x14000  }
0x4: {  	s30 =	simm.s32 $0x3;
	s2 =	sand.u32 $0x1, s2;
	s6 =	smul.u32 $0x14000, s12  }
0x5: {  	[smem:$0x7FF] =	sst s3;
	s4 =	sadd.s32 $0x17200, s0;
	s10 =	smul.u32 $0x4C00, s12  }
0x6: {  	s7 =	sadd.s32 $0xD200, s0;
	s8 =	sadd.s32 $0x3200, s0;
	s21 =	smul.u32 $0x50000, s12  }
0x7: {  	s11 =	sshll.u32 s12, $0xA;
	s5 =	smul.u32 $0x140000, s2;
	_ =	strace $0x8000004A  }
0x8: {  	s20 =	ssub.s32 $0x2, s2;
	p0 =	seq.s32 s2, $0x0;
	s2 =	sor.u32 $0x4C000, s11  }
0x9: {  	s9 =	sshrl.u32 s20, $0x1;
	s2 =	smov.u32 @p0 s10;
	s22 =	sshrl.u32 s21, $0x2  }
0xa: {  	s5 =	sadd.s32 s6, s5;
	s9 =	ssub.s32 s20, s9;
	s2 =	sshrl.u32 s2, $0x3  }
0xb: {  	s6 =	sadd.s32 s22, s1;
	s5 =	sshrl.u32 s5, $0x3;
	s23 =	smax.u32 s9, $0x1  }
0xc: {  	s13 =	sadd.s32 s7, s2;
	s24 =	sadd.s32 $0x2000, s6;
	[dreg:$0x4] =	wrdreg s23  }
0xd: {  	s25 =	sadd.s32 $0x4000, s6;
	s26 =	sadd.s32 $0x6000, s6;
	[dreg:$0x5] =	wrdreg s24  }
0xe: {  	s31 =	sadd.s32 $0x8000, s6;
	s9 =	sadd.s32 $0xA000, s6;
	[dreg:$0x6] =	wrdreg s25  }
0xf: {  	s10 =	sadd.s32 $0xC000, s6;
	s11 =	sadd.s32 $0xE000, s6;
	[dreg:$0x7] =	wrdreg s26  }
0x10: {  	s12 =	sadd.s32 $0x10000, s6;
	s14 =	sor.u32 $0x20, s2;
	[dreg:$0x8] =	wrdreg s31  }
0x11: {  	s15 =	sor.u32 $0x30, s2;
	s22 =	sor.u32 $0x10, s2;
	[dreg:$0x9] =	wrdreg s9  }
0x12: {  	s18 =	sadd.s32 s2, s8;
	s2 =	simm.s32 $0x16200;
	[dreg:$0xa] =	wrdreg s10  }
0x13: {  	s0 =	sadd.s32 s5, s0;
	s5 =	simm.s32 $0x98;
	[dreg:$0xb] =	wrdreg s11  }
0x14: {  	[dreg:$0xc] =	wrdreg s12;
	s16 =	sadd.s32 s14, s8;
	s17 =	sadd.s32 s15, s8  }
0x15: {  	s9 =	sadd.s32 s15, s7;
	s19 =	sadd.s32 s22, s8;
	s20 =	sadd.s32 s22, s7  }
0x16: {  	s21 =	sadd.s32 s14, s7;
	s31 =	sadd.s32 $0x12000, s6;
	s28 =	sadd.s32 $0x20, s13  }
0x17: {  	s8 =	simm.s32 $0x16080;
	s10 =	simm.s32 $0x1;
	s11 =	simm.s32 $0x16100  }
0x18: {  	s12 =	simm.s32 $0x2;
	s0 =	sadd.s32 $0x3F200, s0;
	[dreg:$0x10] =	wrdreg s31  }
0x19: {  	s14 =	simm.s32 $0x0;
	s24 =	sadd.s32 $0xFFFFFFE0, s16;
	[dreg:$0x3] =	wrdreg s0  }
0x1a: {  	s5 =	simm.s32 @!p0 $0x8;
	s25 =	sadd.s32 $0xFFFFFFE0, s17;
	[dreg:$0xd] =	wrdreg s24  }
0x1b: {  	s26 =	sadd.s32 $0xFFFFFFE0, s9;
	s9 =	simm.s32 $0x1A200;
	[dreg:$0xe] =	wrdreg s25  }
0x1c: {  	s23 =	sshll.u32 s5, $0x4;
	[dreg:$0xf] =	wrdreg s26;
	s26 =	smov.u32 s13  }
0x1d: {  	v0 =	vimm.f32 $0.0e+00;
	s0 =	simm.s32 $0x80;
	s13 =	simm.s32 $0x16180;
	s22 =	sadd.s32 $0xFFFFFFE0, s23  }
.LBB2_1:
0x1e: {  	s7 =	simm.s32 $0x0;
	s15 =	simm.s32 $0x200  }
.LBB2_2:
0x1f: {  	p0 =	sne.s32 s15, $0x7E00;
	[tilespmem:s7+$0x14070] =	vst v0  }
0x20: {  	[tilespmem:s7+$0x14000] =	vst v0  }
0x21: {  	[tilespmem:s7+$0x14010] =	vst v0  }
.Ltmp0:
0x22: {  	[tilespmem:s7+$0x14020] =	vst v0;
	(pc) =	sbr.rel @p0 .LBB2_2-.Ltmp0, $4  }
0x23: {  	[tilespmem:s7+$0x14030] =	vst v0  }
0x24: {  	[tilespmem:s7+$0x14040] =	vst v0  }
0x25: {  	[tilespmem:s7+$0x14050] =	vst v0  }
0x26: {  	[tilespmem:s7+$0x14060] =	vst v0;
	s7 =	sshra.s32 s15, $0x2;
	s15 =	sadd.s32 $0x200, s15  }
0x27: {  	[tilespmem:s7+$0x14070] =	vst v0  }
0x28: {  	[tilespmem:s7+$0x14000] =	vst v0  }
0x29: {  	[tilespmem:s7+$0x14010] =	vst v0  }
0x2a: {  	[tilespmem:s7+$0x14020] =	vst v0  }
0x2b: {  	[tilespmem:s7+$0x14030] =	vst v0  }
0x2c: {  	[tilespmem:s7+$0x14040] =	vst v0  }
0x2d: {  	[tilespmem:s7+$0x14050] =	vst v0  }
0x2e: {  	[tilespmem:s7+$0x14060] =	vst v0  }
0x2f: {  	[spmem:s6] =	stream.linear.scatter [tilespmem:s29], [sflag:$0x3], $0x2000, $0x38;
	[tilespmem:$0x1E200] =	vst v63  }
0x30: {  	_ =	swait.ge [sflag:s30], $0x2000  }
0x31: {  	[sflag:s30] =	ssyncset.done $0x0  }
0x32: {  	s25 =	rddreg [dreg:$0x5];
	[sflag:s30] =	ssyncadd.s32 $0xFFFFE000  }
0x33: {  	[spmem:s25] =	stream.linear.scatter [tilespmem:s29], [sflag:$0x3], $0x2000, $0x38;
	[tilespmem:$0x1E200] =	vst v63  }
0x34: {  	_ =	swait.ge [sflag:s30], $0x2000  }
0x35: {  	[sflag:s30] =	ssyncset.done $0x0  }
0x36: {  	s31 =	rddreg [dreg:$0x6];
	[sflag:s30] =	ssyncadd.s32 $0xFFFFE000  }
0x37: {  	[spmem:s31] =	stream.linear.scatter [tilespmem:s29], [sflag:$0x3], $0x2000, $0x38;
	[tilespmem:$0x1E200] =	vst v63  }
0x38: {  	_ =	swait.ge [sflag:s30], $0x2000  }
0x39: {  	[sflag:s30] =	ssyncset.done $0x0  }
0x3a: {  	s15 =	rddreg [dreg:$0x7];
	[sflag:s30] =	ssyncadd.s32 $0xFFFFE000  }
0x3b: {  	[spmem:s15] =	stream.linear.scatter [tilespmem:s29], [sflag:$0x3], $0x2000, $0x38;
	[tilespmem:$0x1E200] =	vst v63  }
0x3c: {  	_ =	swait.ge [sflag:s30], $0x2000  }
0x3d: {  	[sflag:s30] =	ssyncset.done $0x0  }
0x3e: {  	s16 =	rddreg [dreg:$0x8];
	[sflag:s30] =	ssyncadd.s32 $0xFFFFE000  }
0x3f: {  	[spmem:s16] =	stream.linear.scatter [tilespmem:s29], [sflag:$0x3], $0x2000, $0x38;
	[tilespmem:$0x1E200] =	vst v63  }
0x40: {  	_ =	swait.ge [sflag:s30], $0x2000  }
0x41: {  	[sflag:s30] =	ssyncset.done $0x0  }
0x42: {  	s17 =	rddreg [dreg:$0x9];
	[sflag:s30] =	ssyncadd.s32 $0xFFFFE000  }
0x43: {  	[spmem:s17] =	stream.linear.scatter [tilespmem:s29], [sflag:$0x3], $0x2000, $0x38;
	[tilespmem:$0x1E200] =	vst v63  }
0x44: {  	_ =	swait.ge [sflag:s30], $0x2000  }
0x45: {  	[sflag:s30] =	ssyncset.done $0x0  }
0x46: {  	s23 =	rddreg [dreg:$0xa];
	[sflag:s30] =	ssyncadd.s32 $0xFFFFE000  }
0x47: {  	[spmem:s23] =	stream.linear.scatter [tilespmem:s29], [sflag:$0x3], $0x2000, $0x38;
	[tilespmem:$0x1E200] =	vst v63  }
0x48: {  	_ =	swait.ge [sflag:s30], $0x2000  }
0x49: {  	[sflag:s30] =	ssyncset.done $0x0  }
0x4a: {  	s24 =	rddreg [dreg:$0xb];
	[sflag:s30] =	ssyncadd.s32 $0xFFFFE000  }
0x4b: {  	[spmem:s24] =	stream.linear.scatter [tilespmem:s29], [sflag:$0x3], $0x2000, $0x38;
	[tilespmem:$0x1E200] =	vst v63  }
0x4c: {  	_ =	swait.ge [sflag:s30], $0x2000  }
0x4d: {  	[sflag:s30] =	ssyncset.done $0x0  }
0x4e: {  	s25 =	rddreg [dreg:$0xc];
	[sflag:s30] =	ssyncadd.s32 $0xFFFFE000  }
0x4f: {  	[spmem:s25] =	stream.linear.scatter [tilespmem:s29], [sflag:$0x3], $0x2000, $0x38;
	[tilespmem:$0x1E200] =	vst v63  }
0x50: {  	_ =	swait.ge [sflag:s30], $0x2000  }
0x51: {  	[sflag:s30] =	ssyncset.done $0x0  }
0x52: {  	s31 =	rddreg [dreg:$0x10];
	[sflag:s30] =	ssyncadd.s32 $0xFFFFE000  }
0x53: {  	[spmem:s31] =	stream.linear.scatter [tilespmem:s29], [sflag:$0x3], $0x2000, $0x38;
	[tilespmem:$0x1E200] =	vst v63  }
0x54: {  	_ =	swait.ge [sflag:s30], $0x2000  }
0x55: {  	[sflag:s30] =	ssyncset.done $0x0  }
0x56: {  	s7 =	simm.s32 $0x0;
	[sflag:s30] =	ssyncadd.s32 $0xFFFFE000  }
0x57: {  	p1 =	sne.s32 s22, $0x20;
	s15 =	simm.s32 $0x16000;
	[bflag:$0x0] =	sbarrier.arrive $0xFFFF  }
0x58: {  	[tilespmem:s15], [sflag:$0x3] =	stream.linear.gather [hbm4b:s26+s7], $0x80, $0x38;
	[tilespmem:$0x1E200] =	vst v63  }
.Ltmp1:
0x59: {  	_ = 	snop;
	(pc) =	sbr.rel @!p1 .LBB2_4-.Ltmp1, $4  }
0x5a: {  	_ =	swait.ge [sflag:s30], $0x80  }
0x5b: {  	p0 =	por $0x0, $0x0;
	[sflag:s30] =	ssyncset.done $0x0  }
0x5c: {  	s16 =	simm.s32 $0x2;
	s17 =	simm.s32 $0x20;
	[sflag:s30] =	ssyncadd.s32 $0xFFFFFF80  }
0x5d: {  	[tilespmem:s2], [sflag:$0x1] =	stream.indirect.gather [hbm4b:s4+s0], $0x80, s15, s0, $0xb8;
	[tilespmem:$0x1E200] =	vst v63  }
0x5e: {  	s7 =	sadd.s32 $0x0, s20  }
0x5f: {  	[tilespmem:s8], [sflag:$0x3] =	stream.linear.gather [hbm4b:s7+s3], $0x80, $0x38;
	[tilespmem:$0x1E200] =	vst v63  }
0x60: {  	_ =	swait.ge [sflag:s30], $0x80  }
0x61: {  	[sflag:s30] =	ssyncset.done $0x0  }
0x62: {  	[sflag:s30] =	ssyncadd.s32 $0xFFFFFF80  }
0x63: {  	[tilespmem:s9], [sflag:$0x2] =	stream.indirect.gather [hbm4b:s4+s0], $0x80, s8, s0, $0xb8;
	[tilespmem:$0x1E200] =	vst v63  }
0x64: {  	_ =	swait.ge [sflag:s10], $0x4000  }
0x65: {  	[sflag:s10] =	ssyncset.done $0x0  }
0x66: {  	s25 =	sadd.s32 $0x0, s18;
	[sflag:s10] =	ssyncadd.s32 $0xFFFFC000  }
0x67: {  	[tilespmem:s11], [sflag:$0x3] =	stream.linear.gather [hbm4b:s25+s3], $0x80, $0x38;
	[tilespmem:$0x1E200] =	vst v63  }
0x68: {  	_ =	swait.ge [sflag:s30], $0x80  }
0x69: {  	[sflag:s30] =	ssyncset.done $0x0  }
0x6a: {  	[sflag:s30] =	ssyncadd.s32 $0xFFFFFF80  }
0x6b: {  	[spmem:s1] =	stream.indirect.scatter.add.f32 [tilespmem:s2], [sflag:$0x3], $0x80, s11, s0, $0xb8;
	[tilespmem:$0x1E200] =	vst v63  }
0x6c: {  	p0 =	sle.u32 s5, $0x2;
	_ =	swait.ge [sflag:s30], $0x4000  }
0x6d: {  	s7 =	sadd.s32 @!p0 $0x0, s21;
	s15 =	simm.s32 @!p0 $0x0;
	[sflag:s30] =	ssyncset.done $0x0  }
0x6e: {  	s16 =	simm.s32 @!p0 $0x16000;
	s23 =	simm.s32 @!p0 $0x3;
	[sflag:s30] =	ssyncadd.s32 $0xFFFFC000  }
0x6f: {  	[tilespmem:s16], [sflag:$0x3] =	stream.linear.gather @!p0 [hbm4b:s7+s15], $0x80, $0x38;
	[tilespmem:$0x1E200] =	vst v63  }
0x70: {  	_ =	swait.ge @!p0 [sflag:s23], $0x80  }
0x71: {  	[sflag:s23] =	ssyncset.done @!p0 $0x0  }
0x72: {  	s7 =	simm.s32 @!p0 $0x80;
	s15 =	simm.s32 @!p0 $0x16200;
	[sflag:s23] =	ssyncadd.s32 @!p0 $0xFFFFFF80  }
0x73: {  	[tilespmem:s15], [sflag:$0x1] =	stream.indirect.gather @!p0 [hbm4b:s4+s7], $0x80, s16, s7, $0xb8;
	[tilespmem:$0x1E200] =	vst v63  }
0x74: {  	_ =	swait.ge [sflag:s12], $0x4000  }
0x75: {  	[sflag:s12] =	ssyncset.done $0x0  }
0x76: {  	s31 =	sadd.s32 $0x0, s19;
	p1 =	sne.s32 s22, $0x40;
	[sflag:s12] =	ssyncadd.s32 $0xFFFFC000  }
0x77: {  	[tilespmem:s13], [sflag:$0x3] =	stream.linear.gather [hbm4b:s31+s3], $0x80, $0x38;
	[tilespmem:$0x1E200] =	vst v63  }
.Ltmp2:
0x78: {  	_ =	swait.ge [sflag:s30], $0x80;
	(pc) =	sbr.rel @!p1 .LBB2_6-.Ltmp2, $4  }
0x79: {  	[sflag:s30] =	ssyncset.done $0x0  }
0x7a: {  	s15 =	simm.s32 $0x40;
	[sflag:s30] =	ssyncadd.s32 $0xFFFFFF80  }
0x7b: {  	[spmem:s1] =	stream.indirect.scatter.add.f32 [tilespmem:s9], [sflag:$0x3], $0x80, s13, s0, $0xb8;
	[tilespmem:$0x1E200] =	vst v63  }
0x7c: {  	s16 =	simm.s32 $0x4;
	p0 =	por $0x1, $0x1;
	_ =	swait.ge [sflag:s30], $0x4000  }
.LBB2_7:
0x7d: {  	s7 =	sadd.s32 s17, s20  }
0x7e: {  	[sflag:s30] =	ssyncset.done $0x0;
	s23 =	smov.u32 s15;
	s15 =	sadd.s32 $0x20, s15  }
0x7f: {  	p1 =	sne.s32 s22, s15;
	[sflag:s30] =	ssyncadd.s32 $0xFFFFC000  }
0x80: {  	[tilespmem:s8], [sflag:$0x3] =	stream.linear.gather [hbm4b:s7+s3], $0x80, $0x38;
	[tilespmem:$0x1E200] =	vst v63  }
0x81: {  	_ =	swait.ge [sflag:s30], $0x80  }
0x82: {  	[sflag:s30] =	ssyncset.done $0x0  }
0x83: {  	[sflag:s30] =	ssyncadd.s32 $0xFFFFFF80  }
0x84: {  	[tilespmem:s9], [sflag:$0x2] =	stream.indirect.gather [hbm4b:s4+s0], $0x80, s8, s0, $0xb8;
	[tilespmem:$0x1E200] =	vst v63  }
0x85: {  	_ =	swait.ge [sflag:s10], $0x4000  }
0x86: {  	s7 =	sadd.s32 s17, s18;
	[sflag:s10] =	ssyncset.done $0x0  }
0x87: {  	[sflag:s10] =	ssyncadd.s32 $0xFFFFC000  }
0x88: {  	[tilespmem:s11], [sflag:$0x3] =	stream.linear.gather [hbm4b:s7+s3], $0x80, $0x38;
	[tilespmem:$0x1E200] =	vst v63  }
0x89: {  	_ =	swait.ge [sflag:s30], $0x80  }
0x8a: {  	[sflag:s30] =	ssyncset.done $0x0  }
0x8b: {  	[sflag:s30] =	ssyncadd.s32 $0xFFFFFF80  }
0x8c: {  	[spmem:s1] =	stream.indirect.scatter.add.f32 [tilespmem:s2], [sflag:$0x3], $0x80, s11, s0, $0xb8;
	[tilespmem:$0x1E200] =	vst v63  }
0x8d: {  	p2 =	sge.u32 s16, s5;
	_ =	swait.ge [sflag:s30], $0x4000  }
0x8e: {  	s24 =	simm.s32 @!p2 $0x0;
	s7 =	sadd.s32 @!p2 s17, s21;
	[sflag:s30] =	ssyncset.done $0x0  }
0x8f: {  	s31 =	simm.s32 @!p2 $0x16000;
	s25 =	simm.s32 @!p2 $0x3;
	[sflag:s30] =	ssyncadd.s32 $0xFFFFC000  }
0x90: {  	[tilespmem:s31], [sflag:$0x3] =	stream.linear.gather @!p2 [hbm4b:s7+s24], $0x80, $0x38;
	[tilespmem:$0x1E200] =	vst v63  }
0x91: {  	_ =	swait.ge @!p2 [sflag:s25], $0x80  }
0x92: {  	s7 =	simm.s32 @!p2 $0x80;
	s24 =	simm.s32 @!p2 $0x16200;
	[sflag:s25] =	ssyncset.done @!p2 $0x0  }
0x93: {  	[sflag:s25] =	ssyncadd.s32 @!p2 $0xFFFFFF80  }
0x94: {  	[tilespmem:s24], [sflag:$0x1] =	stream.indirect.gather @!p2 [hbm4b:s4+s7], $0x80, s31, s7, $0xb8;
	[tilespmem:$0x1E200] =	vst v63  }
0x95: {  	_ =	swait.ge [sflag:s12], $0x4000  }
0x96: {  	s7 =	sadd.s32 s17, s19;
	s17 =	smov.u32 s23;
	[sflag:s12] =	ssyncset.done $0x0  }
0x97: {  	[sflag:s12] =	ssyncadd.s32 $0xFFFFC000  }
0x98: {  	[tilespmem:s13], [sflag:$0x3] =	stream.linear.gather [hbm4b:s7+s3], $0x80, $0x38;
	[tilespmem:$0x1E200] =	vst v63  }
.Ltmp3:
0x99: {  	_ =	swait.ge [sflag:s30], $0x80;
	(pc) =	sbr.rel @p1 .LBB2_7-.Ltmp3, $4  }
0x9a: {  	[sflag:s30] =	ssyncset.done $0x0  }
0x9b: {  	[sflag:s30] =	ssyncadd.s32 $0xFFFFFF80  }
0x9c: {  	[spmem:s1] =	stream.indirect.scatter.add.f32 [tilespmem:s9], [sflag:$0x3], $0x80, s13, s0, $0xb8;
	[tilespmem:$0x1E200] =	vst v63  }
0x9d: {  	s16 =	sadd.s32 $0x2, s16;
	_ =	swait.ge [sflag:s30], $0x4000  }
0x9e: {  	s7 =	smov.u32 s17  }
.LBB2_9:
0x9f: {  	[sflag:s30] =	ssyncset.done @p0 $0x0  }
0xa0: {  	s17 =	sadd.s32 s7, s20;
	[sflag:s30] =	ssyncadd.s32 @p0 $0xFFFFC000  }
0xa1: {  	[tilespmem:s8], [sflag:$0x3] =	stream.linear.gather [hbm4b:s17+s3], $0x80, $0x38;
	[tilespmem:$0x1E200] =	vst v63  }
0xa2: {  	_ =	swait.ge [sflag:s30], $0x80  }
0xa3: {  	[sflag:s30] =	ssyncset.done $0x0  }
0xa4: {  	[sflag:s30] =	ssyncadd.s32 $0xFFFFFF80  }
0xa5: {  	[tilespmem:s9], [sflag:$0x2] =	stream.indirect.gather [hbm4b:s4+s0], $0x80, s8, s0, $0xb8;
	[tilespmem:$0x1E200] =	vst v63  }
0xa6: {  	_ =	swait.ge [sflag:s10], $0x4000  }
0xa7: {  	[sflag:s10] =	ssyncset.done $0x0  }
0xa8: {  	s23 =	sadd.s32 s7, s18;
	[sflag:s10] =	ssyncadd.s32 $0xFFFFC000  }
0xa9: {  	[tilespmem:s11], [sflag:$0x3] =	stream.linear.gather [hbm4b:s23+s3], $0x80, $0x38;
	[tilespmem:$0x1E200] =	vst v63  }
0xaa: {  	_ =	swait.ge [sflag:s30], $0x80  }
0xab: {  	[sflag:s30] =	ssyncset.done $0x0  }
0xac: {  	[sflag:s30] =	ssyncadd.s32 $0xFFFFFF80  }
0xad: {  	[spmem:s1] =	stream.indirect.scatter.add.f32 [tilespmem:s2], [sflag:$0x3], $0x80, s11, s0, $0xb8;
	[tilespmem:$0x1E200] =	vst v63  }
0xae: {  	p0 =	sge.u32 s16, s5;
	_ =	swait.ge [sflag:s30], $0x4000  }
0xaf: {  	s17 =	sadd.s32 @!p0 s7, s21;
	[sflag:s30] =	ssyncset.done $0x0  }
0xb0: {  	s24 =	simm.s32 @!p0 $0x16000;
	s23 =	simm.s32 @!p0 $0x0;
	[sflag:s30] =	ssyncadd.s32 $0xFFFFC000  }
0xb1: {  	[tilespmem:s24], [sflag:$0x3] =	stream.linear.gather @!p0 [hbm4b:s17+s23], $0x80, $0x38;
	[tilespmem:$0x1E200] =	vst v63  }
0xb2: {  	s17 =	simm.s32 @!p0 $0x3  }
0xb3: {  	_ =	swait.ge @!p0 [sflag:s17], $0x80  }
0xb4: {  	[sflag:s17] =	ssyncset.done @!p0 $0x0  }
0xb5: {  	s23 =	simm.s32 @!p0 $0x80;
	[sflag:s17] =	ssyncadd.s32 @!p0 $0xFFFFFF80;
	s17 =	simm.s32 @!p0 $0x16200  }
0xb6: {  	[tilespmem:s17], [sflag:$0x1] =	stream.indirect.gather @!p0 [hbm4b:s4+s23], $0x80, s24, s23, $0xb8;
	[tilespmem:$0x1E200] =	vst v63  }
0xb7: {  	_ =	swait.ge [sflag:s12], $0x4000  }
0xb8: {  	[sflag:s12] =	ssyncset.done $0x0  }
0xb9: {  	s24 =	sadd.s32 s7, s19;
	[sflag:s12] =	ssyncadd.s32 $0xFFFFC000  }
0xba: {  	[tilespmem:s13], [sflag:$0x3] =	stream.linear.gather [hbm4b:s24+s3], $0x80, $0x38;
	[tilespmem:$0x1E200] =	vst v63  }
0xbb: {  	_ =	swait.ge [sflag:s30], $0x80  }
0xbc: {  	[sflag:s30] =	ssyncset.done $0x0  }
0xbd: {  	[sflag:s30] =	ssyncadd.s32 $0xFFFFFF80  }
0xbe: {  	[spmem:s1] =	stream.indirect.scatter.add.f32 [tilespmem:s9], [sflag:$0x3], $0x80, s13, s0, $0xb8;
	[tilespmem:$0x1E200] =	vst v63  }
0xbf: {  	_ =	swait.ge [sflag:s30], $0x4000  }
0xc0: {  	[sflag:s30] =	ssyncset.done $0x0;
	s25 =	rddreg [dreg:$0xf]  }
0xc1: {  	[sflag:s30] =	ssyncadd.s32 $0xFFFFC000;
	s7 =	sadd.s32 s15, s25  }
0xc2: {  	[tilespmem:s8], [sflag:$0x3] =	stream.linear.gather [hbm4b:s7+s3], $0x80, $0x38;
	[tilespmem:$0x1E200] =	vst v63  }
0xc3: {  	_ =	swait.ge [sflag:s30], $0x80  }
0xc4: {  	[sflag:s30] =	ssyncset.done $0x0  }
0xc5: {  	[sflag:s30] =	ssyncadd.s32 $0xFFFFFF80  }
0xc6: {  	[tilespmem:s9], [sflag:$0x2] =	stream.indirect.gather [hbm4b:s4+s0], $0x80, s8, s0, $0xb8;
	[tilespmem:$0x1E200] =	vst v63  }
0xc7: {  	_ =	swait.ge [sflag:s10], $0x4000  }
0xc8: {  	[sflag:s10] =	ssyncset.done $0x0;
	s31 =	rddreg [dreg:$0xd]  }
0xc9: {  	[sflag:s10] =	ssyncadd.s32 $0xFFFFC000;
	s7 =	sadd.s32 s15, s31  }
0xca: {  	[tilespmem:s11], [sflag:$0x3] =	stream.linear.gather [hbm4b:s7+s3], $0x80, $0x38;
	[tilespmem:$0x1E200] =	vst v63  }
0xcb: {  	_ =	swait.ge [sflag:s30], $0x80  }
0xcc: {  	[sflag:s30] =	ssyncset.done $0x0  }
0xcd: {  	s16 =	sadd.s32 $0x2, s16;
	[sflag:s30] =	ssyncadd.s32 $0xFFFFFF80  }
0xce: {  	[spmem:s1] =	stream.indirect.scatter.add.f32 [tilespmem:s2], [sflag:$0x3], $0x80, s11, s0, $0xb8;
	[tilespmem:$0x1E200] =	vst v63  }
0xcf: {  	p0 =	sge.u32 s16, s5;
	_ =	swait.ge [sflag:s30], $0x4000  }
0xd0: {  	s16 =	simm.s32 @!p0 $0x0;
	[sflag:s30] =	ssyncset.done $0x0  }
0xd1: {  	s17 =	simm.s32 @!p0 $0x16000;
	s7 =	sadd.s32 @!p0 s15, s28;
	[sflag:s30] =	ssyncadd.s32 $0xFFFFC000  }
0xd2: {  	[tilespmem:s17], [sflag:$0x3] =	stream.linear.gather @!p0 [hbm4b:s7+s16], $0x80, $0x38;
	[tilespmem:$0x1E200] =	vst v63  }
0xd3: {  	s7 =	simm.s32 @!p0 $0x3  }
0xd4: {  	_ =	swait.ge @!p0 [sflag:s7], $0x80  }
0xd5: {  	[sflag:s7] =	ssyncset.done @!p0 $0x0  }
0xd6: {  	s16 =	simm.s32 @!p0 $0x16200;
	[sflag:s7] =	ssyncadd.s32 @!p0 $0xFFFFFF80;
	s7 =	simm.s32 @!p0 $0x80  }
0xd7: {  	[tilespmem:s16], [sflag:$0x1] =	stream.indirect.gather @!p0 [hbm4b:s4+s7], $0x80, s17, s7, $0xb8;
	[tilespmem:$0x1E200] =	vst v63  }
0xd8: {  	_ =	swait.ge [sflag:s12], $0x4000  }
0xd9: {  	[sflag:s12] =	ssyncset.done $0x0;
	s17 =	rddreg [dreg:$0xe]  }
0xda: {  	[sflag:s12] =	ssyncadd.s32 $0xFFFFC000;
	s7 =	sadd.s32 s15, s17  }
0xdb: {  	[tilespmem:s13], [sflag:$0x3] =	stream.linear.gather [hbm4b:s7+s3], $0x80, $0x38;
	[tilespmem:$0x1E200] =	vst v63  }
0xdc: {  	_ =	swait.ge [sflag:s30], $0x80  }
0xdd: {  	[sflag:s30] =	ssyncset.done $0x0  }
0xde: {  	[sflag:s30] =	ssyncadd.s32 $0xFFFFFF80  }
0xdf: {  	[spmem:s1] =	stream.indirect.scatter.add.f32 [tilespmem:s9], [sflag:$0x3], $0x80, s13, s0, $0xb8;
	[tilespmem:$0x1E200] =	vst v63  }
0xe0: {  	_ =	swait.ge [sflag:s30], $0x4000  }
0xe1: {  	[sflag:s30] =	ssyncset.done $0x0  }
0xe2: {  	s23 =	stileid.u32;
	[sflag:s30] =	ssyncadd.s32 $0xFFFFC000  }
0xe3: {  	s7 =	sshll.u32 s23, $0x6;
	[bflag:$0x0] =	sbarrier.arrive $0xFFFF  }
0xe4: {  	s24 =	sshrl.u32 s6, $0x3;
	s7 =	sor.u32 $0x1C03, s7;
	s25 =	rddreg [dreg:$0x3]  }
0xe5: {  	[hbm:s25], [sflag:s7] =	dma.local [spmem:s24], $0x2800  }
0xe6: {  	_ =	swait.ge [sflag:s30], $0x2800  }
0xe7: {  	s14 =	sadd.s32 $0x1, s14;
	s31 =	rddreg [dreg:$0x4]  }
0xe8: {  	p0 =	sne.s32 s14, s31  }
.Ltmp4:
0xe9: {  	_ = 	snop;
	(pc) =	sbr.rel @p0 .LBB2_1-.Ltmp4, $4  }
.Ltmp5:
0xea: {  	_ = 	snop;
	(pc) =	sbr.rel @!p0 .LBB2_10-.Ltmp5, $4  }
0xeb: {  	_ = 	snop  }
0xec: {  	[sflag:s30] =	ssyncset.done $0x0  }
0xed: {  	[sflag:s30] =	ssyncadd.s32 $0xFFFFD800  }
0xee: {  	_ = 	snop  }
.LBB2_4:
.Ltmp6:
0xef: {  	(pc) =	sbr.rel .LBB2_9-.Ltmp6, $2  }
0xf0: {  	_ =	sdelay $0x2  }
0xf1: {  	s15 =	simm.s32 $0x20  }
.LBB2_6:
.Ltmp7:
0xf2: {  	(pc) =	sbr.rel .LBB2_9-.Ltmp7, $2  }
0xf3: {  	_ =	sdelay $0x2  }
0xf4: {  	s7 =	simm.s32 $0x20  }
.LBB2_10:
0xf5: {  	_ =	sfence.sel $0x180000  }
0xf6: {  	[bflag:$0x0] =	sbarrier.arrive $0xFFFF  }
0xf7: {  	_ =	strace $0x9000004A  }
0xf8: {  	s0 =	stileid.u32;
	[bflag:$0x2] =	sbarrier.arrive $0xFFFF  }
0xf9: {  	p0 =	sne.s32 s0, $0x0;
	s0 =	rddreg [dreg:$0x2]  }
0xfa: {  	s0 =	sadd.s32 @!p0 $0x100000, s0  }
0xfb: {  	[sflag:s0] =	ssyncadd.tile.s32 @!p0 $0x1;
	_ =	shalt  }
.Lfunc_end2:
_tile_overlayer_lowered:
.L_overlay_start_2:
0xfc: {  	(tag) =	ssettag $0x2  }
0xfd: {  	s0 =	rddreg [dreg:$0x0];
	s2 =	stileid.u32  }
0xfe: {  	s1 =	rddreg [dreg:$0x1];
	p0 =	sne.s32 s2, $0x0  }
0xff: {  	s3 =	rddreg [dreg:$0x2];
	[bflag:$0x3] =	sbarrier.arrive $0xFFFF;
	s2 =	simm.s32 @!p0 $0x1C03  }
0x100: {  	[timem:s3], [sflag:s2] =	dma.local @!p0 [hbm:s0], s1  }
0x101: {  	s0 =	simm.s32 @!p0 $0x3  }
0x102: {  	_ =	swait.ge @!p0 [sflag:s0], s1  }
0x103: {  	s1 =	ssub.s32 @!p0 $0x0, s1;
	[sflag:s0] =	ssyncset.done @!p0 $0x0  }
0x104: {  	[sflag:s0] =	ssyncadd.s32 @!p0 s1  }
0x105: {  	[bflag:$0x3] =	sbarrier.arrive $0xFFFF  }
0x106: {  	_ =	shalt  }

// kernel: kernel.14.cloned.1.call-start
scs
__scs_entry_jumppad:
0x0: {  	(pc) =	sbr.rel $0x88, $3  }
0x1: {  	(tag) =	ssettag $0x0;
	lr =	simm.s32 $0x1  }
0x2: {  	[smem:$0x3F93] =	sst lr;
	_ =	strace $0xD0000000  }
0x3: {  	_ = 	snop  }
0x4: {  	_ = 	snop  }
0x5: {  	_ = 	snop  }
0x6: {  	_ = 	snop  }
0x7: {  	_ = 	snop  }
__scs_overlays_trampoline_lowered:
0x8: {  	[smem:$0x3FA2] =	sst s0  }
0x9: {  	[smem:$0x3FA3] =	sst s1  }
0xa: {  	[smem:$0x3FA4] =	sst s2  }
0xb: {  	[smem:$0x3FA5] =	sst s3  }
0xc: {  	[smem:$0x3FA6] =	sst s4  }
0xd: {  	[smem:$0x3FA7] =	sst s5  }
0xe: {  	[smem:$0x3FA8] =	sst s6  }
0xf: {  	[smem:$0x3FA9] =	sst s7  }
0x10: {  	[smem:$0x3FAA] =	sst s8  }
0x11: {  	[smem:$0x3FAB] =	sst s9;
	s0 =	simm.s32 @!p0 $0x0  }
0x12: {  	s1 =	sld [smem:$0x3F91];
	s0 =	simm.s32 @p0 $0x1  }
0x13: {  	[smem:$0x3FAC] =	sst s0;
	s0 =	simm.s32 @!p1 $0x0  }
0x14: {  	s2 =	sld [smem:$0x3F90];
	s0 =	simm.s32 @p1 $0x1  }
0x15: {  	[smem:$0x3FAD] =	sst s0;
	s0 =	simm.s32 @!p2 $0x0  }
0x16: {  	s3 =	sld [smem:$0x3FDB];
	s0 =	simm.s32 @p2 $0x1  }
0x17: {  	s4 =	simm.s32 $0x1BF5;
	[smem:$0x3FAF] =	sst s0  }
0x18: {  	s0 =	sld [smem:$0x3F92];
	_ =	swait.ge [sflag:s4], $0x0  }
0x19: {  	s7 =	sld [smem:$0x3F93]  }
0x1a: {  	s8 =	sadd.s32 $0xFFFFE003, lr  }
0x1b: {  	s9 =	sadd.s32 $0xFFFFFEF7, lr;
	s5 =	simm.s32 $0xFFFFFFFF;
	p2 =	slt.u32 s8, $0xFFFFF086  }
0x1c: {  	p1 =	slt.u32 s9, $0xF7A;
	s5 =	simm.s32 @!p2 $0x0  }
0x1d: {  	s5 =	simm.s32 @p1 $0x1;
	p0 =	seq.s32 s7, s2  }
0x1e: {  	s7 =	smul.u32 @!p0 $0xF7A, s2;
	p2 =	seq.s32 @!p0 s5, $0x0  }
0x1f: {  	s9 =	smul.u32 $0xF7A, s1;
	s8 =	simm.s32 @!p0 $0x1BF5;
	p2 =	por !p2, p0  }
0x20: {  	[sflag:s8] =	ssyncset.s32 @!p0 $0xFFFFF086;
	s6 =	sadd.s32 @!p0 s3, s7;
	s7 =	simm.s32 @!p0 $0x108  }
0x21: {  	s3 =	sadd.s32 s3, s9;
	s6 =	sadd.s32 @!p0 $0x88, s6;
	s7 =	simm.s32 @p2 $0x1082  }
0x22: {  	[simem:s7], [sflag:s8] =	dma.local @!p0 [hbm:s6], $0xF7A  }
0x23: {  	s9 =	sor.u32 $0xD0000000, s2;
	s6 =	simm.s32 $0x108;
	_ =	swait.ge @!p0 [sflag:s8], $0x0  }
0x24: {  	s3 =	sadd.s32 $0x88, s3;
	s6 =	simm.s32 @!p1 $0x1082;
	[sflag:s4] =	ssyncset.s32 $0xFFFFF086  }
0x25: {  	[simem:s6], [sflag:s4] =	dma.local [hbm:s3], $0xF7A  }
0x26: {  	[smem:$0x3F93] =	sst s1;
	(tag) =	ssettag s2;
	_ =	strace s9  }
0x27: {  	s1 =	sld [smem:$0x3FA3]  }
0x28: {  	s2 =	sld [smem:$0x3FA4]  }
0x29: {  	s4 =	sld [smem:$0x3FA6]  }
0x2a: {  	p0 =	seq.s32 s5, $0x0;
	s5 =	sld [smem:$0x3FA7]  }
0x2b: {  	s6 =	sld [smem:$0x3FA8]  }
0x2c: {  	s7 =	sld [smem:$0x3FA9]  }
0x2d: {  	s3 =	simm.s32 $0x108;
	s8 =	sld [smem:$0x3FAA]  }
0x2e: {  	s3 =	simm.s32 @!p0 $0x1082;
	s9 =	sld [smem:$0x3FAB]  }
0x2f: {  	lr =	sadd.s32 s0, s3;
	s0 =	sld [smem:$0x3FA2]  }
0x30: {  	s3 =	sld [smem:$0x3FA5]  }
0x31: {  	[smem:$0x3FAE] =	sst s10  }
0x32: {  	s10 =	sld [smem:$0x3FAC];
	_ =	sdelay $0x3  }
0x33: {  	p0 =	seq.s32 s10, $0x1;
	s10 =	sld [smem:$0x3FAE];
	_ =	sdelay $0x3  }
0x34: {  	[smem:$0x3FAE] =	sst s10  }
0x35: {  	s10 =	sld [smem:$0x3FAD];
	_ =	sdelay $0x3  }
0x36: {  	p1 =	seq.s32 s10, $0x1;
	s10 =	sld [smem:$0x3FAE];
	_ =	sdelay $0x3  }
0x37: {  	[smem:$0x3FAE] =	sst s10  }
0x38: {  	s10 =	sld [smem:$0x3FAF]  }
0x39: {  	_ = 	snop;
	(pc) =	sbr.ind lr, $3  }
0x3a: {  	_ = 	snop  }
0x3b: {  	_ = 	snop  }
0x3c: {  	p2 =	seq.s32 s10, $0x1;
	s10 =	sld [smem:$0x3FAE]  }
0x3d: {  	_ =	shalt  }
0x3e: {  	_ =	shalt  }
0x3f: {  	_ =	shalt  }
0x40: {  	_ =	shalt  }
0x41: {  	_ =	shalt  }
0x42: {  	_ =	shalt  }
0x43: {  	_ =	shalt  }
0x44: {  	_ =	shalt  }
0x45: {  	_ =	shalt  }
0x46: {  	_ =	shalt  }
0x47: {  	_ =	shalt  }
0x48: {  	_ =	shalt  }
0x49: {  	_ =	shalt  }
0x4a: {  	_ =	shalt  }
0x4b: {  	_ =	shalt  }
0x4c: {  	_ =	shalt  }
0x4d: {  	_ =	shalt  }
0x4e: {  	_ =	shalt  }
0x4f: {  	_ =	shalt  }
0x50: {  	_ =	shalt  }
0x51: {  	_ =	shalt  }
0x52: {  	_ =	shalt  }
0x53: {  	_ =	shalt  }
0x54: {  	_ =	shalt  }
0x55: {  	_ =	shalt  }
0x56: {  	_ =	shalt  }
0x57: {  	_ =	shalt  }
0x58: {  	_ =	shalt  }
0x59: {  	_ =	shalt  }
0x5a: {  	_ =	shalt  }
0x5b: {  	_ =	shalt  }
0x5c: {  	_ =	shalt  }
0x5d: {  	_ =	shalt  }
0x5e: {  	_ =	shalt  }
0x5f: {  	_ =	shalt  }
0x60: {  	_ =	shalt  }
0x61: {  	_ =	shalt  }
0x62: {  	_ =	shalt  }
0x63: {  	_ =	shalt  }
0x64: {  	_ =	shalt  }
0x65: {  	_ =	shalt  }
0x66: {  	_ =	shalt  }
0x67: {  	_ =	shalt  }
0x68: {  	_ =	shalt  }
0x69: {  	_ =	shalt  }
0x6a: {  	_ =	shalt  }
0x6b: {  	_ =	shalt  }
0x6c: {  	_ =	shalt  }
0x6d: {  	_ =	shalt  }
0x6e: {  	_ =	shalt  }
0x6f: {  	_ =	shalt  }
0x70: {  	_ =	shalt  }
0x71: {  	_ =	shalt  }
0x72: {  	_ =	shalt  }
0x73: {  	_ =	shalt  }
0x74: {  	_ =	shalt  }
0x75: {  	_ =	shalt  }
0x76: {  	_ =	shalt  }
0x77: {  	_ =	shalt  }
0x78: {  	_ =	shalt  }
0x79: {  	_ =	shalt  }
0x7a: {  	_ =	shalt  }
0x7b: {  	_ =	shalt  }
0x7c: {  	_ =	shalt  }
0x7d: {  	_ =	shalt  }
0x7e: {  	_ =	shalt  }
0x7f: {  	_ =	shalt  }
0x80: {  	_ =	shalt  }
0x81: {  	_ =	shalt  }
0x82: {  	_ =	shalt  }
0x83: {  	_ =	shalt  }
0x84: {  	_ =	shalt  }
0x85: {  	_ =	shalt  }
0x86: {  	_ =	shalt  }
0x87: {  	_ =	shalt  }
.Lfunc_end0:
.L_simem_size_0:
called_computation.2_lowered:
.L_overlay_start_0:
0x88: {  	s2 =	sld [smem:$0x3FD9]  }
0x89: {  	s3 =	sld [smem:$0x3FFE];
	_ =	sdelay $0x1  }
0x8a: {  	s1 =	srdreg.scid  }
0x8b: {  	s0 =	sand.u32 $0x1, s1  }
0x8c: {  	s16 =	sshll.u32 s0, $0xA;
	s2 =	sadd.s32 s3, s2  }
0x8d: {  	s2 =	sadd.s32 s2, s16  }
0x8e: {  	[smem:$0x3FBA] =	sst s2  }
0x8f: {  	_ = 	snop  }
0x90: {  	(tm) =	ssettm $0x1  }
0x91: {  	s17 =	sld [smem:$0x3FFB];
	_ =	sdelay $0x3  }
0x92: {  	_ =	strace s17  }
0x93: {  	s2 =	sld [smem:$0x3FFC];
	_ =	sdelay $0x3  }
0x94: {  	_ =	strace s2  }
0x95: {  	s2 =	sld [smem:$0x3FFD];
	_ =	sdelay $0x3  }
0x96: {  	_ =	strace s2  }
0x97: {  	_ =	strace $0x8FFFFFFF  }
0x98: {  	s18 =	sld [smem:$0x3FDB];
	_ =	sdelay $0x1  }
0x99: {  	s19 =	simm.s32 $_scs_section_size  }
0x9a: {  	s4 =	simm.s32 $_size__tile_overlayer_lowered;
	s5 =	simm.s32 $_tile_overlayer_lowered  }
0x9b: {  	s22 =	simm.s32 $0x1BFF;
	s21 =	sshll.u32 s5, $0x1;
	s2 =	sadd.s32 s19, s18  }
0x9c: {  	s6 =	simm.s32 $0x0;
	s20 =	sshll.u32 s4, $0x1;
	s4 =	sadd.s32 s21, s2  }
0x9d: {  	[timem:s6], [sflag:s22] =	dma.local [hbm:s4], s20  }
0x9e: {  	_ =	swait.ge [sflag:s22], s20  }
0x9f: {  	s3 =	ssub.s32 $0x0, s20;
	[sflag:s22] =	ssyncset.done $0x0  }
0xa0: {  	[sflag:s22] =	ssyncadd.s32 s3;
	_ =	sdelay $0x1  }
0xa1: {  	s23 =	simm.s32 $0x1B8B  }
0xa2: {  	_ =	swait.ge [sflag:s23], $0x1  }
0xa3: {  	[sflag:s23] =	ssyncset.done $0x0  }
0xa4: {  	s25 =	simm.s32 $0x1B8E;
	s24 =	sld [smem:$0x3FFE];
	[sflag:s23] =	ssyncadd.s32 $0xFFFFFFFF  }
0xa5: {  	s26 =	simm.s32 $execute0_lowered;
	[smem:$0x3FD2] =	sst s25  }
0xa6: {  	s4 =	sshll.u32 s26, $0x1;
	_ =	strace $0x8000004C;
	[dreg:$0x1] =	wrdreg $0xFFFFFFFF  }
0xa7: {  	s28 =	simm.s32 $_size_execute0_lowered;
	s2 =	sadd.s32 s2, s4;
	[dreg:$0x0] =	wrdreg $0x0  }
0xa8: {  	s4 =	sshll.u32 s28, $0x1;
	[dreg:$0x2] =	wrdreg s2  }
0xa9: {  	[dreg:$0x3] =	wrdreg s4  }
0xaa: {  	[dreg:$0x4] =	wrdreg $0xC0  }
0xab: {  	_ =	task [dreg:s6], $0x5FFFF  }
0xac: {  	[dreg:$0x1] =	wrdreg $0xFFFFFFFF  }
0xad: {  	[dreg:$0x0] =	wrdreg $0x60  }
0xae: {  	[dreg:$0x2] =	wrdreg s24  }
0xaf: {  	[dreg:$0x3] =	wrdreg $0x0  }
0xb0: {  	[dreg:$0x4] =	wrdreg $0x9  }
0xb1: {  	_ =	task.clear_ibuf [dreg:s6], $0x5FFFF;
	_ =	strace $0x9000004C  }
0xb2: {  	s29 =	simm.s32 $0x9;
	_ =	strace $0x8000004E  }
0xb3: {  	_ =	swait.ge [sflag:s29], $0x1  }
0xb4: {  	[sflag:s29] =	ssyncadd.s32 $0xFFFFFFFF  }
0xb5: {  	_ =	strace $0x9000004E  }
0xb6: {  	_ =	sfence  }
0xb7: {  	s30 =	sld [smem:$0x0];
	_ =	sdelay $0x2  }
0xb8: {  	s31 =	sshll.u32 s1, $0xD;
	s1 =	sshrl.u32 s1, $0x2  }
0xb9: {  	s3 =	sand.u32 $0x4000, s31;
	s1 =	sadd.s32 s1, s30  }
0xba: {  	s0 =	sor.u32 s3, s0;
	s1 =	sshll.u32 s1, $0x11  }
0xbb: {  	s0 =	sor.u32 s1, s0  }
0xbc: {  	s0 =	sadd.s32 $0x8F2B, s0  }
0xbd: {  	[sflag:s0] =	ssyncadd.remote.s32 $0x1  }
0xbe: {  	_ =	sfence.sel $0xFFFF  }
0xbf: {  	[dreg:$0x0] =	wrdreg $0xFFFFFFFF;
	(pc) =	sbr.abs _section_cstart, $3  }
0xc0: {  	[dreg:$0x1] =	wrdreg $0xFFFFFFFF  }
0xc1: {  	_ =	task.clear_ibuf [dreg:s6], $0x2FFFF;
	_ =	strace $0x9FFFFFFF  }
0xc2: {  	(tm) =	ssettm $0x7FFFFFFF  }
0xc3: {  	_ =	shalt  }
tec
execute0_lowered:
.L_overlay_start_1:
0x0: {  	(tag) =	ssettag $0x1  }
0x1: {  	s0 =	rddreg [dreg:$0x0]  }
0x2: {  	s1 =	rddreg [dreg:$0x1];
	s2 =	srdreg.scid  }
0x3: {  	s3 =	simm.s32 $0x0;
	s12 =	stileid.u32;
	s29 =	simm.s32 $0x14000  }
0x4: {  	s30 =	simm.s32 $0x3;
	s2 =	sand.u32 $0x1, s2;
	s6 =	smul.u32 $0x14000, s12  }
0x5: {  	[smem:$0x7FF] =	sst s3;
	s4 =	sadd.s32 $0x17200, s0;
	s10 =	smul.u32 $0x4C00, s12  }
0x6: {  	s7 =	sadd.s32 $0xD200, s0;
	s8 =	sadd.s32 $0x3200, s0;
	s21 =	smul.u32 $0x50000, s12  }
0x7: {  	s11 =	sshll.u32 s12, $0xA;
	s5 =	smul.u32 $0x140000, s2;
	_ =	strace $0x8000004D  }
0x8: {  	s20 =	ssub.s32 $0x2, s2;
	p0 =	seq.s32 s2, $0x0;
	s2 =	sor.u32 $0x4C000, s11  }
0x9: {  	s9 =	sshrl.u32 s20, $0x1;
	s2 =	smov.u32 @p0 s10;
	s22 =	sshrl.u32 s21, $0x2  }
0xa: {  	s5 =	sadd.s32 s6, s5;
	s9 =	ssub.s32 s20, s9;
	s2 =	sshrl.u32 s2, $0x3  }
0xb: {  	s6 =	sadd.s32 s22, s1;
	s5 =	sshrl.u32 s5, $0x3;
	s23 =	smax.u32 s9, $0x1  }
0xc: {  	s13 =	sadd.s32 s7, s2;
	s24 =	sadd.s32 $0x2000, s6;
	[dreg:$0x4] =	wrdreg s23  }
0xd: {  	s25 =	sadd.s32 $0x4000, s6;
	s26 =	sadd.s32 $0x6000, s6;
	[dreg:$0x5] =	wrdreg s24  }
0xe: {  	s31 =	sadd.s32 $0x8000, s6;
	s9 =	sadd.s32 $0xA000, s6;
	[dreg:$0x6] =	wrdreg s25  }
0xf: {  	s10 =	sadd.s32 $0xC000, s6;
	s11 =	sadd.s32 $0xE000, s6;
	[dreg:$0x7] =	wrdreg s26  }
0x10: {  	s12 =	sadd.s32 $0x10000, s6;
	s14 =	sor.u32 $0x20, s2;
	[dreg:$0x8] =	wrdreg s31  }
0x11: {  	s15 =	sor.u32 $0x30, s2;
	s22 =	sor.u32 $0x10, s2;
	[dreg:$0x9] =	wrdreg s9  }
0x12: {  	s18 =	sadd.s32 s2, s8;
	s2 =	simm.s32 $0x16200;
	[dreg:$0xa] =	wrdreg s10  }
0x13: {  	s0 =	sadd.s32 s5, s0;
	s5 =	simm.s32 $0x98;
	[dreg:$0xb] =	wrdreg s11  }
0x14: {  	[dreg:$0xc] =	wrdreg s12;
	s16 =	sadd.s32 s14, s8;
	s17 =	sadd.s32 s15, s8  }
0x15: {  	s9 =	sadd.s32 s15, s7;
	s19 =	sadd.s32 s22, s8;
	s20 =	sadd.s32 s22, s7  }
0x16: {  	s21 =	sadd.s32 s14, s7;
	s31 =	sadd.s32 $0x12000, s6;
	s28 =	sadd.s32 $0x20, s13  }
0x17: {  	s8 =	simm.s32 $0x16080;
	s10 =	simm.s32 $0x1;
	s11 =	simm.s32 $0x16100  }
0x18: {  	s12 =	simm.s32 $0x2;
	s0 =	sadd.s32 $0x3F200, s0;
	[dreg:$0x10] =	wrdreg s31  }
0x19: {  	s14 =	simm.s32 $0x0;
	s24 =	sadd.s32 $0xFFFFFFE0, s16;
	[dreg:$0x3] =	wrdreg s0  }
0x1a: {  	s5 =	simm.s32 @!p0 $0x8;
	s25 =	sadd.s32 $0xFFFFFFE0, s17;
	[dreg:$0xd] =	wrdreg s24  }
0x1b: {  	s26 =	sadd.s32 $0xFFFFFFE0, s9;
	s9 =	simm.s32 $0x1A200;
	[dreg:$0xe] =	wrdreg s25  }
0x1c: {  	s23 =	sshll.u32 s5, $0x4;
	[dreg:$0xf] =	wrdreg s26;
	s26 =	smov.u32 s13  }
0x1d: {  	v0 =	vimm.f32 $0.0e+00;
	s0 =	simm.s32 $0x80;
	s13 =	simm.s32 $0x16180;
	s22 =	sadd.s32 $0xFFFFFFE0, s23  }
.LBB2_1:
0x1e: {  	s7 =	simm.s32 $0x0;
	s15 =	simm.s32 $0x200  }
.LBB2_2:
0x1f: {  	p0 =	sne.s32 s15, $0x7E00;
	[tilespmem:s7+$0x14070] =	vst v0  }
0x20: {  	[tilespmem:s7+$0x14000] =	vst v0  }
0x21: {  	[tilespmem:s7+$0x14010] =	vst v0  }
.Ltmp0:
0x22: {  	[tilespmem:s7+$0x14020] =	vst v0;
	(pc) =	sbr.rel @p0 .LBB2_2-.Ltmp0, $4  }
0x23: {  	[tilespmem:s7+$0x14030] =	vst v0  }
0x24: {  	[tilespmem:s7+$0x14040] =	vst v0  }
0x25: {  	[tilespmem:s7+$0x14050] =	vst v0  }
0x26: {  	[tilespmem:s7+$0x14060] =	vst v0;
	s7 =	sshra.s32 s15, $0x2;
	s15 =	sadd.s32 $0x200, s15  }
0x27: {  	[tilespmem:s7+$0x14070] =	vst v0  }
0x28: {  	[tilespmem:s7+$0x14000] =	vst v0  }
0x29: {  	[tilespmem:s7+$0x14010] =	vst v0  }
0x2a: {  	[tilespmem:s7+$0x14020] =	vst v0  }
0x2b: {  	[tilespmem:s7+$0x14030] =	vst v0  }
0x2c: {  	[tilespmem:s7+$0x14040] =	vst v0  }
0x2d: {  	[tilespmem:s7+$0x14050] =	vst v0  }
0x2e: {  	[tilespmem:s7+$0x14060] =	vst v0  }
0x2f: {  	[spmem:s6] =	stream.linear.scatter [tilespmem:s29], [sflag:$0x3], $0x2000, $0x38;
	[tilespmem:$0x1E200] =	vst v63  }
0x30: {  	_ =	swait.ge [sflag:s30], $0x2000  }
0x31: {  	[sflag:s30] =	ssyncset.done $0x0  }
0x32: {  	s25 =	rddreg [dreg:$0x5];
	[sflag:s30] =	ssyncadd.s32 $0xFFFFE000  }
0x33: {  	[spmem:s25] =	stream.linear.scatter [tilespmem:s29], [sflag:$0x3], $0x2000, $0x38;
	[tilespmem:$0x1E200] =	vst v63  }
0x34: {  	_ =	swait.ge [sflag:s30], $0x2000  }
0x35: {  	[sflag:s30] =	ssyncset.done $0x0  }
0x36: {  	s31 =	rddreg [dreg:$0x6];
	[sflag:s30] =	ssyncadd.s32 $0xFFFFE000  }
0x37: {  	[spmem:s31] =	stream.linear.scatter [tilespmem:s29], [sflag:$0x3], $0x2000, $0x38;
	[tilespmem:$0x1E200] =	vst v63  }
0x38: {  	_ =	swait.ge [sflag:s30], $0x2000  }
0x39: {  	[sflag:s30] =	ssyncset.done $0x0  }
0x3a: {  	s15 =	rddreg [dreg:$0x7];
	[sflag:s30] =	ssyncadd.s32 $0xFFFFE000  }
0x3b: {  	[spmem:s15] =	stream.linear.scatter [tilespmem:s29], [sflag:$0x3], $0x2000, $0x38;
	[tilespmem:$0x1E200] =	vst v63  }
0x3c: {  	_ =	swait.ge [sflag:s30], $0x2000  }
0x3d: {  	[sflag:s30] =	ssyncset.done $0x0  }
0x3e: {  	s16 =	rddreg [dreg:$0x8];
	[sflag:s30] =	ssyncadd.s32 $0xFFFFE000  }
0x3f: {  	[spmem:s16] =	stream.linear.scatter [tilespmem:s29], [sflag:$0x3], $0x2000, $0x38;
	[tilespmem:$0x1E200] =	vst v63  }
0x40: {  	_ =	swait.ge [sflag:s30], $0x2000  }
0x41: {  	[sflag:s30] =	ssyncset.done $0x0  }
0x42: {  	s17 =	rddreg [dreg:$0x9];
	[sflag:s30] =	ssyncadd.s32 $0xFFFFE000  }
0x43: {  	[spmem:s17] =	stream.linear.scatter [tilespmem:s29], [sflag:$0x3], $0x2000, $0x38;
	[tilespmem:$0x1E200] =	vst v63  }
0x44: {  	_ =	swait.ge [sflag:s30], $0x2000  }
0x45: {  	[sflag:s30] =	ssyncset.done $0x0  }
0x46: {  	s23 =	rddreg [dreg:$0xa];
	[sflag:s30] =	ssyncadd.s32 $0xFFFFE000  }
0x47: {  	[spmem:s23] =	stream.linear.scatter [tilespmem:s29], [sflag:$0x3], $0x2000, $0x38;
	[tilespmem:$0x1E200] =	vst v63  }
0x48: {  	_ =	swait.ge [sflag:s30], $0x2000  }
0x49: {  	[sflag:s30] =	ssyncset.done $0x0  }
0x4a: {  	s24 =	rddreg [dreg:$0xb];
	[sflag:s30] =	ssyncadd.s32 $0xFFFFE000  }
0x4b: {  	[spmem:s24] =	stream.linear.scatter [tilespmem:s29], [sflag:$0x3], $0x2000, $0x38;
	[tilespmem:$0x1E200] =	vst v63  }
0x4c: {  	_ =	swait.ge [sflag:s30], $0x2000  }
0x4d: {  	[sflag:s30] =	ssyncset.done $0x0  }
0x4e: {  	s25 =	rddreg [dreg:$0xc];
	[sflag:s30] =	ssyncadd.s32 $0xFFFFE000  }
0x4f: {  	[spmem:s25] =	stream.linear.scatter [tilespmem:s29], [sflag:$0x3], $0x2000, $0x38;
	[tilespmem:$0x1E200] =	vst v63  }
0x50: {  	_ =	swait.ge [sflag:s30], $0x2000  }
0x51: {  	[sflag:s30] =	ssyncset.done $0x0  }
0x52: {  	s31 =	rddreg [dreg:$0x10];
	[sflag:s30] =	ssyncadd.s32 $0xFFFFE000  }
0x53: {  	[spmem:s31] =	stream.linear.scatter [tilespmem:s29], [sflag:$0x3], $0x2000, $0x38;
	[tilespmem:$0x1E200] =	vst v63  }
0x54: {  	_ =	swait.ge [sflag:s30], $0x2000  }
0x55: {  	[sflag:s30] =	ssyncset.done $0x0  }
0x56: {  	s7 =	simm.s32 $0x0;
	[sflag:s30] =	ssyncadd.s32 $0xFFFFE000  }
0x57: {  	p1 =	sne.s32 s22, $0x20;
	s15 =	simm.s32 $0x16000;
	[bflag:$0x0] =	sbarrier.arrive $0xFFFF  }
0x58: {  	[tilespmem:s15], [sflag:$0x3] =	stream.linear.gather [hbm4b:s26+s7], $0x80, $0x38;
	[tilespmem:$0x1E200] =	vst v63  }
.Ltmp1:
0x59: {  	_ = 	snop;
	(pc) =	sbr.rel @!p1 .LBB2_4-.Ltmp1, $4  }
0x5a: {  	_ =	swait.ge [sflag:s30], $0x80  }
0x5b: {  	p0 =	por $0x0, $0x0;
	[sflag:s30] =	ssyncset.done $0x0  }
0x5c: {  	s16 =	simm.s32 $0x2;
	s17 =	simm.s32 $0x20;
	[sflag:s30] =	ssyncadd.s32 $0xFFFFFF80  }
0x5d: {  	[tilespmem:s2], [sflag:$0x1] =	stream.indirect.gather [hbm4b:s4+s0], $0x80, s15, s0, $0xb8;
	[tilespmem:$0x1E200] =	vst v63  }
0x5e: {  	s7 =	sadd.s32 $0x0, s20  }
0x5f: {  	[tilespmem:s8], [sflag:$0x3] =	stream.linear.gather [hbm4b:s7+s3], $0x80, $0x38;
	[tilespmem:$0x1E200] =	vst v63  }
0x60: {  	_ =	swait.ge [sflag:s30], $0x80  }
0x61: {  	[sflag:s30] =	ssyncset.done $0x0  }
0x62: {  	[sflag:s30] =	ssyncadd.s32 $0xFFFFFF80  }
0x63: {  	[tilespmem:s9], [sflag:$0x2] =	stream.indirect.gather [hbm4b:s4+s0], $0x80, s8, s0, $0xb8;
	[tilespmem:$0x1E200] =	vst v63  }
0x64: {  	_ =	swait.ge [sflag:s10], $0x4000  }
0x65: {  	[sflag:s10] =	ssyncset.done $0x0  }
0x66: {  	s25 =	sadd.s32 $0x0, s18;
	[sflag:s10] =	ssyncadd.s32 $0xFFFFC000  }
0x67: {  	[tilespmem:s11], [sflag:$0x3] =	stream.linear.gather [hbm4b:s25+s3], $0x80, $0x38;
	[tilespmem:$0x1E200] =	vst v63  }
0x68: {  	_ =	swait.ge [sflag:s30], $0x80  }
0x69: {  	[sflag:s30] =	ssyncset.done $0x0  }
0x6a: {  	[sflag:s30] =	ssyncadd.s32 $0xFFFFFF80  }
0x6b: {  	[spmem:s1] =	stream.indirect.scatter.add.f32 [tilespmem:s2], [sflag:$0x3], $0x80, s11, s0, $0xb8;
	[tilespmem:$0x1E200] =	vst v63  }
0x6c: {  	p0 =	sle.u32 s5, $0x2;
	_ =	swait.ge [sflag:s30], $0x4000  }
0x6d: {  	s7 =	sadd.s32 @!p0 $0x0, s21;
	s15 =	simm.s32 @!p0 $0x0;
	[sflag:s30] =	ssyncset.done $0x0  }
0x6e: {  	s16 =	simm.s32 @!p0 $0x16000;
	s23 =	simm.s32 @!p0 $0x3;
	[sflag:s30] =	ssyncadd.s32 $0xFFFFC000  }
0x6f: {  	[tilespmem:s16], [sflag:$0x3] =	stream.linear.gather @!p0 [hbm4b:s7+s15], $0x80, $0x38;
	[tilespmem:$0x1E200] =	vst v63  }
0x70: {  	_ =	swait.ge @!p0 [sflag:s23], $0x80  }
0x71: {  	[sflag:s23] =	ssyncset.done @!p0 $0x0  }
0x72: {  	s7 =	simm.s32 @!p0 $0x80;
	s15 =	simm.s32 @!p0 $0x16200;
	[sflag:s23] =	ssyncadd.s32 @!p0 $0xFFFFFF80  }
0x73: {  	[tilespmem:s15], [sflag:$0x1] =	stream.indirect.gather @!p0 [hbm4b:s4+s7], $0x80, s16, s7, $0xb8;
	[tilespmem:$0x1E200] =	vst v63  }
0x74: {  	_ =	swait.ge [sflag:s12], $0x4000  }
0x75: {  	[sflag:s12] =	ssyncset.done $0x0  }
0x76: {  	s31 =	sadd.s32 $0x0, s19;
	p1 =	sne.s32 s22, $0x40;
	[sflag:s12] =	ssyncadd.s32 $0xFFFFC000  }
0x77: {  	[tilespmem:s13], [sflag:$0x3] =	stream.linear.gather [hbm4b:s31+s3], $0x80, $0x38;
	[tilespmem:$0x1E200] =	vst v63  }
.Ltmp2:
0x78: {  	_ =	swait.ge [sflag:s30], $0x80;
	(pc) =	sbr.rel @!p1 .LBB2_6-.Ltmp2, $4  }
0x79: {  	[sflag:s30] =	ssyncset.done $0x0  }
0x7a: {  	s15 =	simm.s32 $0x40;
	[sflag:s30] =	ssyncadd.s32 $0xFFFFFF80  }
0x7b: {  	[spmem:s1] =	stream.indirect.scatter.add.f32 [tilespmem:s9], [sflag:$0x3], $0x80, s13, s0, $0xb8;
	[tilespmem:$0x1E200] =	vst v63  }
0x7c: {  	s16 =	simm.s32 $0x4;
	p0 =	por $0x1, $0x1;
	_ =	swait.ge [sflag:s30], $0x4000  }
.LBB2_7:
0x7d: {  	s7 =	sadd.s32 s17, s20  }
0x7e: {  	[sflag:s30] =	ssyncset.done $0x0;
	s23 =	smov.u32 s15;
	s15 =	sadd.s32 $0x20, s15  }
0x7f: {  	p1 =	sne.s32 s22, s15;
	[sflag:s30] =	ssyncadd.s32 $0xFFFFC000  }
0x80: {  	[tilespmem:s8], [sflag:$0x3] =	stream.linear.gather [hbm4b:s7+s3], $0x80, $0x38;
	[tilespmem:$0x1E200] =	vst v63  }
0x81: {  	_ =	swait.ge [sflag:s30], $0x80  }
0x82: {  	[sflag:s30] =	ssyncset.done $0x0  }
0x83: {  	[sflag:s30] =	ssyncadd.s32 $0xFFFFFF80  }
0x84: {  	[tilespmem:s9], [sflag:$0x2] =	stream.indirect.gather [hbm4b:s4+s0], $0x80, s8, s0, $0xb8;
	[tilespmem:$0x1E200] =	vst v63  }
0x85: {  	_ =	swait.ge [sflag:s10], $0x4000  }
0x86: {  	s7 =	sadd.s32 s17, s18;
	[sflag:s10] =	ssyncset.done $0x0  }
0x87: {  	[sflag:s10] =	ssyncadd.s32 $0xFFFFC000  }
0x88: {  	[tilespmem:s11], [sflag:$0x3] =	stream.linear.gather [hbm4b:s7+s3], $0x80, $0x38;
	[tilespmem:$0x1E200] =	vst v63  }
0x89: {  	_ =	swait.ge [sflag:s30], $0x80  }
0x8a: {  	[sflag:s30] =	ssyncset.done $0x0  }
0x8b: {  	[sflag:s30] =	ssyncadd.s32 $0xFFFFFF80  }
0x8c: {  	[spmem:s1] =	stream.indirect.scatter.add.f32 [tilespmem:s2], [sflag:$0x3], $0x80, s11, s0, $0xb8;
	[tilespmem:$0x1E200] =	vst v63  }
0x8d: {  	p2 =	sge.u32 s16, s5;
	_ =	swait.ge [sflag:s30], $0x4000  }
0x8e: {  	s24 =	simm.s32 @!p2 $0x0;
	s7 =	sadd.s32 @!p2 s17, s21;
	[sflag:s30] =	ssyncset.done $0x0  }
0x8f: {  	s31 =	simm.s32 @!p2 $0x16000;
	s25 =	simm.s32 @!p2 $0x3;
	[sflag:s30] =	ssyncadd.s32 $0xFFFFC000  }
0x90: {  	[tilespmem:s31], [sflag:$0x3] =	stream.linear.gather @!p2 [hbm4b:s7+s24], $0x80, $0x38;
	[tilespmem:$0x1E200] =	vst v63  }
0x91: {  	_ =	swait.ge @!p2 [sflag:s25], $0x80  }
0x92: {  	s7 =	simm.s32 @!p2 $0x80;
	s24 =	simm.s32 @!p2 $0x16200;
	[sflag:s25] =	ssyncset.done @!p2 $0x0  }
0x93: {  	[sflag:s25] =	ssyncadd.s32 @!p2 $0xFFFFFF80  }
0x94: {  	[tilespmem:s24], [sflag:$0x1] =	stream.indirect.gather @!p2 [hbm4b:s4+s7], $0x80, s31, s7, $0xb8;
	[tilespmem:$0x1E200] =	vst v63  }
0x95: {  	_ =	swait.ge [sflag:s12], $0x4000  }
0x96: {  	s7 =	sadd.s32 s17, s19;
	s17 =	smov.u32 s23;
	[sflag:s12] =	ssyncset.done $0x0  }
0x97: {  	[sflag:s12] =	ssyncadd.s32 $0xFFFFC000  }
0x98: {  	[tilespmem:s13], [sflag:$0x3] =	stream.linear.gather [hbm4b:s7+s3], $0x80, $0x38;
	[tilespmem:$0x1E200] =	vst v63  }
.Ltmp3:
0x99: {  	_ =	swait.ge [sflag:s30], $0x80;
	(pc) =	sbr.rel @p1 .LBB2_7-.Ltmp3, $4  }
0x9a: {  	[sflag:s30] =	ssyncset.done $0x0  }
0x9b: {  	[sflag:s30] =	ssyncadd.s32 $0xFFFFFF80  }
0x9c: {  	[spmem:s1] =	stream.indirect.scatter.add.f32 [tilespmem:s9], [sflag:$0x3], $0x80, s13, s0, $0xb8;
	[tilespmem:$0x1E200] =	vst v63  }
0x9d: {  	s16 =	sadd.s32 $0x2, s16;
	_ =	swait.ge [sflag:s30], $0x4000  }
0x9e: {  	s7 =	smov.u32 s17  }
.LBB2_9:
0x9f: {  	[sflag:s30] =	ssyncset.done @p0 $0x0  }
0xa0: {  	s17 =	sadd.s32 s7, s20;
	[sflag:s30] =	ssyncadd.s32 @p0 $0xFFFFC000  }
0xa1: {  	[tilespmem:s8], [sflag:$0x3] =	stream.linear.gather [hbm4b:s17+s3], $0x80, $0x38;
	[tilespmem:$0x1E200] =	vst v63  }
0xa2: {  	_ =	swait.ge [sflag:s30], $0x80  }
0xa3: {  	[sflag:s30] =	ssyncset.done $0x0  }
0xa4: {  	[sflag:s30] =	ssyncadd.s32 $0xFFFFFF80  }
0xa5: {  	[tilespmem:s9], [sflag:$0x2] =	stream.indirect.gather [hbm4b:s4+s0], $0x80, s8, s0, $0xb8;
	[tilespmem:$0x1E200] =	vst v63  }
0xa6: {  	_ =	swait.ge [sflag:s10], $0x4000  }
0xa7: {  	[sflag:s10] =	ssyncset.done $0x0  }
0xa8: {  	s23 =	sadd.s32 s7, s18;
	[sflag:s10] =	ssyncadd.s32 $0xFFFFC000  }
0xa9: {  	[tilespmem:s11], [sflag:$0x3] =	stream.linear.gather [hbm4b:s23+s3], $0x80, $0x38;
	[tilespmem:$0x1E200] =	vst v63  }
0xaa: {  	_ =	swait.ge [sflag:s30], $0x80  }
0xab: {  	[sflag:s30] =	ssyncset.done $0x0  }
0xac: {  	[sflag:s30] =	ssyncadd.s32 $0xFFFFFF80  }
0xad: {  	[spmem:s1] =	stream.indirect.scatter.add.f32 [tilespmem:s2], [sflag:$0x3], $0x80, s11, s0, $0xb8;
	[tilespmem:$0x1E200] =	vst v63  }
0xae: {  	p0 =	sge.u32 s16, s5;
	_ =	swait.ge [sflag:s30], $0x4000  }
0xaf: {  	s17 =	sadd.s32 @!p0 s7, s21;
	[sflag:s30] =	ssyncset.done $0x0  }
0xb0: {  	s24 =	simm.s32 @!p0 $0x16000;
	s23 =	simm.s32 @!p0 $0x0;
	[sflag:s30] =	ssyncadd.s32 $0xFFFFC000  }
0xb1: {  	[tilespmem:s24], [sflag:$0x3] =	stream.linear.gather @!p0 [hbm4b:s17+s23], $0x80, $0x38;
	[tilespmem:$0x1E200] =	vst v63  }
0xb2: {  	s17 =	simm.s32 @!p0 $0x3  }
0xb3: {  	_ =	swait.ge @!p0 [sflag:s17], $0x80  }
0xb4: {  	[sflag:s17] =	ssyncset.done @!p0 $0x0  }
0xb5: {  	s23 =	simm.s32 @!p0 $0x80;
	[sflag:s17] =	ssyncadd.s32 @!p0 $0xFFFFFF80;
	s17 =	simm.s32 @!p0 $0x16200  }
0xb6: {  	[tilespmem:s17], [sflag:$0x1] =	stream.indirect.gather @!p0 [hbm4b:s4+s23], $0x80, s24, s23, $0xb8;
	[tilespmem:$0x1E200] =	vst v63  }
0xb7: {  	_ =	swait.ge [sflag:s12], $0x4000  }
0xb8: {  	[sflag:s12] =	ssyncset.done $0x0  }
0xb9: {  	s24 =	sadd.s32 s7, s19;
	[sflag:s12] =	ssyncadd.s32 $0xFFFFC000  }
0xba: {  	[tilespmem:s13], [sflag:$0x3] =	stream.linear.gather [hbm4b:s24+s3], $0x80, $0x38;
	[tilespmem:$0x1E200] =	vst v63  }
0xbb: {  	_ =	swait.ge [sflag:s30], $0x80  }
0xbc: {  	[sflag:s30] =	ssyncset.done $0x0  }
0xbd: {  	[sflag:s30] =	ssyncadd.s32 $0xFFFFFF80  }
0xbe: {  	[spmem:s1] =	stream.indirect.scatter.add.f32 [tilespmem:s9], [sflag:$0x3], $0x80, s13, s0, $0xb8;
	[tilespmem:$0x1E200] =	vst v63  }
0xbf: {  	_ =	swait.ge [sflag:s30], $0x4000  }
0xc0: {  	[sflag:s30] =	ssyncset.done $0x0;
	s25 =	rddreg [dreg:$0xf]  }
0xc1: {  	[sflag:s30] =	ssyncadd.s32 $0xFFFFC000;
	s7 =	sadd.s32 s15, s25  }
0xc2: {  	[tilespmem:s8], [sflag:$0x3] =	stream.linear.gather [hbm4b:s7+s3], $0x80, $0x38;
	[tilespmem:$0x1E200] =	vst v63  }
0xc3: {  	_ =	swait.ge [sflag:s30], $0x80  }
0xc4: {  	[sflag:s30] =	ssyncset.done $0x0  }
0xc5: {  	[sflag:s30] =	ssyncadd.s32 $0xFFFFFF80  }
0xc6: {  	[tilespmem:s9], [sflag:$0x2] =	stream.indirect.gather [hbm4b:s4+s0], $0x80, s8, s0, $0xb8;
	[tilespmem:$0x1E200] =	vst v63  }
0xc7: {  	_ =	swait.ge [sflag:s10], $0x4000  }
0xc8: {  	[sflag:s10] =	ssyncset.done $0x0;
	s31 =	rddreg [dreg:$0xd]  }
0xc9: {  	[sflag:s10] =	ssyncadd.s32 $0xFFFFC000;
	s7 =	sadd.s32 s15, s31  }
0xca: {  	[tilespmem:s11], [sflag:$0x3] =	stream.linear.gather [hbm4b:s7+s3], $0x80, $0x38;
	[tilespmem:$0x1E200] =	vst v63  }
0xcb: {  	_ =	swait.ge [sflag:s30], $0x80  }
0xcc: {  	[sflag:s30] =	ssyncset.done $0x0  }
0xcd: {  	s16 =	sadd.s32 $0x2, s16;
	[sflag:s30] =	ssyncadd.s32 $0xFFFFFF80  }
0xce: {  	[spmem:s1] =	stream.indirect.scatter.add.f32 [tilespmem:s2], [sflag:$0x3], $0x80, s11, s0, $0xb8;
	[tilespmem:$0x1E200] =	vst v63  }
0xcf: {  	p0 =	sge.u32 s16, s5;
	_ =	swait.ge [sflag:s30], $0x4000  }
0xd0: {  	s16 =	simm.s32 @!p0 $0x0;
	[sflag:s30] =	ssyncset.done $0x0  }
0xd1: {  	s17 =	simm.s32 @!p0 $0x16000;
	s7 =	sadd.s32 @!p0 s15, s28;
	[sflag:s30] =	ssyncadd.s32 $0xFFFFC000  }
0xd2: {  	[tilespmem:s17], [sflag:$0x3] =	stream.linear.gather @!p0 [hbm4b:s7+s16], $0x80, $0x38;
	[tilespmem:$0x1E200] =	vst v63  }
0xd3: {  	s7 =	simm.s32 @!p0 $0x3  }
0xd4: {  	_ =	swait.ge @!p0 [sflag:s7], $0x80  }
0xd5: {  	[sflag:s7] =	ssyncset.done @!p0 $0x0  }
0xd6: {  	s16 =	simm.s32 @!p0 $0x16200;
	[sflag:s7] =	ssyncadd.s32 @!p0 $0xFFFFFF80;
	s7 =	simm.s32 @!p0 $0x80  }
0xd7: {  	[tilespmem:s16], [sflag:$0x1] =	stream.indirect.gather @!p0 [hbm4b:s4+s7], $0x80, s17, s7, $0xb8;
	[tilespmem:$0x1E200] =	vst v63  }
0xd8: {  	_ =	swait.ge [sflag:s12], $0x4000  }
0xd9: {  	[sflag:s12] =	ssyncset.done $0x0;
	s17 =	rddreg [dreg:$0xe]  }
0xda: {  	[sflag:s12] =	ssyncadd.s32 $0xFFFFC000;
	s7 =	sadd.s32 s15, s17  }
0xdb: {  	[tilespmem:s13], [sflag:$0x3] =	stream.linear.gather [hbm4b:s7+s3], $0x80, $0x38;
	[tilespmem:$0x1E200] =	vst v63  }
0xdc: {  	_ =	swait.ge [sflag:s30], $0x80  }
0xdd: {  	[sflag:s30] =	ssyncset.done $0x0  }
0xde: {  	[sflag:s30] =	ssyncadd.s32 $0xFFFFFF80  }
0xdf: {  	[spmem:s1] =	stream.indirect.scatter.add.f32 [tilespmem:s9], [sflag:$0x3], $0x80, s13, s0, $0xb8;
	[tilespmem:$0x1E200] =	vst v63  }
0xe0: {  	_ =	swait.ge [sflag:s30], $0x4000  }
0xe1: {  	[sflag:s30] =	ssyncset.done $0x0  }
0xe2: {  	s23 =	stileid.u32;
	[sflag:s30] =	ssyncadd.s32 $0xFFFFC000  }
0xe3: {  	s7 =	sshll.u32 s23, $0x6;
	[bflag:$0x0] =	sbarrier.arrive $0xFFFF  }
0xe4: {  	s24 =	sshrl.u32 s6, $0x3;
	s7 =	sor.u32 $0x1C03, s7;
	s25 =	rddreg [dreg:$0x3]  }
0xe5: {  	[hbm:s25], [sflag:s7] =	dma.local [spmem:s24], $0x2800  }
0xe6: {  	_ =	swait.ge [sflag:s30], $0x2800  }
0xe7: {  	s14 =	sadd.s32 $0x1, s14;
	s31 =	rddreg [dreg:$0x4]  }
0xe8: {  	p0 =	sne.s32 s14, s31  }
.Ltmp4:
0xe9: {  	_ = 	snop;
	(pc) =	sbr.rel @p0 .LBB2_1-.Ltmp4, $4  }
.Ltmp5:
0xea: {  	_ = 	snop;
	(pc) =	sbr.rel @!p0 .LBB2_10-.Ltmp5, $4  }
0xeb: {  	_ = 	snop  }
0xec: {  	[sflag:s30] =	ssyncset.done $0x0  }
0xed: {  	[sflag:s30] =	ssyncadd.s32 $0xFFFFD800  }
0xee: {  	_ = 	snop  }
.LBB2_4:
.Ltmp6:
0xef: {  	(pc) =	sbr.rel .LBB2_9-.Ltmp6, $2  }
0xf0: {  	_ =	sdelay $0x2  }
0xf1: {  	s15 =	simm.s32 $0x20  }
.LBB2_6:
.Ltmp7:
0xf2: {  	(pc) =	sbr.rel .LBB2_9-.Ltmp7, $2  }
0xf3: {  	_ =	sdelay $0x2  }
0xf4: {  	s7 =	simm.s32 $0x20  }
.LBB2_10:
0xf5: {  	_ =	sfence.sel $0x180000  }
0xf6: {  	[bflag:$0x0] =	sbarrier.arrive $0xFFFF  }
0xf7: {  	_ =	strace $0x9000004D  }
0xf8: {  	s0 =	stileid.u32;
	[bflag:$0x2] =	sbarrier.arrive $0xFFFF  }
0xf9: {  	p0 =	sne.s32 s0, $0x0;
	s0 =	rddreg [dreg:$0x2]  }
0xfa: {  	s0 =	sadd.s32 @!p0 $0x100000, s0  }
0xfb: {  	[sflag:s0] =	ssyncadd.tile.s32 @!p0 $0x1;
	_ =	shalt  }
.Lfunc_end2:
_tile_overlayer_lowered:
.L_overlay_start_2:
0xfc: {  	(tag) =	ssettag $0x2  }
0xfd: {  	s0 =	rddreg [dreg:$0x0];
	s2 =	stileid.u32  }
0xfe: {  	s1 =	rddreg [dreg:$0x1];
	p0 =	sne.s32 s2, $0x0  }
0xff: {  	s3 =	rddreg [dreg:$0x2];
	[bflag:$0x3] =	sbarrier.arrive $0xFFFF;
	s2 =	simm.s32 @!p0 $0x1C03  }
0x100: {  	[timem:s3], [sflag:s2] =	dma.local @!p0 [hbm:s0], s1  }
0x101: {  	s0 =	simm.s32 @!p0 $0x3  }
0x102: {  	_ =	swait.ge @!p0 [sflag:s0], s1  }
0x103: {  	s1 =	ssub.s32 @!p0 $0x0, s1;
	[sflag:s0] =	ssyncset.done @!p0 $0x0  }
0x104: {  	[sflag:s0] =	ssyncadd.s32 @!p0 s1  }
0x105: {  	[bflag:$0x3] =	sbarrier.arrive $0xFFFF  }
0x106: {  	_ =	shalt  }

// kernel: kernel.8.cloned.1.call-start
scs
__scs_entry_jumppad:
0x0: {  	(pc) =	sbr.rel $0x88, $3  }
0x1: {  	(tag) =	ssettag $0x0;
	lr =	simm.s32 $0x1  }
0x2: {  	[smem:$0x3F93] =	sst lr;
	_ =	strace $0xD0000000  }
0x3: {  	_ = 	snop  }
0x4: {  	_ = 	snop  }
0x5: {  	_ = 	snop  }
0x6: {  	_ = 	snop  }
0x7: {  	_ = 	snop  }
__scs_overlays_trampoline_lowered:
0x8: {  	[smem:$0x3FA2] =	sst s0  }
0x9: {  	[smem:$0x3FA3] =	sst s1  }
0xa: {  	[smem:$0x3FA4] =	sst s2  }
0xb: {  	[smem:$0x3FA5] =	sst s3  }
0xc: {  	[smem:$0x3FA6] =	sst s4  }
0xd: {  	[smem:$0x3FA7] =	sst s5  }
0xe: {  	[smem:$0x3FA8] =	sst s6  }
0xf: {  	[smem:$0x3FA9] =	sst s7  }
0x10: {  	[smem:$0x3FAA] =	sst s8  }
0x11: {  	[smem:$0x3FAB] =	sst s9;
	s0 =	simm.s32 @!p0 $0x0  }
0x12: {  	s1 =	sld [smem:$0x3F91];
	s0 =	simm.s32 @p0 $0x1  }
0x13: {  	[smem:$0x3FAC] =	sst s0;
	s0 =	simm.s32 @!p1 $0x0  }
0x14: {  	s2 =	sld [smem:$0x3F90];
	s0 =	simm.s32 @p1 $0x1  }
0x15: {  	[smem:$0x3FAD] =	sst s0;
	s0 =	simm.s32 @!p2 $0x0  }
0x16: {  	s3 =	sld [smem:$0x3FDB];
	s0 =	simm.s32 @p2 $0x1  }
0x17: {  	s4 =	simm.s32 $0x1BF5;
	[smem:$0x3FAF] =	sst s0  }
0x18: {  	s0 =	sld [smem:$0x3F92];
	_ =	swait.ge [sflag:s4], $0x0  }
0x19: {  	s7 =	sld [smem:$0x3F93]  }
0x1a: {  	s8 =	sadd.s32 $0xFFFFE003, lr  }
0x1b: {  	s9 =	sadd.s32 $0xFFFFFEF7, lr;
	s5 =	simm.s32 $0xFFFFFFFF;
	p2 =	slt.u32 s8, $0xFFFFF086  }
0x1c: {  	p1 =	slt.u32 s9, $0xF7A;
	s5 =	simm.s32 @!p2 $0x0  }
0x1d: {  	s5 =	simm.s32 @p1 $0x1;
	p0 =	seq.s32 s7, s2  }
0x1e: {  	s7 =	smul.u32 @!p0 $0xF7A, s2;
	p2 =	seq.s32 @!p0 s5, $0x0  }
0x1f: {  	s9 =	smul.u32 $0xF7A, s1;
	s8 =	simm.s32 @!p0 $0x1BF5;
	p2 =	por !p2, p0  }
0x20: {  	[sflag:s8] =	ssyncset.s32 @!p0 $0xFFFFF086;
	s6 =	sadd.s32 @!p0 s3, s7;
	s7 =	simm.s32 @!p0 $0x108  }
0x21: {  	s3 =	sadd.s32 s3, s9;
	s6 =	sadd.s32 @!p0 $0x88, s6;
	s7 =	simm.s32 @p2 $0x1082  }
0x22: {  	[simem:s7], [sflag:s8] =	dma.local @!p0 [hbm:s6], $0xF7A  }
0x23: {  	s9 =	sor.u32 $0xD0000000, s2;
	s6 =	simm.s32 $0x108;
	_ =	swait.ge @!p0 [sflag:s8], $0x0  }
0x24: {  	s3 =	sadd.s32 $0x88, s3;
	s6 =	simm.s32 @!p1 $0x1082;
	[sflag:s4] =	ssyncset.s32 $0xFFFFF086  }
0x25: {  	[simem:s6], [sflag:s4] =	dma.local [hbm:s3], $0xF7A  }
0x26: {  	[smem:$0x3F93] =	sst s1;
	(tag) =	ssettag s2;
	_ =	strace s9  }
0x27: {  	s1 =	sld [smem:$0x3FA3]  }
0x28: {  	s2 =	sld [smem:$0x3FA4]  }
0x29: {  	s4 =	sld [smem:$0x3FA6]  }
0x2a: {  	p0 =	seq.s32 s5, $0x0;
	s5 =	sld [smem:$0x3FA7]  }
0x2b: {  	s6 =	sld [smem:$0x3FA8]  }
0x2c: {  	s7 =	sld [smem:$0x3FA9]  }
0x2d: {  	s3 =	simm.s32 $0x108;
	s8 =	sld [smem:$0x3FAA]  }
0x2e: {  	s3 =	simm.s32 @!p0 $0x1082;
	s9 =	sld [smem:$0x3FAB]  }
0x2f: {  	lr =	sadd.s32 s0, s3;
	s0 =	sld [smem:$0x3FA2]  }
0x30: {  	s3 =	sld [smem:$0x3FA5]  }
0x31: {  	[smem:$0x3FAE] =	sst s10  }
0x32: {  	s10 =	sld [smem:$0x3FAC];
	_ =	sdelay $0x3  }
0x33: {  	p0 =	seq.s32 s10, $0x1;
	s10 =	sld [smem:$0x3FAE];
	_ =	sdelay $0x3  }
0x34: {  	[smem:$0x3FAE] =	sst s10  }
0x35: {  	s10 =	sld [smem:$0x3FAD];
	_ =	sdelay $0x3  }
0x36: {  	p1 =	seq.s32 s10, $0x1;
	s10 =	sld [smem:$0x3FAE];
	_ =	sdelay $0x3  }
0x37: {  	[smem:$0x3FAE] =	sst s10  }
0x38: {  	s10 =	sld [smem:$0x3FAF]  }
0x39: {  	_ = 	snop;
	(pc) =	sbr.ind lr, $3  }
0x3a: {  	_ = 	snop  }
0x3b: {  	_ = 	snop  }
0x3c: {  	p2 =	seq.s32 s10, $0x1;
	s10 =	sld [smem:$0x3FAE]  }
0x3d: {  	_ =	shalt  }
0x3e: {  	_ =	shalt  }
0x3f: {  	_ =	shalt  }
0x40: {  	_ =	shalt  }
0x41: {  	_ =	shalt  }
0x42: {  	_ =	shalt  }
0x43: {  	_ =	shalt  }
0x44: {  	_ =	shalt  }
0x45: {  	_ =	shalt  }
0x46: {  	_ =	shalt  }
0x47: {  	_ =	shalt  }
0x48: {  	_ =	shalt  }
0x49: {  	_ =	shalt  }
0x4a: {  	_ =	shalt  }
0x4b: {  	_ =	shalt  }
0x4c: {  	_ =	shalt  }
0x4d: {  	_ =	shalt  }
0x4e: {  	_ =	shalt  }
0x4f: {  	_ =	shalt  }
0x50: {  	_ =	shalt  }
0x51: {  	_ =	shalt  }
0x52: {  	_ =	shalt  }
0x53: {  	_ =	shalt  }
0x54: {  	_ =	shalt  }
0x55: {  	_ =	shalt  }
0x56: {  	_ =	shalt  }
0x57: {  	_ =	shalt  }
0x58: {  	_ =	shalt  }
0x59: {  	_ =	shalt  }
0x5a: {  	_ =	shalt  }
0x5b: {  	_ =	shalt  }
0x5c: {  	_ =	shalt  }
0x5d: {  	_ =	shalt  }
0x5e: {  	_ =	shalt  }
0x5f: {  	_ =	shalt  }
0x60: {  	_ =	shalt  }
0x61: {  	_ =	shalt  }
0x62: {  	_ =	shalt  }
0x63: {  	_ =	shalt  }
0x64: {  	_ =	shalt  }
0x65: {  	_ =	shalt  }
0x66: {  	_ =	shalt  }
0x67: {  	_ =	shalt  }
0x68: {  	_ =	shalt  }
0x69: {  	_ =	shalt  }
0x6a: {  	_ =	shalt  }
0x6b: {  	_ =	shalt  }
0x6c: {  	_ =	shalt  }
0x6d: {  	_ =	shalt  }
0x6e: {  	_ =	shalt  }
0x6f: {  	_ =	shalt  }
0x70: {  	_ =	shalt  }
0x71: {  	_ =	shalt  }
0x72: {  	_ =	shalt  }
0x73: {  	_ =	shalt  }
0x74: {  	_ =	shalt  }
0x75: {  	_ =	shalt  }
0x76: {  	_ =	shalt  }
0x77: {  	_ =	shalt  }
0x78: {  	_ =	shalt  }
0x79: {  	_ =	shalt  }
0x7a: {  	_ =	shalt  }
0x7b: {  	_ =	shalt  }
0x7c: {  	_ =	shalt  }
0x7d: {  	_ =	shalt  }
0x7e: {  	_ =	shalt  }
0x7f: {  	_ =	shalt  }
0x80: {  	_ =	shalt  }
0x81: {  	_ =	shalt  }
0x82: {  	_ =	shalt  }
0x83: {  	_ =	shalt  }
0x84: {  	_ =	shalt  }
0x85: {  	_ =	shalt  }
0x86: {  	_ =	shalt  }
0x87: {  	_ =	shalt  }
.Lfunc_end0:
.L_simem_size_0:
called_computation_lowered:
.L_overlay_start_0:
0x88: {  	s2 =	sld [smem:$0x3FD9]  }
0x89: {  	s3 =	sld [smem:$0x3FFE];
	_ =	sdelay $0x1  }
0x8a: {  	s1 =	srdreg.scid  }
0x8b: {  	s0 =	sand.u32 $0x1, s1  }
0x8c: {  	s16 =	sshll.u32 s0, $0xA;
	s2 =	sadd.s32 s3, s2  }
0x8d: {  	s2 =	sadd.s32 s2, s16  }
0x8e: {  	[smem:$0x3FBA] =	sst s2  }
0x8f: {  	_ = 	snop  }
0x90: {  	(tm) =	ssettm $0x1  }
0x91: {  	s17 =	sld [smem:$0x3FFB];
	_ =	sdelay $0x3  }
0x92: {  	_ =	strace s17  }
0x93: {  	s2 =	sld [smem:$0x3FFC];
	_ =	sdelay $0x3  }
0x94: {  	_ =	strace s2  }
0x95: {  	s2 =	sld [smem:$0x3FFD];
	_ =	sdelay $0x3  }
0x96: {  	_ =	strace s2  }
0x97: {  	_ =	strace $0x8FFFFFFF  }
0x98: {  	s18 =	sld [smem:$0x3FDB];
	_ =	sdelay $0x1  }
0x99: {  	s19 =	simm.s32 $_scs_section_size  }
0x9a: {  	s4 =	simm.s32 $_size__tile_overlayer_lowered;
	s5 =	simm.s32 $_tile_overlayer_lowered  }
0x9b: {  	s22 =	simm.s32 $0x1BFF;
	s21 =	sshll.u32 s5, $0x1;
	s2 =	sadd.s32 s19, s18  }
0x9c: {  	s6 =	simm.s32 $0x0;
	s20 =	sshll.u32 s4, $0x1;
	s4 =	sadd.s32 s21, s2  }
0x9d: {  	[timem:s6], [sflag:s22] =	dma.local [hbm:s4], s20  }
0x9e: {  	_ =	swait.ge [sflag:s22], s20  }
0x9f: {  	s3 =	ssub.s32 $0x0, s20;
	[sflag:s22] =	ssyncset.done $0x0  }
0xa0: {  	[sflag:s22] =	ssyncadd.s32 s3;
	_ =	sdelay $0x1  }
0xa1: {  	s23 =	simm.s32 $0x1B8B  }
0xa2: {  	_ =	swait.ge [sflag:s23], $0x1  }
0xa3: {  	[sflag:s23] =	ssyncset.done $0x0  }
0xa4: {  	s25 =	simm.s32 $0x1B8E;
	s24 =	sld [smem:$0x3FFE];
	[sflag:s23] =	ssyncadd.s32 $0xFFFFFFFF  }
0xa5: {  	s26 =	simm.s32 $execute0_lowered;
	[smem:$0x3FD2] =	sst s25  }
0xa6: {  	s4 =	sshll.u32 s26, $0x1;
	_ =	strace $0x80000046;
	[dreg:$0x1] =	wrdreg $0xFFFFFFFF  }
0xa7: {  	s28 =	simm.s32 $_size_execute0_lowered;
	s2 =	sadd.s32 s2, s4;
	[dreg:$0x0] =	wrdreg $0x0  }
0xa8: {  	s4 =	sshll.u32 s28, $0x1;
	[dreg:$0x2] =	wrdreg s2  }
0xa9: {  	[dreg:$0x3] =	wrdreg s4  }
0xaa: {  	[dreg:$0x4] =	wrdreg $0xC0  }
0xab: {  	_ =	task [dreg:s6], $0x5FFFF  }
0xac: {  	[dreg:$0x1] =	wrdreg $0xFFFFFFFF  }
0xad: {  	[dreg:$0x0] =	wrdreg $0x60  }
0xae: {  	[dreg:$0x2] =	wrdreg s24  }
0xaf: {  	[dreg:$0x3] =	wrdreg $0x0  }
0xb0: {  	[dreg:$0x4] =	wrdreg $0x9  }
0xb1: {  	_ =	task.clear_ibuf [dreg:s6], $0x5FFFF;
	_ =	strace $0x90000046  }
0xb2: {  	s29 =	simm.s32 $0x9;
	_ =	strace $0x80000048  }
0xb3: {  	_ =	swait.ge [sflag:s29], $0x1  }
0xb4: {  	[sflag:s29] =	ssyncadd.s32 $0xFFFFFFFF  }
0xb5: {  	_ =	strace $0x90000048  }
0xb6: {  	_ =	sfence  }
0xb7: {  	s30 =	sld [smem:$0x0];
	_ =	sdelay $0x2  }
0xb8: {  	s31 =	sshll.u32 s1, $0xD;
	s1 =	sshrl.u32 s1, $0x2  }
0xb9: {  	s3 =	sand.u32 $0x4000, s31;
	s1 =	sadd.s32 s1, s30  }
0xba: {  	s0 =	sor.u32 s3, s0;
	s1 =	sshll.u32 s1, $0x11  }
0xbb: {  	s0 =	sor.u32 s1, s0  }
0xbc: {  	s0 =	sadd.s32 $0x8F2B, s0  }
0xbd: {  	[sflag:s0] =	ssyncadd.remote.s32 $0x1  }
0xbe: {  	_ =	sfence.sel $0xFFFF  }
0xbf: {  	[dreg:$0x0] =	wrdreg $0xFFFFFFFF;
	(pc) =	sbr.abs _section_cstart, $3  }
0xc0: {  	[dreg:$0x1] =	wrdreg $0xFFFFFFFF  }
0xc1: {  	_ =	task.clear_ibuf [dreg:s6], $0x2FFFF;
	_ =	strace $0x9FFFFFFF  }
0xc2: {  	(tm) =	ssettm $0x7FFFFFFF  }
0xc3: {  	_ =	shalt  }
tec
execute0_lowered:
.L_overlay_start_1:
0x0: {  	(tag) =	ssettag $0x1  }
0x1: {  	s0 =	rddreg [dreg:$0x0]  }
0x2: {  	s1 =	rddreg [dreg:$0x1];
	s2 =	srdreg.scid  }
0x3: {  	s3 =	simm.s32 $0x0;
	s12 =	stileid.u32;
	s29 =	simm.s32 $0x14000  }
0x4: {  	s30 =	simm.s32 $0x3;
	s2 =	sand.u32 $0x1, s2;
	s6 =	smul.u32 $0x14000, s12  }
0x5: {  	[smem:$0x7FF] =	sst s3;
	s4 =	sadd.s32 $0x17200, s0;
	s10 =	smul.u32 $0x4C00, s12  }
0x6: {  	s7 =	sadd.s32 $0xD200, s0;
	s8 =	sadd.s32 $0x3200, s0;
	s21 =	smul.u32 $0x50000, s12  }
0x7: {  	s11 =	sshll.u32 s12, $0xA;
	s5 =	smul.u32 $0x140000, s2;
	_ =	strace $0x80000047  }
0x8: {  	s20 =	ssub.s32 $0x2, s2;
	p0 =	seq.s32 s2, $0x0;
	s2 =	sor.u32 $0x4C000, s11  }
0x9: {  	s9 =	sshrl.u32 s20, $0x1;
	s2 =	smov.u32 @p0 s10;
	s22 =	sshrl.u32 s21, $0x2  }
0xa: {  	s5 =	sadd.s32 s6, s5;
	s9 =	ssub.s32 s20, s9;
	s2 =	sshrl.u32 s2, $0x3  }
0xb: {  	s6 =	sadd.s32 s22, s1;
	s5 =	sshrl.u32 s5, $0x3;
	s23 =	smax.u32 s9, $0x1  }
0xc: {  	s13 =	sadd.s32 s7, s2;
	s24 =	sadd.s32 $0x2000, s6;
	[dreg:$0x4] =	wrdreg s23  }
0xd: {  	s25 =	sadd.s32 $0x4000, s6;
	s26 =	sadd.s32 $0x6000, s6;
	[dreg:$0x5] =	wrdreg s24  }
0xe: {  	s31 =	sadd.s32 $0x8000, s6;
	s9 =	sadd.s32 $0xA000, s6;
	[dreg:$0x6] =	wrdreg s25  }
0xf: {  	s10 =	sadd.s32 $0xC000, s6;
	s11 =	sadd.s32 $0xE000, s6;
	[dreg:$0x7] =	wrdreg s26  }
0x10: {  	s12 =	sadd.s32 $0x10000, s6;
	s14 =	sor.u32 $0x20, s2;
	[dreg:$0x8] =	wrdreg s31  }
0x11: {  	s15 =	sor.u32 $0x30, s2;
	s22 =	sor.u32 $0x10, s2;
	[dreg:$0x9] =	wrdreg s9  }
0x12: {  	s18 =	sadd.s32 s2, s8;
	s2 =	simm.s32 $0x16200;
	[dreg:$0xa] =	wrdreg s10  }
0x13: {  	s0 =	sadd.s32 s5, s0;
	s5 =	simm.s32 $0x98;
	[dreg:$0xb] =	wrdreg s11  }
0x14: {  	[dreg:$0xc] =	wrdreg s12;
	s16 =	sadd.s32 s14, s8;
	s17 =	sadd.s32 s15, s8  }
0x15: {  	s9 =	sadd.s32 s15, s7;
	s19 =	sadd.s32 s22, s8;
	s20 =	sadd.s32 s22, s7  }
0x16: {  	s21 =	sadd.s32 s14, s7;
	s31 =	sadd.s32 $0x12000, s6;
	s28 =	sadd.s32 $0x20, s13  }
0x17: {  	s8 =	simm.s32 $0x16080;
	s10 =	simm.s32 $0x1;
	s11 =	simm.s32 $0x16100  }
0x18: {  	s12 =	simm.s32 $0x2;
	s0 =	sadd.s32 $0x3F200, s0;
	[dreg:$0x10] =	wrdreg s31  }
0x19: {  	s14 =	simm.s32 $0x0;
	s24 =	sadd.s32 $0xFFFFFFE0, s16;
	[dreg:$0x3] =	wrdreg s0  }
0x1a: {  	s5 =	simm.s32 @!p0 $0x8;
	s25 =	sadd.s32 $0xFFFFFFE0, s17;
	[dreg:$0xd] =	wrdreg s24  }
0x1b: {  	s26 =	sadd.s32 $0xFFFFFFE0, s9;
	s9 =	simm.s32 $0x1A200;
	[dreg:$0xe] =	wrdreg s25  }
0x1c: {  	s23 =	sshll.u32 s5, $0x4;
	[dreg:$0xf] =	wrdreg s26;
	s26 =	smov.u32 s13  }
0x1d: {  	v0 =	vimm.f32 $0.0e+00;
	s0 =	simm.s32 $0x80;
	s13 =	simm.s32 $0x16180;
	s22 =	sadd.s32 $0xFFFFFFE0, s23  }
.LBB2_1:
0x1e: {  	s7 =	simm.s32 $0x0;
	s15 =	simm.s32 $0x200  }
.LBB2_2:
0x1f: {  	p0 =	sne.s32 s15, $0x7E00;
	[tilespmem:s7+$0x14070] =	vst v0  }
0x20: {  	[tilespmem:s7+$0x14000] =	vst v0  }
0x21: {  	[tilespmem:s7+$0x14010] =	vst v0  }
.Ltmp0:
0x22: {  	[tilespmem:s7+$0x14020] =	vst v0;
	(pc) =	sbr.rel @p0 .LBB2_2-.Ltmp0, $4  }
0x23: {  	[tilespmem:s7+$0x14030] =	vst v0  }
0x24: {  	[tilespmem:s7+$0x14040] =	vst v0  }
0x25: {  	[tilespmem:s7+$0x14050] =	vst v0  }
0x26: {  	[tilespmem:s7+$0x14060] =	vst v0;
	s7 =	sshra.s32 s15, $0x2;
	s15 =	sadd.s32 $0x200, s15  }
0x27: {  	[tilespmem:s7+$0x14070] =	vst v0  }
0x28: {  	[tilespmem:s7+$0x14000] =	vst v0  }
0x29: {  	[tilespmem:s7+$0x14010] =	vst v0  }
0x2a: {  	[tilespmem:s7+$0x14020] =	vst v0  }
0x2b: {  	[tilespmem:s7+$0x14030] =	vst v0  }
0x2c: {  	[tilespmem:s7+$0x14040] =	vst v0  }
0x2d: {  	[tilespmem:s7+$0x14050] =	vst v0  }
0x2e: {  	[tilespmem:s7+$0x14060] =	vst v0  }
0x2f: {  	[spmem:s6] =	stream.linear.scatter [tilespmem:s29], [sflag:$0x3], $0x2000, $0x38;
	[tilespmem:$0x1E200] =	vst v63  }
0x30: {  	_ =	swait.ge [sflag:s30], $0x2000  }
0x31: {  	[sflag:s30] =	ssyncset.done $0x0  }
0x32: {  	s25 =	rddreg [dreg:$0x5];
	[sflag:s30] =	ssyncadd.s32 $0xFFFFE000  }
0x33: {  	[spmem:s25] =	stream.linear.scatter [tilespmem:s29], [sflag:$0x3], $0x2000, $0x38;
	[tilespmem:$0x1E200] =	vst v63  }
0x34: {  	_ =	swait.ge [sflag:s30], $0x2000  }
0x35: {  	[sflag:s30] =	ssyncset.done $0x0  }
0x36: {  	s31 =	rddreg [dreg:$0x6];
	[sflag:s30] =	ssyncadd.s32 $0xFFFFE000  }
0x37: {  	[spmem:s31] =	stream.linear.scatter [tilespmem:s29], [sflag:$0x3], $0x2000, $0x38;
	[tilespmem:$0x1E200] =	vst v63  }
0x38: {  	_ =	swait.ge [sflag:s30], $0x2000  }
0x39: {  	[sflag:s30] =	ssyncset.done $0x0  }
0x3a: {  	s15 =	rddreg [dreg:$0x7];
	[sflag:s30] =	ssyncadd.s32 $0xFFFFE000  }
0x3b: {  	[spmem:s15] =	stream.linear.scatter [tilespmem:s29], [sflag:$0x3], $0x2000, $0x38;
	[tilespmem:$0x1E200] =	vst v63  }
0x3c: {  	_ =	swait.ge [sflag:s30], $0x2000  }
0x3d: {  	[sflag:s30] =	ssyncset.done $0x0  }
0x3e: {  	s16 =	rddreg [dreg:$0x8];
	[sflag:s30] =	ssyncadd.s32 $0xFFFFE000  }
0x3f: {  	[spmem:s16] =	stream.linear.scatter [tilespmem:s29], [sflag:$0x3], $0x2000, $0x38;
	[tilespmem:$0x1E200] =	vst v63  }
0x40: {  	_ =	swait.ge [sflag:s30], $0x2000  }
0x41: {  	[sflag:s30] =	ssyncset.done $0x0  }
0x42: {  	s17 =	rddreg [dreg:$0x9];
	[sflag:s30] =	ssyncadd.s32 $0xFFFFE000  }
0x43: {  	[spmem:s17] =	stream.linear.scatter [tilespmem:s29], [sflag:$0x3], $0x2000, $0x38;
	[tilespmem:$0x1E200] =	vst v63  }
0x44: {  	_ =	swait.ge [sflag:s30], $0x2000  }
0x45: {  	[sflag:s30] =	ssyncset.done $0x0  }
0x46: {  	s23 =	rddreg [dreg:$0xa];
	[sflag:s30] =	ssyncadd.s32 $0xFFFFE000  }
0x47: {  	[spmem:s23] =	stream.linear.scatter [tilespmem:s29], [sflag:$0x3], $0x2000, $0x38;
	[tilespmem:$0x1E200] =	vst v63  }
0x48: {  	_ =	swait.ge [sflag:s30], $0x2000  }
0x49: {  	[sflag:s30] =	ssyncset.done $0x0  }
0x4a: {  	s24 =	rddreg [dreg:$0xb];
	[sflag:s30] =	ssyncadd.s32 $0xFFFFE000  }
0x4b: {  	[spmem:s24] =	stream.linear.scatter [tilespmem:s29], [sflag:$0x3], $0x2000, $0x38;
	[tilespmem:$0x1E200] =	vst v63  }
0x4c: {  	_ =	swait.ge [sflag:s30], $0x2000  }
0x4d: {  	[sflag:s30] =	ssyncset.done $0x0  }
0x4e: {  	s25 =	rddreg [dreg:$0xc];
	[sflag:s30] =	ssyncadd.s32 $0xFFFFE000  }
0x4f: {  	[spmem:s25] =	stream.linear.scatter [tilespmem:s29], [sflag:$0x3], $0x2000, $0x38;
	[tilespmem:$0x1E200] =	vst v63  }
0x50: {  	_ =	swait.ge [sflag:s30], $0x2000  }
0x51: {  	[sflag:s30] =	ssyncset.done $0x0  }
0x52: {  	s31 =	rddreg [dreg:$0x10];
	[sflag:s30] =	ssyncadd.s32 $0xFFFFE000  }
0x53: {  	[spmem:s31] =	stream.linear.scatter [tilespmem:s29], [sflag:$0x3], $0x2000, $0x38;
	[tilespmem:$0x1E200] =	vst v63  }
0x54: {  	_ =	swait.ge [sflag:s30], $0x2000  }
0x55: {  	[sflag:s30] =	ssyncset.done $0x0  }
0x56: {  	s7 =	simm.s32 $0x0;
	[sflag:s30] =	ssyncadd.s32 $0xFFFFE000  }
0x57: {  	p1 =	sne.s32 s22, $0x20;
	s15 =	simm.s32 $0x16000;
	[bflag:$0x0] =	sbarrier.arrive $0xFFFF  }
0x58: {  	[tilespmem:s15], [sflag:$0x3] =	stream.linear.gather [hbm4b:s26+s7], $0x80, $0x38;
	[tilespmem:$0x1E200] =	vst v63  }
.Ltmp1:
0x59: {  	_ = 	snop;
	(pc) =	sbr.rel @!p1 .LBB2_4-.Ltmp1, $4  }
0x5a: {  	_ =	swait.ge [sflag:s30], $0x80  }
0x5b: {  	p0 =	por $0x0, $0x0;
	[sflag:s30] =	ssyncset.done $0x0  }
0x5c: {  	s16 =	simm.s32 $0x2;
	s17 =	simm.s32 $0x20;
	[sflag:s30] =	ssyncadd.s32 $0xFFFFFF80  }
0x5d: {  	[tilespmem:s2], [sflag:$0x1] =	stream.indirect.gather [hbm4b:s4+s0], $0x80, s15, s0, $0xb8;
	[tilespmem:$0x1E200] =	vst v63  }
0x5e: {  	s7 =	sadd.s32 $0x0, s20  }
0x5f: {  	[tilespmem:s8], [sflag:$0x3] =	stream.linear.gather [hbm4b:s7+s3], $0x80, $0x38;
	[tilespmem:$0x1E200] =	vst v63  }
0x60: {  	_ =	swait.ge [sflag:s30], $0x80  }
0x61: {  	[sflag:s30] =	ssyncset.done $0x0  }
0x62: {  	[sflag:s30] =	ssyncadd.s32 $0xFFFFFF80  }
0x63: {  	[tilespmem:s9], [sflag:$0x2] =	stream.indirect.gather [hbm4b:s4+s0], $0x80, s8, s0, $0xb8;
	[tilespmem:$0x1E200] =	vst v63  }
0x64: {  	_ =	swait.ge [sflag:s10], $0x4000  }
0x65: {  	[sflag:s10] =	ssyncset.done $0x0  }
0x66: {  	s25 =	sadd.s32 $0x0, s18;
	[sflag:s10] =	ssyncadd.s32 $0xFFFFC000  }
0x67: {  	[tilespmem:s11], [sflag:$0x3] =	stream.linear.gather [hbm4b:s25+s3], $0x80, $0x38;
	[tilespmem:$0x1E200] =	vst v63  }
0x68: {  	_ =	swait.ge [sflag:s30], $0x80  }
0x69: {  	[sflag:s30] =	ssyncset.done $0x0  }
0x6a: {  	[sflag:s30] =	ssyncadd.s32 $0xFFFFFF80  }
0x6b: {  	[spmem:s1] =	stream.indirect.scatter.add.f32 [tilespmem:s2], [sflag:$0x3], $0x80, s11, s0, $0xb8;
	[tilespmem:$0x1E200] =	vst v63  }
0x6c: {  	p0 =	sle.u32 s5, $0x2;
	_ =	swait.ge [sflag:s30], $0x4000  }
0x6d: {  	s7 =	sadd.s32 @!p0 $0x0, s21;
	s15 =	simm.s32 @!p0 $0x0;
	[sflag:s30] =	ssyncset.done $0x0  }
0x6e: {  	s16 =	simm.s32 @!p0 $0x16000;
	s23 =	simm.s32 @!p0 $0x3;
	[sflag:s30] =	ssyncadd.s32 $0xFFFFC000  }
0x6f: {  	[tilespmem:s16], [sflag:$0x3] =	stream.linear.gather @!p0 [hbm4b:s7+s15], $0x80, $0x38;
	[tilespmem:$0x1E200] =	vst v63  }
0x70: {  	_ =	swait.ge @!p0 [sflag:s23], $0x80  }
0x71: {  	[sflag:s23] =	ssyncset.done @!p0 $0x0  }
0x72: {  	s7 =	simm.s32 @!p0 $0x80;
	s15 =	simm.s32 @!p0 $0x16200;
	[sflag:s23] =	ssyncadd.s32 @!p0 $0xFFFFFF80  }
0x73: {  	[tilespmem:s15], [sflag:$0x1] =	stream.indirect.gather @!p0 [hbm4b:s4+s7], $0x80, s16, s7, $0xb8;
	[tilespmem:$0x1E200] =	vst v63  }
0x74: {  	_ =	swait.ge [sflag:s12], $0x4000  }
0x75: {  	[sflag:s12] =	ssyncset.done $0x0  }
0x76: {  	s31 =	sadd.s32 $0x0, s19;
	p1 =	sne.s32 s22, $0x40;
	[sflag:s12] =	ssyncadd.s32 $0xFFFFC000  }
0x77: {  	[tilespmem:s13], [sflag:$0x3] =	stream.linear.gather [hbm4b:s31+s3], $0x80, $0x38;
	[tilespmem:$0x1E200] =	vst v63  }
.Ltmp2:
0x78: {  	_ =	swait.ge [sflag:s30], $0x80;
	(pc) =	sbr.rel @!p1 .LBB2_6-.Ltmp2, $4  }
0x79: {  	[sflag:s30] =	ssyncset.done $0x0  }
0x7a: {  	s15 =	simm.s32 $0x40;
	[sflag:s30] =	ssyncadd.s32 $0xFFFFFF80  }
0x7b: {  	[spmem:s1] =	stream.indirect.scatter.add.f32 [tilespmem:s9], [sflag:$0x3], $0x80, s13, s0, $0xb8;
	[tilespmem:$0x1E200] =	vst v63  }
0x7c: {  	s16 =	simm.s32 $0x4;
	p0 =	por $0x1, $0x1;
	_ =	swait.ge [sflag:s30], $0x4000  }
.LBB2_7:
0x7d: {  	s7 =	sadd.s32 s17, s20  }
0x7e: {  	[sflag:s30] =	ssyncset.done $0x0;
	s23 =	smov.u32 s15;
	s15 =	sadd.s32 $0x20, s15  }
0x7f: {  	p1 =	sne.s32 s22, s15;
	[sflag:s30] =	ssyncadd.s32 $0xFFFFC000  }
0x80: {  	[tilespmem:s8], [sflag:$0x3] =	stream.linear.gather [hbm4b:s7+s3], $0x80, $0x38;
	[tilespmem:$0x1E200] =	vst v63  }
0x81: {  	_ =	swait.ge [sflag:s30], $0x80  }
0x82: {  	[sflag:s30] =	ssyncset.done $0x0  }
0x83: {  	[sflag:s30] =	ssyncadd.s32 $0xFFFFFF80  }
0x84: {  	[tilespmem:s9], [sflag:$0x2] =	stream.indirect.gather [hbm4b:s4+s0], $0x80, s8, s0, $0xb8;
	[tilespmem:$0x1E200] =	vst v63  }
0x85: {  	_ =	swait.ge [sflag:s10], $0x4000  }
0x86: {  	s7 =	sadd.s32 s17, s18;
	[sflag:s10] =	ssyncset.done $0x0  }
0x87: {  	[sflag:s10] =	ssyncadd.s32 $0xFFFFC000  }
0x88: {  	[tilespmem:s11], [sflag:$0x3] =	stream.linear.gather [hbm4b:s7+s3], $0x80, $0x38;
	[tilespmem:$0x1E200] =	vst v63  }
0x89: {  	_ =	swait.ge [sflag:s30], $0x80  }
0x8a: {  	[sflag:s30] =	ssyncset.done $0x0  }
0x8b: {  	[sflag:s30] =	ssyncadd.s32 $0xFFFFFF80  }
0x8c: {  	[spmem:s1] =	stream.indirect.scatter.add.f32 [tilespmem:s2], [sflag:$0x3], $0x80, s11, s0, $0xb8;
	[tilespmem:$0x1E200] =	vst v63  }
0x8d: {  	p2 =	sge.u32 s16, s5;
	_ =	swait.ge [sflag:s30], $0x4000  }
0x8e: {  	s24 =	simm.s32 @!p2 $0x0;
	s7 =	sadd.s32 @!p2 s17, s21;
	[sflag:s30] =	ssyncset.done $0x0  }
0x8f: {  	s31 =	simm.s32 @!p2 $0x16000;
	s25 =	simm.s32 @!p2 $0x3;
	[sflag:s30] =	ssyncadd.s32 $0xFFFFC000  }
0x90: {  	[tilespmem:s31], [sflag:$0x3] =	stream.linear.gather @!p2 [hbm4b:s7+s24], $0x80, $0x38;
	[tilespmem:$0x1E200] =	vst v63  }
0x91: {  	_ =	swait.ge @!p2 [sflag:s25], $0x80  }
0x92: {  	s7 =	simm.s32 @!p2 $0x80;
	s24 =	simm.s32 @!p2 $0x16200;
	[sflag:s25] =	ssyncset.done @!p2 $0x0  }
0x93: {  	[sflag:s25] =	ssyncadd.s32 @!p2 $0xFFFFFF80  }
0x94: {  	[tilespmem:s24], [sflag:$0x1] =	stream.indirect.gather @!p2 [hbm4b:s4+s7], $0x80, s31, s7, $0xb8;
	[tilespmem:$0x1E200] =	vst v63  }
0x95: {  	_ =	swait.ge [sflag:s12], $0x4000  }
0x96: {  	s7 =	sadd.s32 s17, s19;
	s17 =	smov.u32 s23;
	[sflag:s12] =	ssyncset.done $0x0  }
0x97: {  	[sflag:s12] =	ssyncadd.s32 $0xFFFFC000  }
0x98: {  	[tilespmem:s13], [sflag:$0x3] =	stream.linear.gather [hbm4b:s7+s3], $0x80, $0x38;
	[tilespmem:$0x1E200] =	vst v63  }
.Ltmp3:
0x99: {  	_ =	swait.ge [sflag:s30], $0x80;
	(pc) =	sbr.rel @p1 .LBB2_7-.Ltmp3, $4  }
0x9a: {  	[sflag:s30] =	ssyncset.done $0x0  }
0x9b: {  	[sflag:s30] =	ssyncadd.s32 $0xFFFFFF80  }
0x9c: {  	[spmem:s1] =	stream.indirect.scatter.add.f32 [tilespmem:s9], [sflag:$0x3], $0x80, s13, s0, $0xb8;
	[tilespmem:$0x1E200] =	vst v63  }
0x9d: {  	s16 =	sadd.s32 $0x2, s16;
	_ =	swait.ge [sflag:s30], $0x4000  }
0x9e: {  	s7 =	smov.u32 s17  }
.LBB2_9:
0x9f: {  	[sflag:s30] =	ssyncset.done @p0 $0x0  }
0xa0: {  	s17 =	sadd.s32 s7, s20;
	[sflag:s30] =	ssyncadd.s32 @p0 $0xFFFFC000  }
0xa1: {  	[tilespmem:s8], [sflag:$0x3] =	stream.linear.gather [hbm4b:s17+s3], $0x80, $0x38;
	[tilespmem:$0x1E200] =	vst v63  }
0xa2: {  	_ =	swait.ge [sflag:s30], $0x80  }
0xa3: {  	[sflag:s30] =	ssyncset.done $0x0  }
0xa4: {  	[sflag:s30] =	ssyncadd.s32 $0xFFFFFF80  }
0xa5: {  	[tilespmem:s9], [sflag:$0x2] =	stream.indirect.gather [hbm4b:s4+s0], $0x80, s8, s0, $0xb8;
	[tilespmem:$0x1E200] =	vst v63  }
0xa6: {  	_ =	swait.ge [sflag:s10], $0x4000  }
0xa7: {  	[sflag:s10] =	ssyncset.done $0x0  }
0xa8: {  	s23 =	sadd.s32 s7, s18;
	[sflag:s10] =	ssyncadd.s32 $0xFFFFC000  }
0xa9: {  	[tilespmem:s11], [sflag:$0x3] =	stream.linear.gather [hbm4b:s23+s3], $0x80, $0x38;
	[tilespmem:$0x1E200] =	vst v63  }
0xaa: {  	_ =	swait.ge [sflag:s30], $0x80  }
0xab: {  	[sflag:s30] =	ssyncset.done $0x0  }
0xac: {  	[sflag:s30] =	ssyncadd.s32 $0xFFFFFF80  }
0xad: {  	[spmem:s1] =	stream.indirect.scatter.add.f32 [tilespmem:s2], [sflag:$0x3], $0x80, s11, s0, $0xb8;
	[tilespmem:$0x1E200] =	vst v63  }
0xae: {  	p0 =	sge.u32 s16, s5;
	_ =	swait.ge [sflag:s30], $0x4000  }
0xaf: {  	s17 =	sadd.s32 @!p0 s7, s21;
	[sflag:s30] =	ssyncset.done $0x0  }
0xb0: {  	s24 =	simm.s32 @!p0 $0x16000;
	s23 =	simm.s32 @!p0 $0x0;
	[sflag:s30] =	ssyncadd.s32 $0xFFFFC000  }
0xb1: {  	[tilespmem:s24], [sflag:$0x3] =	stream.linear.gather @!p0 [hbm4b:s17+s23], $0x80, $0x38;
	[tilespmem:$0x1E200] =	vst v63  }
0xb2: {  	s17 =	simm.s32 @!p0 $0x3  }
0xb3: {  	_ =	swait.ge @!p0 [sflag:s17], $0x80  }
0xb4: {  	[sflag:s17] =	ssyncset.done @!p0 $0x0  }
0xb5: {  	s23 =	simm.s32 @!p0 $0x80;
	[sflag:s17] =	ssyncadd.s32 @!p0 $0xFFFFFF80;
	s17 =	simm.s32 @!p0 $0x16200  }
0xb6: {  	[tilespmem:s17], [sflag:$0x1] =	stream.indirect.gather @!p0 [hbm4b:s4+s23], $0x80, s24, s23, $0xb8;
	[tilespmem:$0x1E200] =	vst v63  }
0xb7: {  	_ =	swait.ge [sflag:s12], $0x4000  }
0xb8: {  	[sflag:s12] =	ssyncset.done $0x0  }
0xb9: {  	s24 =	sadd.s32 s7, s19;
	[sflag:s12] =	ssyncadd.s32 $0xFFFFC000  }
0xba: {  	[tilespmem:s13], [sflag:$0x3] =	stream.linear.gather [hbm4b:s24+s3], $0x80, $0x38;
	[tilespmem:$0x1E200] =	vst v63  }
0xbb: {  	_ =	swait.ge [sflag:s30], $0x80  }
0xbc: {  	[sflag:s30] =	ssyncset.done $0x0  }
0xbd: {  	[sflag:s30] =	ssyncadd.s32 $0xFFFFFF80  }
0xbe: {  	[spmem:s1] =	stream.indirect.scatter.add.f32 [tilespmem:s9], [sflag:$0x3], $0x80, s13, s0, $0xb8;
	[tilespmem:$0x1E200] =	vst v63  }
0xbf: {  	_ =	swait.ge [sflag:s30], $0x4000  }
0xc0: {  	[sflag:s30] =	ssyncset.done $0x0;
	s25 =	rddreg [dreg:$0xf]  }
0xc1: {  	[sflag:s30] =	ssyncadd.s32 $0xFFFFC000;
	s7 =	sadd.s32 s15, s25  }
0xc2: {  	[tilespmem:s8], [sflag:$0x3] =	stream.linear.gather [hbm4b:s7+s3], $0x80, $0x38;
	[tilespmem:$0x1E200] =	vst v63  }
0xc3: {  	_ =	swait.ge [sflag:s30], $0x80  }
0xc4: {  	[sflag:s30] =	ssyncset.done $0x0  }
0xc5: {  	[sflag:s30] =	ssyncadd.s32 $0xFFFFFF80  }
0xc6: {  	[tilespmem:s9], [sflag:$0x2] =	stream.indirect.gather [hbm4b:s4+s0], $0x80, s8, s0, $0xb8;
	[tilespmem:$0x1E200] =	vst v63  }
0xc7: {  	_ =	swait.ge [sflag:s10], $0x4000  }
0xc8: {  	[sflag:s10] =	ssyncset.done $0x0;
	s31 =	rddreg [dreg:$0xd]  }
0xc9: {  	[sflag:s10] =	ssyncadd.s32 $0xFFFFC000;
	s7 =	sadd.s32 s15, s31  }
0xca: {  	[tilespmem:s11], [sflag:$0x3] =	stream.linear.gather [hbm4b:s7+s3], $0x80, $0x38;
	[tilespmem:$0x1E200] =	vst v63  }
0xcb: {  	_ =	swait.ge [sflag:s30], $0x80  }
0xcc: {  	[sflag:s30] =	ssyncset.done $0x0  }
0xcd: {  	s16 =	sadd.s32 $0x2, s16;
	[sflag:s30] =	ssyncadd.s32 $0xFFFFFF80  }
0xce: {  	[spmem:s1] =	stream.indirect.scatter.add.f32 [tilespmem:s2], [sflag:$0x3], $0x80, s11, s0, $0xb8;
	[tilespmem:$0x1E200] =	vst v63  }
0xcf: {  	p0 =	sge.u32 s16, s5;
	_ =	swait.ge [sflag:s30], $0x4000  }
0xd0: {  	s16 =	simm.s32 @!p0 $0x0;
	[sflag:s30] =	ssyncset.done $0x0  }
0xd1: {  	s17 =	simm.s32 @!p0 $0x16000;
	s7 =	sadd.s32 @!p0 s15, s28;
	[sflag:s30] =	ssyncadd.s32 $0xFFFFC000  }
0xd2: {  	[tilespmem:s17], [sflag:$0x3] =	stream.linear.gather @!p0 [hbm4b:s7+s16], $0x80, $0x38;
	[tilespmem:$0x1E200] =	vst v63  }
0xd3: {  	s7 =	simm.s32 @!p0 $0x3  }
0xd4: {  	_ =	swait.ge @!p0 [sflag:s7], $0x80  }
0xd5: {  	[sflag:s7] =	ssyncset.done @!p0 $0x0  }
0xd6: {  	s16 =	simm.s32 @!p0 $0x16200;
	[sflag:s7] =	ssyncadd.s32 @!p0 $0xFFFFFF80;
	s7 =	simm.s32 @!p0 $0x80  }
0xd7: {  	[tilespmem:s16], [sflag:$0x1] =	stream.indirect.gather @!p0 [hbm4b:s4+s7], $0x80, s17, s7, $0xb8;
	[tilespmem:$0x1E200] =	vst v63  }
0xd8: {  	_ =	swait.ge [sflag:s12], $0x4000  }
0xd9: {  	[sflag:s12] =	ssyncset.done $0x0;
	s17 =	rddreg [dreg:$0xe]  }
0xda: {  	[sflag:s12] =	ssyncadd.s32 $0xFFFFC000;
	s7 =	sadd.s32 s15, s17  }
0xdb: {  	[tilespmem:s13], [sflag:$0x3] =	stream.linear.gather [hbm4b:s7+s3], $0x80, $0x38;
	[tilespmem:$0x1E200] =	vst v63  }
0xdc: {  	_ =	swait.ge [sflag:s30], $0x80  }
0xdd: {  	[sflag:s30] =	ssyncset.done $0x0  }
0xde: {  	[sflag:s30] =	ssyncadd.s32 $0xFFFFFF80  }
0xdf: {  	[spmem:s1] =	stream.indirect.scatter.add.f32 [tilespmem:s9], [sflag:$0x3], $0x80, s13, s0, $0xb8;
	[tilespmem:$0x1E200] =	vst v63  }
0xe0: {  	_ =	swait.ge [sflag:s30], $0x4000  }
0xe1: {  	[sflag:s30] =	ssyncset.done $0x0  }
0xe2: {  	s23 =	stileid.u32;
	[sflag:s30] =	ssyncadd.s32 $0xFFFFC000  }
0xe3: {  	s7 =	sshll.u32 s23, $0x6;
	[bflag:$0x0] =	sbarrier.arrive $0xFFFF  }
0xe4: {  	s24 =	sshrl.u32 s6, $0x3;
	s7 =	sor.u32 $0x1C03, s7;
	s25 =	rddreg [dreg:$0x3]  }
0xe5: {  	[hbm:s25], [sflag:s7] =	dma.local [spmem:s24], $0x2800  }
0xe6: {  	_ =	swait.ge [sflag:s30], $0x2800  }
0xe7: {  	s14 =	sadd.s32 $0x1, s14;
	s31 =	rddreg [dreg:$0x4]  }
0xe8: {  	p0 =	sne.s32 s14, s31  }
.Ltmp4:
0xe9: {  	_ = 	snop;
	(pc) =	sbr.rel @p0 .LBB2_1-.Ltmp4, $4  }
.Ltmp5:
0xea: {  	_ = 	snop;
	(pc) =	sbr.rel @!p0 .LBB2_10-.Ltmp5, $4  }
0xeb: {  	_ = 	snop  }
0xec: {  	[sflag:s30] =	ssyncset.done $0x0  }
0xed: {  	[sflag:s30] =	ssyncadd.s32 $0xFFFFD800  }
0xee: {  	_ = 	snop  }
.LBB2_4:
.Ltmp6:
0xef: {  	(pc) =	sbr.rel .LBB2_9-.Ltmp6, $2  }
0xf0: {  	_ =	sdelay $0x2  }
0xf1: {  	s15 =	simm.s32 $0x20  }
.LBB2_6:
.Ltmp7:
0xf2: {  	(pc) =	sbr.rel .LBB2_9-.Ltmp7, $2  }
0xf3: {  	_ =	sdelay $0x2  }
0xf4: {  	s7 =	simm.s32 $0x20  }
.LBB2_10:
0xf5: {  	_ =	sfence.sel $0x180000  }
0xf6: {  	[bflag:$0x0] =	sbarrier.arrive $0xFFFF  }
0xf7: {  	_ =	strace $0x90000047  }
0xf8: {  	s0 =	stileid.u32;
	[bflag:$0x2] =	sbarrier.arrive $0xFFFF  }
0xf9: {  	p0 =	sne.s32 s0, $0x0;
	s0 =	rddreg [dreg:$0x2]  }
0xfa: {  	s0 =	sadd.s32 @!p0 $0x100000, s0  }
0xfb: {  	[sflag:s0] =	ssyncadd.tile.s32 @!p0 $0x1;
	_ =	shalt  }
.Lfunc_end2:
_tile_overlayer_lowered:
.L_overlay_start_2:
0xfc: {  	(tag) =	ssettag $0x2  }
0xfd: {  	s0 =	rddreg [dreg:$0x0];
	s2 =	stileid.u32  }
0xfe: {  	s1 =	rddreg [dreg:$0x1];
	p0 =	sne.s32 s2, $0x0  }
0xff: {  	s3 =	rddreg [dreg:$0x2];
	[bflag:$0x3] =	sbarrier.arrive $0xFFFF;
	s2 =	simm.s32 @!p0 $0x1C03  }
0x100: {  	[timem:s3], [sflag:s2] =	dma.local @!p0 [hbm:s0], s1  }
0x101: {  	s0 =	simm.s32 @!p0 $0x3  }
0x102: {  	_ =	swait.ge @!p0 [sflag:s0], s1  }
0x103: {  	s1 =	ssub.s32 @!p0 $0x0, s1;
	[sflag:s0] =	ssyncset.done @!p0 $0x0  }
0x104: {  	[sflag:s0] =	ssyncadd.s32 @!p0 s1  }
0x105: {  	[bflag:$0x3] =	sbarrier.arrive $0xFFFF  }
0x106: {  	_ =	shalt  }

</sc_bundles>
